<compile_context>
chip_gen: v7x
topology: tpu7x:2x2x1
jax: 0.10.2.dev20260603
libtpu: 0.0.44.dev20260713+nightly
codegen_flags: <defaults>
</compile_context>

<pallas_src>
import dataclasses

import jax
import jax.numpy as jnp
from jax import lax
from jax.experimental import pallas as pl
from jax.experimental.pallas import tpu as pltpu
from jax.experimental.pallas import tpu_sc as plsc

_B, _N, _T, _F = 8, 500, 32, 16
_H = 16
_E = 10000
_BN = _B * _N
_NP = 512



def _sc_adj_body(ei_hbm, adj_hbm, ei_ts, accum):
    f32 = jnp.float32
    k = lax.axis_index("core") * 16 + lax.axis_index("subcore")
    base = k * 16

    pltpu.sync_copy(ei_hbm, ei_ts)

    zeros = jnp.zeros((16,), f32)
    for r in range(16):
        @pl.loop(0, _NP, step=16)
        def _(c, r=r):
            accum.at[r, pl.ds(c, 16)][...] = zeros

    ones = jnp.ones((16,), f32)

    @pl.loop(0, _E, step=16)
    def _(i):
        dstv = ei_ts[1, pl.ds(i, 16)]
        srcv = ei_ts[0, pl.ds(i, 16)]
        mask = jnp.logical_and(dstv >= base, dstv < base + 16)
        row = jnp.where(mask, dstv - base, 0)
        plsc.addupdate_scatter(accum, [row, srcv], ones, mask=mask)

    pltpu.sync_copy(accum, adj_hbm.at[pl.ds(base, 16), :])


def _sc_adj(ei):
    cp = pltpu.CompilerParams()
    if "needs_layout_passes" in pltpu.CompilerParams.__dataclass_fields__:
        cp = dataclasses.replace(cp, needs_layout_passes=False)
    return pl.kernel(
        _sc_adj_body,
        out_type=jax.ShapeDtypeStruct((_NP, _NP), jnp.float32),
        mesh=plsc.VectorSubcoreMesh(core_axis_name="core",
                                    subcore_axis_name="subcore"),
        scratch_types=[pltpu.VMEM((2, _E), jnp.int32),
                       pltpu.VMEM((16, _NP), jnp.float32)],
        compiler_params=cp,
    )(ei)



def _lstm_body(xT_ref, Wp0_ref, Wp1_ref, gW1_ref, gW2_ref,
               L0_ref, L1_ref, L2_ref, L3_ref, y_ref):
    f32 = jnp.float32

    def mm(a, b):
        return jax.lax.dot_general(a, b, (((1,), (0,)), ((), ())),
                                   preferred_element_type=f32)

    def mmh(a, b):
        return jax.lax.dot_general(a, b, (((1,), (0,)), ((), ())),
                                   preferred_element_type=f32,
                                   precision=jax.lax.Precision.HIGHEST)

    m23 = mmh(L2_ref[...], L3_ref[...])
    m123 = mmh(L1_ref[...], m23)
    m = mmh(L0_ref[...], m123)
    w_fold = mmh(gW1_ref[...], mmh(gW2_ref[...], m))
    wT = jnp.transpose(w_fold)

    Wp0 = Wp0_ref[...]
    Wp1 = Wp1_ref[...]

    def sig(v):
        return 0.5 * jnp.tanh(v) + 0.5

    ones_row = jnp.ones((1, _BN), f32)
    h1 = jnp.zeros((_H, _BN), f32)
    c1 = jnp.zeros((_H, _BN), f32)
    h2 = jnp.zeros((_H, _BN), f32)
    c2 = jnp.zeros((_H, _BN), f32)
    ys = []
    for t in range(_T):
        xt = xT_ref[t]
        S = jnp.concatenate([xt, h1, ones_row], axis=0)
        Gt = mm(Wp0, S)
        ig = sig(Gt[0:_H])
        fg = sig(Gt[_H:2 * _H])
        gg = jnp.tanh(Gt[2 * _H:3 * _H])
        og = sig(Gt[3 * _H:4 * _H])
        c1 = fg * c1 + ig * gg
        h1 = og * jnp.tanh(c1)

        S2 = jnp.concatenate([h1, h2, ones_row], axis=0)
        G2 = mm(Wp1, S2)
        i2 = sig(G2[0:_H])
        f2 = sig(G2[_H:2 * _H])
        g2 = jnp.tanh(G2[2 * _H:3 * _H])
        o2 = sig(G2[3 * _H:4 * _H])
        c2 = f2 * c2 + i2 * g2
        h2 = o2 * jnp.tanh(c2)

        ys.append(mmh(wT, h2))

    y_ref[...] = jnp.concatenate(ys, axis=0)



def _graph_body(y_ref, adjp_ref, gW1_ref, gb1_ref, gW2_ref, gb2_ref,
                L0_ref, lb0_ref, L1_ref, lb1_ref, L2_ref, lb2_ref,
                L3_ref, lb3_ref, out_ref):
    f32 = jnp.float32

    def mm(a, b):
        return jax.lax.dot_general(a, b, (((1,), (0,)), ((), ())),
                                   preferred_element_type=f32,
                                   precision=jax.lax.Precision.HIGHEST)

    m23 = mm(L2_ref[...], L3_ref[...])
    m123 = mm(L1_ref[...], m23)
    m = mm(L0_ref[...], m123)
    g2m = mm(gW2_ref[...], m)
    alpha = mm(gb1_ref[...], g2m)
    c_mlp = (mm(lb0_ref[...], m123) + mm(lb1_ref[...], m23)
             + mm(lb2_ref[...], L3_ref[...]) + lb3_ref[...])
    beta = mm(gb2_ref[...], m) + c_mlp

    adj = adjp_ref[...]
    eye = (jax.lax.broadcasted_iota(jnp.int32, (_NP, _NP), 0)
           == jax.lax.broadcasted_iota(jnp.int32, (_NP, _NP), 1)).astype(f32)
    deg_col = jnp.sum(adj, axis=1, keepdims=True) + 2.0
    deg_row = jnp.sum(eye * deg_col, axis=0, keepdims=True)
    ahat = (adj * jax.lax.rsqrt(deg_col) * jax.lax.rsqrt(deg_row)
            + eye * (2.0 / deg_col))
    r_col = jnp.sum(ahat, axis=1, keepdims=True)
    a2 = mm(ahat, ahat)

    Y = y_ref[...]
    Yr = jnp.transpose(Y)
    Yb = jnp.reshape(Yr, (_B, _N, _T))
    zpad = jnp.zeros((_NP - _N, _T), f32)

    zs = []
    for b in range(_B):
        ybp = jnp.concatenate([Yb[b], zpad], axis=0)
        zs.append(mm(a2, ybp)[0:_N][None])
    out = jnp.concatenate(zs, axis=0) + alpha[0, 0] * r_col[0:_N] + beta[0, 0]
    out_ref[...] = out


def kernel(x, edge_index, Wih0, Whh0, bih0, bhh0, Wih1, Whh1, bih1, bhh1,
           gW1, gb1, gW2, gb2, lw0, lb0, lw1, lb1, lw2, lb2, lw3, lb3):
    xT = jnp.transpose(x, (2, 3, 0, 1)).reshape(_T, _F, _BN)
    ei = edge_index.astype(jnp.int32)
    rs = jnp.concatenate([jnp.full((2 * _H, 1), 0.5, jnp.float32),
                          jnp.ones((_H, 1), jnp.float32),
                          jnp.full((_H, 1), 0.5, jnp.float32)], axis=0)
    Wp0 = jnp.concatenate([Wih0, Whh0, (bih0 + bhh0).reshape(4 * _H, 1)],
                          axis=1) * rs
    Wp1 = jnp.concatenate([Wih1, Whh1, (bih1 + bhh1).reshape(4 * _H, 1)],
                          axis=1) * rs

    adjp = _sc_adj(ei)

    y = pl.pallas_call(
        _lstm_body,
        out_shape=jax.ShapeDtypeStruct((_T, _BN), jnp.float32),
    )(xT, Wp0, Wp1, gW1, gW2, lw0.T, lw1.T, lw2.T, lw3.T)

    out = pl.pallas_call(
        _graph_body,
        out_shape=jax.ShapeDtypeStruct((_B, _N, _T), jnp.float32),
    )(y, adjp, gW1, gb1.reshape(1, _H), gW2, gb2.reshape(1, 16),
      lw0.T, lb0.reshape(1, 16), lw1.T, lb1.reshape(1, 8),
      lw2.T, lb2.reshape(1, 4), lw3.T, lb3.reshape(1, 1))

    return out

# --- scband reference (transcript-rebuilt; emitter-appended) ---
"""Pipeline reference for scband-gcn-lstm-45664092291187 (READ-ONLY COPY).

The authoritative reference and input builder live on the scoring server;
editing this copy changes nothing except your own understanding.
"""

import jax, jax.numpy as jnp
import numpy as np

B, N, T, F_IN = 8, 500, 32, 16
H = 16
E = 10000

def _param(key, shape, scale=0.1):
    return jax.random.normal(key, shape, dtype=jnp.float32) * scale

def setup_inputs(seed: int = 0):
    key = jax.random.key(seed)
    ks = jax.random.split(key, 24)
    inp = {}
    inp["x"] = jax.random.normal(ks[0], (B, N, T, F_IN), dtype=jnp.float32)
    inp["edge_index"] = jax.random.randint(ks[1], (2, E), 0, N)
    inp["Wih0"] = _param(ks[2], (4 * H, F_IN))
    inp["Whh0"] = _param(ks[3], (4 * H, H))
    inp["bih0"] = _param(ks[4], (4 * H,))
    inp["bhh0"] = _param(ks[5], (4 * H,))
    inp["Wih1"] = _param(ks[6], (4 * H, H))
    inp["Whh1"] = _param(ks[7], (4 * H, H))
    inp["bih1"] = _param(ks[8], (4 * H,))
    inp["bhh1"] = _param(ks[9], (4 * H,))
    inp["gW1"] = _param(ks[10], (H, 16))
    inp["gb1"] = _param(ks[11], (16,))
    inp["gW2"] = _param(ks[12], (16, 16))
    inp["gb2"] = _param(ks[13], (16,))
    inp["lw0"] = _param(ks[14], (16, 16))
    inp["lb0"] = _param(ks[15], (16,))
    inp["lw1"] = _param(ks[16], (8, 16))
    inp["lb1"] = _param(ks[17], (8,))
    inp["lw2"] = _param(ks[18], (4, 8))
    inp["lb2"] = _param(ks[19], (4,))
    inp["lw3"] = _param(ks[20], (1, 4))
    inp["lb3"] = _param(ks[21], (1,))
    return inp

def _lstm_layer(xs, Wih, Whh, bih, bhh):
    Bn = xs.shape[0]
    Hh = Whh.shape[1]
    def step(carry, xt):
        h, c = carry
        g = xt @ Wih.T + h @ Whh.T + bih + bhh
        i, f, gg, o = jnp.split(g, 4, axis=-1)
        i = jax.nn.sigmoid(i)
        f = jax.nn.sigmoid(f)
        gg = jnp.tanh(gg)
        o = jax.nn.sigmoid(o)
        c = f * c + i * gg
        h = o * jnp.tanh(c)
        return (h, c), h
    h0 = jnp.zeros((Bn, Hh), xs.dtype)
    (_h, _c), ys = jax.lax.scan(step, (h0, h0), jnp.swapaxes(xs, 0, 1))
    return jnp.swapaxes(ys, 0, 1)

def _gcn_conv(h, src, dst, n_total, W, b):
    x = h @ W
    deg = jnp.zeros((n_total,), x.dtype).at[dst].add(1.0) + 2.0
    dinv = jax.lax.rsqrt(deg)
    norm = dinv[src] * dinv[dst]
    agg = jnp.zeros_like(x).at[dst].add(x[src] * norm[:, None])
    agg = agg + x * (2.0 / deg)[:, None]
    return agg + b

def reference(x, edge_index, Wih0, Whh0, bih0, bhh0, Wih1, Whh1, bih1, bhh1, gW1, gb1, gW2, gb2, lw0, lb0, lw1, lb1, lw2, lb2, lw3, lb3):
    batch, n_stocks, time, feats = x.shape
    seq = x.reshape(batch * n_stocks, time, feats)
    h = _lstm_layer(seq, Wih0, Whh0, bih0, bhh0)
    h = _lstm_layer(h, Wih1, Whh1, bih1, bhh1)
    nf = h.reshape(batch, n_stocks, time, H).transpose(0, 2, 1, 3).reshape(batch * time * n_stocks, H)
    G = batch * time
    offsets = jnp.arange(G, dtype=edge_index.dtype) * n_stocks
    ei = (edge_index[:, None, :] + offsets[None, :, None]).reshape(2, -1)
    src, dst = ei[0], ei[1]
    n_total = batch * time * n_stocks
    nf = _gcn_conv(nf, src, dst, n_total, gW1, gb1)
    nf = _gcn_conv(nf, src, dst, n_total, gW2, gb2)
    out = nf @ lw0.T + lb0
    out = out @ lw1.T + lb1
    out = out @ lw2.T + lb2
    out = out @ lw3.T + lb3
    out = out[:, 0]
    return out.reshape(batch, time, n_stocks).transpose(0, 2, 1)

if __name__ == "__main__":
    import jax
    _d = setup_inputs()
    print(jax.jit(kernel)(*tuple(_d.values())))

</pallas_src>

<mosaic_0001>
#map = affine_map<(d0, d1) -> (0, 0)>
module attributes {stable_mosaic.version = 14 : i64} {
  func.func @_sc_adj_body(%arg0: i32, %arg1: i32, %arg2: memref<2x10000xi32, #tpu.memory_space<hbm>>, %arg3: memref<512x512xf32, #tpu.memory_space<hbm>>, %arg4: memref<2x10000xi32, #tpu.memory_space<vmem>>, %arg5: memref<16x512xf32, #tpu.memory_space<vmem>>) attributes {dimension_semantics = [#tpu.dimension_semantics<core_parallel>, #tpu.dimension_semantics<subcore_parallel>], iteration_bounds = array<i64: 2, 16>, scalar_prefetch = 0 : i64, scratch_operands = 2 : i64, tpu.core_type = #tpu.core_type<sc_vector_subcore>, window_params = [{transform_indices = #map}, {transform_indices = #map}]} {
    %mul3A = arith.constant 16 : i32
    %mul3A_0 = arith.muli %arg0, %mul3A : i32
    %add3A = arith.addi %mul3A_0, %arg1 : i32
    %mul3A_1 = arith.constant 16 : i32
    %mul3A_2 = arith.muli %add3A, %mul3A_1 : i32
    "tpu.region"() ({
      %run_scoped3A = tpu.sem_alloc : memref<!tpu.dma_semaphore, #tpu.memory_space<semaphore_mem>>
      tpu.enqueue_dma source(%arg2 : memref<2x10000xi32, #tpu.memory_space<hbm>>) target(%arg4 : memref<2x10000xi32, #tpu.memory_space<vmem>>) target_semaphore(%run_scoped3A : memref<!tpu.dma_semaphore, #tpu.memory_space<semaphore_mem>>)
      tpu.wait_dma2 semaphore(%run_scoped3A : memref<!tpu.dma_semaphore, #tpu.memory_space<semaphore_mem>>) src(%arg2 : memref<2x10000xi32, #tpu.memory_space<hbm>>) dst(%arg4 : memref<2x10000xi32, #tpu.memory_space<vmem>>)
      tpu.yield
    }) : () -> ()
    %broadcast_in_dim3A = arith.constant 0.000000e+00 : f32
    %broadcast_in_dim3A_3 = vector.broadcast %broadcast_in_dim3A : f32 to vector<16xf32>
    %scan3A = arith.constant 0 : i32
    %scan3A_4 = arith.constant 32 : i32
    %scan3A_5 = arith.addi %scan3A, %scan3A_4 : i32
    %scan3A_6 = arith.constant 1 : i32
    scf.for %scan3A_90 = %scan3A to %scan3A_5 step %scan3A_6  : i32 {
      %mul3A_91 = arith.constant 16 : i32
      %mul3A_92 = arith.muli %scan3A_90, %mul3A_91 : i32
      %add3A_93 = arith.constant 0 : i32
      %add3A_94 = arith.addi %add3A_93, %mul3A_92 : i32
      %swap3A = arith.constant 0 : i32
      %swap3A_95 = arith.index_cast %swap3A : i32 to index
      %swap3A_96 = arith.index_cast %add3A_94 : i32 to index
      %swap3A_97 = tpu.vector_load %arg5[%swap3A_95, %swap3A_96] {strides = array<i32>} : memref<16x512xf32, #tpu.memory_space<vmem>>, vector<16xf32>,
      tpu.vector_store %arg5[%swap3A_95, %swap3A_96], %broadcast_in_dim3A_3 {strides = array<i32>} : memref<16x512xf32, #tpu.memory_space<vmem>>, vector<16xf32>,
    }
    %scan3A_7 = arith.constant 32 : i32
    %scan3A_8 = arith.constant 0 : i32
    %scan3A_9 = arith.constant 32 : i32
    %scan3A_10 = arith.addi %scan3A_8, %scan3A_9 : i32
    %scan3A_11 = arith.constant 1 : i32
    scf.for %scan3A_90 = %scan3A_8 to %scan3A_10 step %scan3A_11  : i32 {
      %mul3A_91 = arith.constant 16 : i32
      %mul3A_92 = arith.muli %scan3A_90, %mul3A_91 : i32
      %add3A_93 = arith.constant 0 : i32
      %add3A_94 = arith.addi %add3A_93, %mul3A_92 : i32
      %swap3A = arith.constant 1 : i32
      %swap3A_95 = arith.index_cast %swap3A : i32 to index
      %swap3A_96 = arith.index_cast %add3A_94 : i32 to index
      %swap3A_97 = tpu.vector_load %arg5[%swap3A_95, %swap3A_96] {strides = array<i32>} : memref<16x512xf32, #tpu.memory_space<vmem>>, vector<16xf32>,
      tpu.vector_store %arg5[%swap3A_95, %swap3A_96], %broadcast_in_dim3A_3 {strides = array<i32>} : memref<16x512xf32, #tpu.memory_space<vmem>>, vector<16xf32>,
    }
    %scan3A_12 = arith.constant 32 : i32
    %scan3A_13 = arith.constant 0 : i32
    %scan3A_14 = arith.constant 32 : i32
    %scan3A_15 = arith.addi %scan3A_13, %scan3A_14 : i32
    %scan3A_16 = arith.constant 1 : i32
    scf.for %scan3A_90 = %scan3A_13 to %scan3A_15 step %scan3A_16  : i32 {
      %mul3A_91 = arith.constant 16 : i32
      %mul3A_92 = arith.muli %scan3A_90, %mul3A_91 : i32
      %add3A_93 = arith.constant 0 : i32
      %add3A_94 = arith.addi %add3A_93, %mul3A_92 : i32
      %swap3A = arith.constant 2 : i32
      %swap3A_95 = arith.index_cast %swap3A : i32 to index
      %swap3A_96 = arith.index_cast %add3A_94 : i32 to index
      %swap3A_97 = tpu.vector_load %arg5[%swap3A_95, %swap3A_96] {strides = array<i32>} : memref<16x512xf32, #tpu.memory_space<vmem>>, vector<16xf32>,
      tpu.vector_store %arg5[%swap3A_95, %swap3A_96], %broadcast_in_dim3A_3 {strides = array<i32>} : memref<16x512xf32, #tpu.memory_space<vmem>>, vector<16xf32>,
    }
    %scan3A_17 = arith.constant 32 : i32
    %scan3A_18 = arith.constant 0 : i32
    %scan3A_19 = arith.constant 32 : i32
    %scan3A_20 = arith.addi %scan3A_18, %scan3A_19 : i32
    %scan3A_21 = arith.constant 1 : i32
    scf.for %scan3A_90 = %scan3A_18 to %scan3A_20 step %scan3A_21  : i32 {
      %mul3A_91 = arith.constant 16 : i32
      %mul3A_92 = arith.muli %scan3A_90, %mul3A_91 : i32
      %add3A_93 = arith.constant 0 : i32
      %add3A_94 = arith.addi %add3A_93, %mul3A_92 : i32
      %swap3A = arith.constant 3 : i32
      %swap3A_95 = arith.index_cast %swap3A : i32 to index
      %swap3A_96 = arith.index_cast %add3A_94 : i32 to index
      %swap3A_97 = tpu.vector_load %arg5[%swap3A_95, %swap3A_96] {strides = array<i32>} : memref<16x512xf32, #tpu.memory_space<vmem>>, vector<16xf32>,
      tpu.vector_store %arg5[%swap3A_95, %swap3A_96], %broadcast_in_dim3A_3 {strides = array<i32>} : memref<16x512xf32, #tpu.memory_space<vmem>>, vector<16xf32>,
    }
    %scan3A_22 = arith.constant 32 : i32
    %scan3A_23 = arith.constant 0 : i32
    %scan3A_24 = arith.constant 32 : i32
    %scan3A_25 = arith.addi %scan3A_23, %scan3A_24 : i32
    %scan3A_26 = arith.constant 1 : i32
    scf.for %scan3A_90 = %scan3A_23 to %scan3A_25 step %scan3A_26  : i32 {
      %mul3A_91 = arith.constant 16 : i32
      %mul3A_92 = arith.muli %scan3A_90, %mul3A_91 : i32
      %add3A_93 = arith.constant 0 : i32
      %add3A_94 = arith.addi %add3A_93, %mul3A_92 : i32
      %swap3A = arith.constant 4 : i32
      %swap3A_95 = arith.index_cast %swap3A : i32 to index
      %swap3A_96 = arith.index_cast %add3A_94 : i32 to index
      %swap3A_97 = tpu.vector_load %arg5[%swap3A_95, %swap3A_96] {strides = array<i32>} : memref<16x512xf32, #tpu.memory_space<vmem>>, vector<16xf32>,
      tpu.vector_store %arg5[%swap3A_95, %swap3A_96], %broadcast_in_dim3A_3 {strides = array<i32>} : memref<16x512xf32, #tpu.memory_space<vmem>>, vector<16xf32>,
    }
    %scan3A_27 = arith.constant 32 : i32
    %scan3A_28 = arith.constant 0 : i32
    %scan3A_29 = arith.constant 32 : i32
    %scan3A_30 = arith.addi %scan3A_28, %scan3A_29 : i32
    %scan3A_31 = arith.constant 1 : i32
    scf.for %scan3A_90 = %scan3A_28 to %scan3A_30 step %scan3A_31  : i32 {
      %mul3A_91 = arith.constant 16 : i32
      %mul3A_92 = arith.muli %scan3A_90, %mul3A_91 : i32
      %add3A_93 = arith.constant 0 : i32
      %add3A_94 = arith.addi %add3A_93, %mul3A_92 : i32
      %swap3A = arith.constant 5 : i32
      %swap3A_95 = arith.index_cast %swap3A : i32 to index
      %swap3A_96 = arith.index_cast %add3A_94 : i32 to index
      %swap3A_97 = tpu.vector_load %arg5[%swap3A_95, %swap3A_96] {strides = array<i32>} : memref<16x512xf32, #tpu.memory_space<vmem>>, vector<16xf32>,
      tpu.vector_store %arg5[%swap3A_95, %swap3A_96], %broadcast_in_dim3A_3 {strides = array<i32>} : memref<16x512xf32, #tpu.memory_space<vmem>>, vector<16xf32>,
    }
    %scan3A_32 = arith.constant 32 : i32
    %scan3A_33 = arith.constant 0 : i32
    %scan3A_34 = arith.constant 32 : i32
    %scan3A_35 = arith.addi %scan3A_33, %scan3A_34 : i32
    %scan3A_36 = arith.constant 1 : i32
    scf.for %scan3A_90 = %scan3A_33 to %scan3A_35 step %scan3A_36  : i32 {
      %mul3A_91 = arith.constant 16 : i32
      %mul3A_92 = arith.muli %scan3A_90, %mul3A_91 : i32
      %add3A_93 = arith.constant 0 : i32
      %add3A_94 = arith.addi %add3A_93, %mul3A_92 : i32
      %swap3A = arith.constant 6 : i32
      %swap3A_95 = arith.index_cast %swap3A : i32 to index
      %swap3A_96 = arith.index_cast %add3A_94 : i32 to index
      %swap3A_97 = tpu.vector_load %arg5[%swap3A_95, %swap3A_96] {strides = array<i32>} : memref<16x512xf32, #tpu.memory_space<vmem>>, vector<16xf32>,
      tpu.vector_store %arg5[%swap3A_95, %swap3A_96], %broadcast_in_dim3A_3 {strides = array<i32>} : memref<16x512xf32, #tpu.memory_space<vmem>>, vector<16xf32>,
    }
    %scan3A_37 = arith.constant 32 : i32
    %scan3A_38 = arith.constant 0 : i32
    %scan3A_39 = arith.constant 32 : i32
    %scan3A_40 = arith.addi %scan3A_38, %scan3A_39 : i32
    %scan3A_41 = arith.constant 1 : i32
    scf.for %scan3A_90 = %scan3A_38 to %scan3A_40 step %scan3A_41  : i32 {
      %mul3A_91 = arith.constant 16 : i32
      %mul3A_92 = arith.muli %scan3A_90, %mul3A_91 : i32
      %add3A_93 = arith.constant 0 : i32
      %add3A_94 = arith.addi %add3A_93, %mul3A_92 : i32
      %swap3A = arith.constant 7 : i32
      %swap3A_95 = arith.index_cast %swap3A : i32 to index
      %swap3A_96 = arith.index_cast %add3A_94 : i32 to index
      %swap3A_97 = tpu.vector_load %arg5[%swap3A_95, %swap3A_96] {strides = array<i32>} : memref<16x512xf32, #tpu.memory_space<vmem>>, vector<16xf32>,
      tpu.vector_store %arg5[%swap3A_95, %swap3A_96], %broadcast_in_dim3A_3 {strides = array<i32>} : memref<16x512xf32, #tpu.memory_space<vmem>>, vector<16xf32>,
    }
    %scan3A_42 = arith.constant 32 : i32
    %scan3A_43 = arith.constant 0 : i32
    %scan3A_44 = arith.constant 32 : i32
    %scan3A_45 = arith.addi %scan3A_43, %scan3A_44 : i32
    %scan3A_46 = arith.constant 1 : i32
    scf.for %scan3A_90 = %scan3A_43 to %scan3A_45 step %scan3A_46  : i32 {
      %mul3A_91 = arith.constant 16 : i32
      %mul3A_92 = arith.muli %scan3A_90, %mul3A_91 : i32
      %add3A_93 = arith.constant 0 : i32
      %add3A_94 = arith.addi %add3A_93, %mul3A_92 : i32
      %swap3A = arith.constant 8 : i32
      %swap3A_95 = arith.index_cast %swap3A : i32 to index
      %swap3A_96 = arith.index_cast %add3A_94 : i32 to index
      %swap3A_97 = tpu.vector_load %arg5[%swap3A_95, %swap3A_96] {strides = array<i32>} : memref<16x512xf32, #tpu.memory_space<vmem>>, vector<16xf32>,
      tpu.vector_store %arg5[%swap3A_95, %swap3A_96], %broadcast_in_dim3A_3 {strides = array<i32>} : memref<16x512xf32, #tpu.memory_space<vmem>>, vector<16xf32>,
    }
    %scan3A_47 = arith.constant 32 : i32
    %scan3A_48 = arith.constant 0 : i32
    %scan3A_49 = arith.constant 32 : i32
    %scan3A_50 = arith.addi %scan3A_48, %scan3A_49 : i32
    %scan3A_51 = arith.constant 1 : i32
    scf.for %scan3A_90 = %scan3A_48 to %scan3A_50 step %scan3A_51  : i32 {
      %mul3A_91 = arith.constant 16 : i32
      %mul3A_92 = arith.muli %scan3A_90, %mul3A_91 : i32
      %add3A_93 = arith.constant 0 : i32
      %add3A_94 = arith.addi %add3A_93, %mul3A_92 : i32
      %swap3A = arith.constant 9 : i32
      %swap3A_95 = arith.index_cast %swap3A : i32 to index
      %swap3A_96 = arith.index_cast %add3A_94 : i32 to index
      %swap3A_97 = tpu.vector_load %arg5[%swap3A_95, %swap3A_96] {strides = array<i32>} : memref<16x512xf32, #tpu.memory_space<vmem>>, vector<16xf32>,
      tpu.vector_store %arg5[%swap3A_95, %swap3A_96], %broadcast_in_dim3A_3 {strides = array<i32>} : memref<16x512xf32, #tpu.memory_space<vmem>>, vector<16xf32>,
    }
    %scan3A_52 = arith.constant 32 : i32
    %scan3A_53 = arith.constant 0 : i32
    %scan3A_54 = arith.constant 32 : i32
    %scan3A_55 = arith.addi %scan3A_53, %scan3A_54 : i32
    %scan3A_56 = arith.constant 1 : i32
    scf.for %scan3A_90 = %scan3A_53 to %scan3A_55 step %scan3A_56  : i32 {
      %mul3A_91 = arith.constant 16 : i32
      %mul3A_92 = arith.muli %scan3A_90, %mul3A_91 : i32
      %add3A_93 = arith.constant 0 : i32
      %add3A_94 = arith.addi %add3A_93, %mul3A_92 : i32
      %swap3A = arith.constant 10 : i32
      %swap3A_95 = arith.index_cast %swap3A : i32 to index
      %swap3A_96 = arith.index_cast %add3A_94 : i32 to index
      %swap3A_97 = tpu.vector_load %arg5[%swap3A_95, %swap3A_96] {strides = array<i32>} : memref<16x512xf32, #tpu.memory_space<vmem>>, vector<16xf32>,
      tpu.vector_store %arg5[%swap3A_95, %swap3A_96], %broadcast_in_dim3A_3 {strides = array<i32>} : memref<16x512xf32, #tpu.memory_space<vmem>>, vector<16xf32>,
    }
    %scan3A_57 = arith.constant 32 : i32
    %scan3A_58 = arith.constant 0 : i32
    %scan3A_59 = arith.constant 32 : i32
    %scan3A_60 = arith.addi %scan3A_58, %scan3A_59 : i32
    %scan3A_61 = arith.constant 1 : i32
    scf.for %scan3A_90 = %scan3A_58 to %scan3A_60 step %scan3A_61  : i32 {
      %mul3A_91 = arith.constant 16 : i32
      %mul3A_92 = arith.muli %scan3A_90, %mul3A_91 : i32
      %add3A_93 = arith.constant 0 : i32
      %add3A_94 = arith.addi %add3A_93, %mul3A_92 : i32
      %swap3A = arith.constant 11 : i32
      %swap3A_95 = arith.index_cast %swap3A : i32 to index
      %swap3A_96 = arith.index_cast %add3A_94 : i32 to index
      %swap3A_97 = tpu.vector_load %arg5[%swap3A_95, %swap3A_96] {strides = array<i32>} : memref<16x512xf32, #tpu.memory_space<vmem>>, vector<16xf32>,
      tpu.vector_store %arg5[%swap3A_95, %swap3A_96], %broadcast_in_dim3A_3 {strides = array<i32>} : memref<16x512xf32, #tpu.memory_space<vmem>>, vector<16xf32>,
    }
    %scan3A_62 = arith.constant 32 : i32
    %scan3A_63 = arith.constant 0 : i32
    %scan3A_64 = arith.constant 32 : i32
    %scan3A_65 = arith.addi %scan3A_63, %scan3A_64 : i32
    %scan3A_66 = arith.constant 1 : i32
    scf.for %scan3A_90 = %scan3A_63 to %scan3A_65 step %scan3A_66  : i32 {
      %mul3A_91 = arith.constant 16 : i32
      %mul3A_92 = arith.muli %scan3A_90, %mul3A_91 : i32
      %add3A_93 = arith.constant 0 : i32
      %add3A_94 = arith.addi %add3A_93, %mul3A_92 : i32
      %swap3A = arith.constant 12 : i32
      %swap3A_95 = arith.index_cast %swap3A : i32 to index
      %swap3A_96 = arith.index_cast %add3A_94 : i32 to index
      %swap3A_97 = tpu.vector_load %arg5[%swap3A_95, %swap3A_96] {strides = array<i32>} : memref<16x512xf32, #tpu.memory_space<vmem>>, vector<16xf32>,
      tpu.vector_store %arg5[%swap3A_95, %swap3A_96], %broadcast_in_dim3A_3 {strides = array<i32>} : memref<16x512xf32, #tpu.memory_space<vmem>>, vector<16xf32>,
    }
    %scan3A_67 = arith.constant 32 : i32
    %scan3A_68 = arith.constant 0 : i32
    %scan3A_69 = arith.constant 32 : i32
    %scan3A_70 = arith.addi %scan3A_68, %scan3A_69 : i32
    %scan3A_71 = arith.constant 1 : i32
    scf.for %scan3A_90 = %scan3A_68 to %scan3A_70 step %scan3A_71  : i32 {
      %mul3A_91 = arith.constant 16 : i32
      %mul3A_92 = arith.muli %scan3A_90, %mul3A_91 : i32
      %add3A_93 = arith.constant 0 : i32
      %add3A_94 = arith.addi %add3A_93, %mul3A_92 : i32
      %swap3A = arith.constant 13 : i32
      %swap3A_95 = arith.index_cast %swap3A : i32 to index
      %swap3A_96 = arith.index_cast %add3A_94 : i32 to index
      %swap3A_97 = tpu.vector_load %arg5[%swap3A_95, %swap3A_96] {strides = array<i32>} : memref<16x512xf32, #tpu.memory_space<vmem>>, vector<16xf32>,
      tpu.vector_store %arg5[%swap3A_95, %swap3A_96], %broadcast_in_dim3A_3 {strides = array<i32>} : memref<16x512xf32, #tpu.memory_space<vmem>>, vector<16xf32>,
    }
    %scan3A_72 = arith.constant 32 : i32
    %scan3A_73 = arith.constant 0 : i32
    %scan3A_74 = arith.constant 32 : i32
    %scan3A_75 = arith.addi %scan3A_73, %scan3A_74 : i32
    %scan3A_76 = arith.constant 1 : i32
    scf.for %scan3A_90 = %scan3A_73 to %scan3A_75 step %scan3A_76  : i32 {
      %mul3A_91 = arith.constant 16 : i32
      %mul3A_92 = arith.muli %scan3A_90, %mul3A_91 : i32
      %add3A_93 = arith.constant 0 : i32
      %add3A_94 = arith.addi %add3A_93, %mul3A_92 : i32
      %swap3A = arith.constant 14 : i32
      %swap3A_95 = arith.index_cast %swap3A : i32 to index
      %swap3A_96 = arith.index_cast %add3A_94 : i32 to index
      %swap3A_97 = tpu.vector_load %arg5[%swap3A_95, %swap3A_96] {strides = array<i32>} : memref<16x512xf32, #tpu.memory_space<vmem>>, vector<16xf32>,
      tpu.vector_store %arg5[%swap3A_95, %swap3A_96], %broadcast_in_dim3A_3 {strides = array<i32>} : memref<16x512xf32, #tpu.memory_space<vmem>>, vector<16xf32>,
    }
    %scan3A_77 = arith.constant 32 : i32
    %scan3A_78 = arith.constant 0 : i32
    %scan3A_79 = arith.constant 32 : i32
    %scan3A_80 = arith.addi %scan3A_78, %scan3A_79 : i32
    %scan3A_81 = arith.constant 1 : i32
    scf.for %scan3A_90 = %scan3A_78 to %scan3A_80 step %scan3A_81  : i32 {
      %mul3A_91 = arith.constant 16 : i32
      %mul3A_92 = arith.muli %scan3A_90, %mul3A_91 : i32
      %add3A_93 = arith.constant 0 : i32
      %add3A_94 = arith.addi %add3A_93, %mul3A_92 : i32
      %swap3A = arith.constant 15 : i32
      %swap3A_95 = arith.index_cast %swap3A : i32 to index
      %swap3A_96 = arith.index_cast %add3A_94 : i32 to index
      %swap3A_97 = tpu.vector_load %arg5[%swap3A_95, %swap3A_96] {strides = array<i32>} : memref<16x512xf32, #tpu.memory_space<vmem>>, vector<16xf32>,
      tpu.vector_store %arg5[%swap3A_95, %swap3A_96], %broadcast_in_dim3A_3 {strides = array<i32>} : memref<16x512xf32, #tpu.memory_space<vmem>>, vector<16xf32>,
    }
    %scan3A_82 = arith.constant 32 : i32
    %broadcast_in_dim3A_83 = arith.constant 1.000000e+00 : f32
    %broadcast_in_dim3A_84 = vector.broadcast %broadcast_in_dim3A_83 : f32 to vector<16xf32>
    %scan3A_85 = arith.constant 0 : i32
    %scan3A_86 = arith.constant 625 : i32
    %scan3A_87 = arith.addi %scan3A_85, %scan3A_86 : i32
    %scan3A_88 = arith.constant 1 : i32
    scf.for %scan3A_90 = %scan3A_85 to %scan3A_87 step %scan3A_88  : i32 {
      %mul3A_91 = arith.constant 16 : i32
      %mul3A_92 = arith.muli %scan3A_90, %mul3A_91 : i32
      %add3A_93 = arith.constant 0 : i32
      %add3A_94 = arith.addi %add3A_93, %mul3A_92 : i32
      %get3A = arith.constant 1 : i32
      %get3A_95 = arith.index_cast %get3A : i32 to index
      %get3A_96 = arith.index_cast %add3A_94 : i32 to index
      %get3A_97 = tpu.vector_load %arg4[%get3A_95, %get3A_96] {strides = array<i32>} : memref<2x10000xi32, #tpu.memory_space<vmem>>, vector<16xi32>,
      %get3A_98 = arith.constant 0 : i32
      %get3A_99 = arith.index_cast %get3A_98 : i32 to index
      %get3A_100 = arith.index_cast %add3A_94 : i32 to index
      %get3A_101 = tpu.vector_load %arg4[%get3A_99, %get3A_100] {strides = array<i32>} : memref<2x10000xi32, #tpu.memory_space<vmem>>, vector<16xi32>,
      %ge3A = vector.broadcast %mul3A_2 : i32 to vector<16xi32>
      %ge3A_102 = arith.cmpi sge, %get3A_97, %ge3A : vector<16xi32>
      %add3A_103 = arith.constant 16 : i32
      %add3A_104 = arith.addi %mul3A_2, %add3A_103 : i32
      %lt3A = vector.broadcast %add3A_104 : i32 to vector<16xi32>
      %lt3A_105 = arith.cmpi slt, %get3A_97, %lt3A : vector<16xi32>
      %and3A = arith.andi %ge3A_102, %lt3A_105 : vector<16xi1>
      %sub3A = vector.broadcast %mul3A_2 : i32 to vector<16xi32>
      %sub3A_106 = arith.subi %get3A_97, %sub3A : vector<16xi32>
      %jit3A = arith.constant 0 : i32
      %broadcast_in_dim3A_107 = vector.broadcast %jit3A : i32 to vector<16xi32>
      %select_n3A = arith.select %and3A, %sub3A_106, %broadcast_in_dim3A_107 : vector<16xi1>, vector<16xi32>
      tpu.vector_store_idx %arg5[%select_n3A, %get3A_101], %broadcast_in_dim3A_84 masked %and3A {add = true} : memref<16x512xf32, #tpu.memory_space<vmem>>[vector<16xi32>, vector<16xi32>], vector<16xf32>, vector<16xi1>
    }
    %scan3A_89 = arith.constant 625 : i32
    "tpu.region"() ({
      %run_scoped3A = tpu.sem_alloc : memref<!tpu.dma_semaphore, #tpu.memory_space<semaphore_mem>>
      %dma_start3A = arith.constant 0 : i32
      %dma_start3A_90 = tpu.memref_slice %arg3[%mul3A_2, %dma_start3A] : memref<512x512xf32, #tpu.memory_space<hbm>> -> memref<16x512xf32, #tpu.memory_space<hbm>>
      %dma_start3A_91 = arith.constant 0 : i32
      %dma_start3A_92 = tpu.memref_slice %arg3[%mul3A_2, %dma_start3A_91] : memref<512x512xf32, #tpu.memory_space<hbm>> -> memref<16x512xf32, #tpu.memory_space<hbm>>
      tpu.enqueue_dma source(%arg5 : memref<16x512xf32, #tpu.memory_space<vmem>>) target(%dma_start3A_92 : memref<16x512xf32, #tpu.memory_space<hbm>>) target_semaphore(%run_scoped3A : memref<!tpu.dma_semaphore, #tpu.memory_space<semaphore_mem>>)
      %dma_wait3A = arith.constant 0 : i32
      %dma_wait3A_93 = tpu.memref_slice %arg3[%mul3A_2, %dma_wait3A] : memref<512x512xf32, #tpu.memory_space<hbm>> -> memref<16x512xf32, #tpu.memory_space<hbm>>
      %dma_wait3A_94 = arith.constant 0 : i32
      %dma_wait3A_95 = tpu.memref_slice %arg3[%mul3A_2, %dma_wait3A_94] : memref<512x512xf32, #tpu.memory_space<hbm>> -> memref<16x512xf32, #tpu.memory_space<hbm>>
      tpu.wait_dma2 semaphore(%run_scoped3A : memref<!tpu.dma_semaphore, #tpu.memory_space<semaphore_mem>>) src(%arg5 : memref<16x512xf32, #tpu.memory_space<vmem>>) dst(%dma_wait3A_95 : memref<16x512xf32, #tpu.memory_space<hbm>>)
      tpu.yield
    }) : () -> ()
    return
  }
}

module attributes {stable_mosaic.version = 14 : i64} {
  func.func @_graph_body(%arg0: memref<32x4000xf32, #tpu.memory_space<vmem>>, %arg1: memref<512x512xf32, #tpu.memory_space<vmem>>, %arg2: memref<16x16xf32, #tpu.memory_space<vmem>>, %arg3: memref<1x16xf32, #tpu.memory_space<vmem>>, %arg4: memref<16x16xf32, #tpu.memory_space<vmem>>, %arg5: memref<1x16xf32, #tpu.memory_space<vmem>>, %arg6: memref<16x16xf32, #tpu.memory_space<vmem>>, %arg7: memref<1x16xf32, #tpu.memory_space<vmem>>, %arg8: memref<16x8xf32, #tpu.memory_space<vmem>>, %arg9: memref<1x8xf32, #tpu.memory_space<vmem>>, %arg10: memref<8x4xf32, #tpu.memory_space<vmem>>, %arg11: memref<1x4xf32, #tpu.memory_space<vmem>>, %arg12: memref<4x1xf32, #tpu.memory_space<vmem>>, %arg13: memref<1x1xf32, #tpu.memory_space<vmem>>, %arg14: memref<8x500x32xf32, #tpu.memory_space<vmem>>) attributes {dimension_semantics = [], scalar_prefetch = 0 : i64, scratch_operands = 0 : i64, tpu.core_type = #tpu.core_type<tc>} {
    %get3A = arith.constant 0 : index
    %get3A_0 = arith.constant 0 : index
    %get3A_1 = vector.load %arg10[%get3A, %get3A_0] : memref<8x4xf32, #tpu.memory_space<vmem>>, vector<8x4xf32>
    %get3A_2 = arith.constant 0 : index
    %get3A_3 = arith.constant 0 : index
    %get3A_4 = vector.load %arg12[%get3A_2, %get3A_3] : memref<4x1xf32, #tpu.memory_space<vmem>>, vector<4x1xf32>
    %dot_general3A = arith.constant dense<0.000000e+00> : vector<8x1xf32>
    %dot_general3A_5 = tpu.matmul %get3A_1, %get3A_4, %dot_general3A {dimension_numbers = #tpu.dot_dimension_numbers<[1], [0], [0], [1], [0, 0, 1, 1], [], []>, precision = #tpu.contract_precision<fp32>, transpose_lhs_hint = false} : vector<8x4xf32>, vector<4x1xf32>, vector<8x1xf32> -> vector<8x1xf32>
    %get3A_6 = arith.constant 0 : index
    %get3A_7 = arith.constant 0 : index
    %get3A_8 = vector.load %arg8[%get3A_6, %get3A_7] : memref<16x8xf32, #tpu.memory_space<vmem>>, vector<16x8xf32>
    %dot_general3A_9 = arith.constant dense<0.000000e+00> : vector<16x1xf32>
    %dot_general3A_10 = tpu.matmul %get3A_8, %dot_general3A_5, %dot_general3A_9 {dimension_numbers = #tpu.dot_dimension_numbers<[1], [0], [0], [1], [0, 0, 1, 1], [], []>, precision = #tpu.contract_precision<fp32>, transpose_lhs_hint = false} : vector<16x8xf32>, vector<8x1xf32>, vector<16x1xf32> -> vector<16x1xf32>
    %get3A_11 = arith.constant 0 : index
    %get3A_12 = arith.constant 0 : index
    %get3A_13 = vector.load %arg6[%get3A_11, %get3A_12] : memref<16x16xf32, #tpu.memory_space<vmem>>, vector<16x16xf32>
    %dot_general3A_14 = arith.constant dense<0.000000e+00> : vector<16x1xf32>
    %dot_general3A_15 = tpu.matmul %get3A_13, %dot_general3A_10, %dot_general3A_14 {dimension_numbers = #tpu.dot_dimension_numbers<[1], [0], [0], [1], [0, 0, 1, 1], [], []>, precision = #tpu.contract_precision<fp32>, transpose_lhs_hint = false} : vector<16x16xf32>, vector<16x1xf32>, vector<16x1xf32> -> vector<16x1xf32>
    %get3A_16 = arith.constant 0 : index
    %get3A_17 = arith.constant 0 : index
    %get3A_18 = vector.load %arg4[%get3A_16, %get3A_17] : memref<16x16xf32, #tpu.memory_space<vmem>>, vector<16x16xf32>
    %dot_general3A_19 = arith.constant dense<0.000000e+00> : vector<16x1xf32>
    %dot_general3A_20 = tpu.matmul %get3A_18, %dot_general3A_15, %dot_general3A_19 {dimension_numbers = #tpu.dot_dimension_numbers<[1], [0], [0], [1], [0, 0, 1, 1], [], []>, precision = #tpu.contract_precision<fp32>, transpose_lhs_hint = false} : vector<16x16xf32>, vector<16x1xf32>, vector<16x1xf32> -> vector<16x1xf32>
    %get3A_21 = arith.constant 0 : index
    %get3A_22 = arith.constant 0 : index
    %get3A_23 = vector.load %arg3[%get3A_21, %get3A_22] : memref<1x16xf32, #tpu.memory_space<vmem>>, vector<1x16xf32>
    %dot_general3A_24 = arith.constant dense<0.000000e+00> : vector<1x1xf32>
    %dot_general3A_25 = tpu.matmul %get3A_23, %dot_general3A_20, %dot_general3A_24 {dimension_numbers = #tpu.dot_dimension_numbers<[1], [0], [0], [1], [0, 0, 1, 1], [], []>, precision = #tpu.contract_precision<fp32>, transpose_lhs_hint = false} : vector<1x16xf32>, vector<16x1xf32>, vector<1x1xf32> -> vector<1x1xf32>
    %get3A_26 = arith.constant 0 : index
    %get3A_27 = arith.constant 0 : index
    %get3A_28 = vector.load %arg7[%get3A_26, %get3A_27] : memref<1x16xf32, #tpu.memory_space<vmem>>, vector<1x16xf32>
    %dot_general3A_29 = arith.constant dense<0.000000e+00> : vector<1x1xf32>
    %dot_general3A_30 = tpu.matmul %get3A_28, %dot_general3A_10, %dot_general3A_29 {dimension_numbers = #tpu.dot_dimension_numbers<[1], [0], [0], [1], [0, 0, 1, 1], [], []>, precision = #tpu.contract_precision<fp32>, transpose_lhs_hint = false} : vector<1x16xf32>, vector<16x1xf32>, vector<1x1xf32> -> vector<1x1xf32>
    %get3A_31 = arith.constant 0 : index
    %get3A_32 = arith.constant 0 : index
    %get3A_33 = vector.load %arg9[%get3A_31, %get3A_32] : memref<1x8xf32, #tpu.memory_space<vmem>>, vector<1x8xf32>
    %dot_general3A_34 = arith.constant dense<0.000000e+00> : vector<1x1xf32>
    %dot_general3A_35 = tpu.matmul %get3A_33, %dot_general3A_5, %dot_general3A_34 {dimension_numbers = #tpu.dot_dimension_numbers<[1], [0], [0], [1], [0, 0, 1, 1], [], []>, precision = #tpu.contract_precision<fp32>, transpose_lhs_hint = false} : vector<1x8xf32>, vector<8x1xf32>, vector<1x1xf32> -> vector<1x1xf32>
    %add3A = arith.addf %dot_general3A_30, %dot_general3A_35 : vector<1x1xf32>
    %get3A_36 = arith.constant 0 : index
    %get3A_37 = arith.constant 0 : index
    %get3A_38 = vector.load %arg11[%get3A_36, %get3A_37] : memref<1x4xf32, #tpu.memory_space<vmem>>, vector<1x4xf32>
    %get3A_39 = arith.constant 0 : index
    %get3A_40 = arith.constant 0 : index
    %get3A_41 = vector.load %arg12[%get3A_39, %get3A_40] : memref<4x1xf32, #tpu.memory_space<vmem>>, vector<4x1xf32>
    %dot_general3A_42 = arith.constant dense<0.000000e+00> : vector<1x1xf32>
    %dot_general3A_43 = tpu.matmul %get3A_38, %get3A_41, %dot_general3A_42 {dimension_numbers = #tpu.dot_dimension_numbers<[1], [0], [0], [1], [0, 0, 1, 1], [], []>, precision = #tpu.contract_precision<fp32>, transpose_lhs_hint = false} : vector<1x4xf32>, vector<4x1xf32>, vector<1x1xf32> -> vector<1x1xf32>
    %add3A_44 = arith.addf %add3A, %dot_general3A_43 : vector<1x1xf32>
    %get3A_45 = arith.constant 0 : index
    %get3A_46 = arith.constant 0 : index
    %get3A_47 = vector.load %arg13[%get3A_45, %get3A_46] : memref<1x1xf32, #tpu.memory_space<vmem>>, vector<1x1xf32>
    %add3A_48 = arith.addf %add3A_44, %get3A_47 : vector<1x1xf32>
    %get3A_49 = arith.constant 0 : index
    %get3A_50 = arith.constant 0 : index
    %get3A_51 = vector.load %arg5[%get3A_49, %get3A_50] : memref<1x16xf32, #tpu.memory_space<vmem>>, vector<1x16xf32>
    %dot_general3A_52 = arith.constant dense<0.000000e+00> : vector<1x1xf32>
    %dot_general3A_53 = tpu.matmul %get3A_51, %dot_general3A_15, %dot_general3A_52 {dimension_numbers = #tpu.dot_dimension_numbers<[1], [0], [0], [1], [0, 0, 1, 1], [], []>, precision = #tpu.contract_precision<fp32>, transpose_lhs_hint = false} : vector<1x16xf32>, vector<16x1xf32>, vector<1x1xf32> -> vector<1x1xf32>
    %add3A_54 = arith.addf %dot_general3A_53, %add3A_48 : vector<1x1xf32>
    %get3A_55 = arith.constant 0 : index
    %get3A_56 = arith.constant 0 : index
    %get3A_57 = vector.load %arg1[%get3A_55, %get3A_56] : memref<512x512xf32, #tpu.memory_space<vmem>>, vector<512x512xf32>
    %iota3A = tpu.iota {dimensions = array<i32: 0>} : vector<512x512xi32>
    %iota3A_58 = tpu.iota {dimensions = array<i32: 1>} : vector<512x512xi32>
    %eq3A = arith.cmpi eq, %iota3A, %iota3A_58 : vector<512x512xi32>
    %convert_element_type3A = arith.extui %eq3A : vector<512x512xi1> to vector<512x512xi32>
    %convert_element_type3A_59 = arith.sitofp %convert_element_type3A : vector<512x512xi32> to vector<512x512xf32>
    %reduce_sum3A = arith.constant dense<0.000000e+00> : vector<512xf32>
    %reduce_sum3A_60 = vector.multi_reduction <add>, %get3A_57, %reduce_sum3A [1] : vector<512x512xf32> to vector<512xf32>
    %broadcast_in_dim3A = vector.shape_cast %reduce_sum3A_60 : vector<512xf32> to vector<512x1xf32>
    %add3A_61 = arith.constant 2.000000e+00 : f32
    %add3A_62 = vector.broadcast %add3A_61 : f32 to vector<512x1xf32>
    %add3A_63 = arith.addf %broadcast_in_dim3A, %add3A_62 : vector<512x1xf32>
    %mul3A = vector.broadcast %add3A_63 : vector<512x1xf32> to vector<512x512xf32>
    %mul3A_64 = arith.mulf %convert_element_type3A_59, %mul3A : vector<512x512xf32>
    %reduce_sum3A_65 = arith.constant dense<0.000000e+00> : vector<512xf32>
    %reduce_sum3A_66 = vector.multi_reduction <add>, %mul3A_64, %reduce_sum3A_65 [0] : vector<512x512xf32> to vector<512xf32>
    %broadcast_in_dim3A_67 = vector.shape_cast %reduce_sum3A_66 : vector<512xf32> to vector<1x512xf32>
    %rsqrt3A = math.rsqrt %add3A_63 : vector<512x1xf32>
    %mul3A_68 = vector.broadcast %rsqrt3A : vector<512x1xf32> to vector<512x512xf32>
    %mul3A_69 = arith.mulf %get3A_57, %mul3A_68 : vector<512x512xf32>
    %rsqrt3A_70 = math.rsqrt %broadcast_in_dim3A_67 : vector<1x512xf32>
    %mul3A_71 = vector.broadcast %rsqrt3A_70 : vector<1x512xf32> to vector<512x512xf32>
    %mul3A_72 = arith.mulf %mul3A_69, %mul3A_71 : vector<512x512xf32>
    %div3A = arith.constant 2.000000e+00 : f32
    %div3A_73 = vector.broadcast %div3A : f32 to vector<512x1xf32>
    %div3A_74 = arith.divf %div3A_73, %add3A_63 : vector<512x1xf32>
    %mul3A_75 = vector.broadcast %div3A_74 : vector<512x1xf32> to vector<512x512xf32>
    %mul3A_76 = arith.mulf %convert_element_type3A_59, %mul3A_75 : vector<512x512xf32>
    %add3A_77 = arith.addf %mul3A_72, %mul3A_76 : vector<512x512xf32>
    %reduce_sum3A_78 = arith.constant dense<0.000000e+00> : vector<512xf32>
    %reduce_sum3A_79 = vector.multi_reduction <add>, %add3A_77, %reduce_sum3A_78 [1] : vector<512x512xf32> to vector<512xf32>
    %broadcast_in_dim3A_80 = vector.shape_cast %reduce_sum3A_79 : vector<512xf32> to vector<512x1xf32>
    %dot_general3A_81 = arith.constant dense<0.000000e+00> : vector<512x512xf32>
    %dot_general3A_82 = tpu.matmul %add3A_77, %add3A_77, %dot_general3A_81 {dimension_numbers = #tpu.dot_dimension_numbers<[1], [0], [0], [1], [0, 0, 1, 1], [], []>, precision = #tpu.contract_precision<fp32>, transpose_lhs_hint = false} : vector<512x512xf32>, vector<512x512xf32>, vector<512x512xf32> -> vector<512x512xf32>
    %get3A_83 = arith.constant 0 : index
    %get3A_84 = arith.constant 0 : index
    %get3A_85 = vector.load %arg0[%get3A_83, %get3A_84] : memref<32x4000xf32, #tpu.memory_space<vmem>>, vector<32x4000xf32>
    %transpose3A = tpu.transpose %get3A_85, [1, 0] : vector<32x4000xf32> -> vector<4000x32xf32>
    %reshape3A = vector.shape_cast %transpose3A : vector<4000x32xf32> to vector<8x500x32xf32>
    %broadcast_in_dim3A_86 = arith.constant 0.000000e+00 : f32
    %broadcast_in_dim3A_87 = vector.broadcast %broadcast_in_dim3A_86 : f32 to vector<12x32xf32>
    %slice3A = vector.extract_strided_slice %reshape3A {offsets = [0, 0, 0], sizes = [1, 500, 32], strides = [1, 1, 1]} : vector<8x500x32xf32> to vector<1x500x32xf32>
    %squeeze3A = vector.shape_cast %slice3A : vector<1x500x32xf32> to vector<500x32xf32>
    %concatenate3A = tpu.concatenate %squeeze3A, %broadcast_in_dim3A_87 in 0 : vector<500x32xf32>, vector<12x32xf32> -> vector<512x32xf32>
    %dot_general3A_88 = arith.constant dense<0.000000e+00> : vector<512x32xf32>
    %dot_general3A_89 = tpu.matmul %dot_general3A_82, %concatenate3A, %dot_general3A_88 {dimension_numbers = #tpu.dot_dimension_numbers<[1], [0], [0], [1], [0, 0, 1, 1], [], []>, precision = #tpu.contract_precision<fp32>, transpose_lhs_hint = false} : vector<512x512xf32>, vector<512x32xf32>, vector<512x32xf32> -> vector<512x32xf32>
    %slice3A_90 = vector.extract_strided_slice %dot_general3A_89 {offsets = [0, 0], sizes = [500, 32], strides = [1, 1]} : vector<512x32xf32> to vector<500x32xf32>
    %broadcast_in_dim3A_91 = vector.shape_cast %slice3A_90 : vector<500x32xf32> to vector<1x500x32xf32>
    %slice3A_92 = vector.extract_strided_slice %reshape3A {offsets = [1, 0, 0], sizes = [1, 500, 32], strides = [1, 1, 1]} : vector<8x500x32xf32> to vector<1x500x32xf32>
    %squeeze3A_93 = vector.shape_cast %slice3A_92 : vector<1x500x32xf32> to vector<500x32xf32>
    %concatenate3A_94 = tpu.concatenate %squeeze3A_93, %broadcast_in_dim3A_87 in 0 : vector<500x32xf32>, vector<12x32xf32> -> vector<512x32xf32>
    %dot_general3A_95 = arith.constant dense<0.000000e+00> : vector<512x32xf32>
    %dot_general3A_96 = tpu.matmul %dot_general3A_82, %concatenate3A_94, %dot_general3A_95 {dimension_numbers = #tpu.dot_dimension_numbers<[1], [0], [0], [1], [0, 0, 1, 1], [], []>, precision = #tpu.contract_precision<fp32>, transpose_lhs_hint = false} : vector<512x512xf32>, vector<512x32xf32>, vector<512x32xf32> -> vector<512x32xf32>
    %slice3A_97 = vector.extract_strided_slice %dot_general3A_96 {offsets = [0, 0], sizes = [500, 32], strides = [1, 1]} : vector<512x32xf32> to vector<500x32xf32>
    %broadcast_in_dim3A_98 = vector.shape_cast %slice3A_97 : vector<500x32xf32> to vector<1x500x32xf32>
    %slice3A_99 = vector.extract_strided_slice %reshape3A {offsets = [2, 0, 0], sizes = [1, 500, 32], strides = [1, 1, 1]} : vector<8x500x32xf32> to vector<1x500x32xf32>
    %squeeze3A_100 = vector.shape_cast %slice3A_99 : vector<1x500x32xf32> to vector<500x32xf32>
    %concatenate3A_101 = tpu.concatenate %squeeze3A_100, %broadcast_in_dim3A_87 in 0 : vector<500x32xf32>, vector<12x32xf32> -> vector<512x32xf32>
    %dot_general3A_102 = arith.constant dense<0.000000e+00> : vector<512x32xf32>
    %dot_general3A_103 = tpu.matmul %dot_general3A_82, %concatenate3A_101, %dot_general3A_102 {dimension_numbers = #tpu.dot_dimension_numbers<[1], [0], [0], [1], [0, 0, 1, 1], [], []>, precision = #tpu.contract_precision<fp32>, transpose_lhs_hint = false} : vector<512x512xf32>, vector<512x32xf32>, vector<512x32xf32> -> vector<512x32xf32>
    %slice3A_104 = vector.extract_strided_slice %dot_general3A_103 {offsets = [0, 0], sizes = [500, 32], strides = [1, 1]} : vector<512x32xf32> to vector<500x32xf32>
    %broadcast_in_dim3A_105 = vector.shape_cast %slice3A_104 : vector<500x32xf32> to vector<1x500x32xf32>
    %slice3A_106 = vector.extract_strided_slice %reshape3A {offsets = [3, 0, 0], sizes = [1, 500, 32], strides = [1, 1, 1]} : vector<8x500x32xf32> to vector<1x500x32xf32>
    %squeeze3A_107 = vector.shape_cast %slice3A_106 : vector<1x500x32xf32> to vector<500x32xf32>
    %concatenate3A_108 = tpu.concatenate %squeeze3A_107, %broadcast_in_dim3A_87 in 0 : vector<500x32xf32>, vector<12x32xf32> -> vector<512x32xf32>
    %dot_general3A_109 = arith.constant dense<0.000000e+00> : vector<512x32xf32>
    %dot_general3A_110 = tpu.matmul %dot_general3A_82, %concatenate3A_108, %dot_general3A_109 {dimension_numbers = #tpu.dot_dimension_numbers<[1], [0], [0], [1], [0, 0, 1, 1], [], []>, precision = #tpu.contract_precision<fp32>, transpose_lhs_hint = false} : vector<512x512xf32>, vector<512x32xf32>, vector<512x32xf32> -> vector<512x32xf32>
    %slice3A_111 = vector.extract_strided_slice %dot_general3A_110 {offsets = [0, 0], sizes = [500, 32], strides = [1, 1]} : vector<512x32xf32> to vector<500x32xf32>
    %broadcast_in_dim3A_112 = vector.shape_cast %slice3A_111 : vector<500x32xf32> to vector<1x500x32xf32>
    %slice3A_113 = vector.extract_strided_slice %reshape3A {offsets = [4, 0, 0], sizes = [1, 500, 32], strides = [1, 1, 1]} : vector<8x500x32xf32> to vector<1x500x32xf32>
    %squeeze3A_114 = vector.shape_cast %slice3A_113 : vector<1x500x32xf32> to vector<500x32xf32>
    %concatenate3A_115 = tpu.concatenate %squeeze3A_114, %broadcast_in_dim3A_87 in 0 : vector<500x32xf32>, vector<12x32xf32> -> vector<512x32xf32>
    %dot_general3A_116 = arith.constant dense<0.000000e+00> : vector<512x32xf32>
    %dot_general3A_117 = tpu.matmul %dot_general3A_82, %concatenate3A_115, %dot_general3A_116 {dimension_numbers = #tpu.dot_dimension_numbers<[1], [0], [0], [1], [0, 0, 1, 1], [], []>, precision = #tpu.contract_precision<fp32>, transpose_lhs_hint = false} : vector<512x512xf32>, vector<512x32xf32>, vector<512x32xf32> -> vector<512x32xf32>
    %slice3A_118 = vector.extract_strided_slice %dot_general3A_117 {offsets = [0, 0], sizes = [500, 32], strides = [1, 1]} : vector<512x32xf32> to vector<500x32xf32>
    %broadcast_in_dim3A_119 = vector.shape_cast %slice3A_118 : vector<500x32xf32> to vector<1x500x32xf32>
    %slice3A_120 = vector.extract_strided_slice %reshape3A {offsets = [5, 0, 0], sizes = [1, 500, 32], strides = [1, 1, 1]} : vector<8x500x32xf32> to vector<1x500x32xf32>
    %squeeze3A_121 = vector.shape_cast %slice3A_120 : vector<1x500x32xf32> to vector<500x32xf32>
    %concatenate3A_122 = tpu.concatenate %squeeze3A_121, %broadcast_in_dim3A_87 in 0 : vector<500x32xf32>, vector<12x32xf32> -> vector<512x32xf32>
    %dot_general3A_123 = arith.constant dense<0.000000e+00> : vector<512x32xf32>
    %dot_general3A_124 = tpu.matmul %dot_general3A_82, %concatenate3A_122, %dot_general3A_123 {dimension_numbers = #tpu.dot_dimension_numbers<[1], [0], [0], [1], [0, 0, 1, 1], [], []>, precision = #tpu.contract_precision<fp32>, transpose_lhs_hint = false} : vector<512x512xf32>, vector<512x32xf32>, vector<512x32xf32> -> vector<512x32xf32>
    %slice3A_125 = vector.extract_strided_slice %dot_general3A_124 {offsets = [0, 0], sizes = [500, 32], strides = [1, 1]} : vector<512x32xf32> to vector<500x32xf32>
    %broadcast_in_dim3A_126 = vector.shape_cast %slice3A_125 : vector<500x32xf32> to vector<1x500x32xf32>
    %slice3A_127 = vector.extract_strided_slice %reshape3A {offsets = [6, 0, 0], sizes = [1, 500, 32], strides = [1, 1, 1]} : vector<8x500x32xf32> to vector<1x500x32xf32>
    %squeeze3A_128 = vector.shape_cast %slice3A_127 : vector<1x500x32xf32> to vector<500x32xf32>
    %concatenate3A_129 = tpu.concatenate %squeeze3A_128, %broadcast_in_dim3A_87 in 0 : vector<500x32xf32>, vector<12x32xf32> -> vector<512x32xf32>
    %dot_general3A_130 = arith.constant dense<0.000000e+00> : vector<512x32xf32>
    %dot_general3A_131 = tpu.matmul %dot_general3A_82, %concatenate3A_129, %dot_general3A_130 {dimension_numbers = #tpu.dot_dimension_numbers<[1], [0], [0], [1], [0, 0, 1, 1], [], []>, precision = #tpu.contract_precision<fp32>, transpose_lhs_hint = false} : vector<512x512xf32>, vector<512x32xf32>, vector<512x32xf32> -> vector<512x32xf32>
    %slice3A_132 = vector.extract_strided_slice %dot_general3A_131 {offsets = [0, 0], sizes = [500, 32], strides = [1, 1]} : vector<512x32xf32> to vector<500x32xf32>
    %broadcast_in_dim3A_133 = vector.shape_cast %slice3A_132 : vector<500x32xf32> to vector<1x500x32xf32>
    %slice3A_134 = vector.extract_strided_slice %reshape3A {offsets = [7, 0, 0], sizes = [1, 500, 32], strides = [1, 1, 1]} : vector<8x500x32xf32> to vector<1x500x32xf32>
    %squeeze3A_135 = vector.shape_cast %slice3A_134 : vector<1x500x32xf32> to vector<500x32xf32>
    %concatenate3A_136 = tpu.concatenate %squeeze3A_135, %broadcast_in_dim3A_87 in 0 : vector<500x32xf32>, vector<12x32xf32> -> vector<512x32xf32>
    %dot_general3A_137 = arith.constant dense<0.000000e+00> : vector<512x32xf32>
    %dot_general3A_138 = tpu.matmul %dot_general3A_82, %concatenate3A_136, %dot_general3A_137 {dimension_numbers = #tpu.dot_dimension_numbers<[1], [0], [0], [1], [0, 0, 1, 1], [], []>, precision = #tpu.contract_precision<fp32>, transpose_lhs_hint = false} : vector<512x512xf32>, vector<512x32xf32>, vector<512x32xf32> -> vector<512x32xf32>
    %slice3A_139 = vector.extract_strided_slice %dot_general3A_138 {offsets = [0, 0], sizes = [500, 32], strides = [1, 1]} : vector<512x32xf32> to vector<500x32xf32>
    %broadcast_in_dim3A_140 = vector.shape_cast %slice3A_139 : vector<500x32xf32> to vector<1x500x32xf32>
    %concatenate3A_141 = tpu.concatenate %broadcast_in_dim3A_91, %broadcast_in_dim3A_98, %broadcast_in_dim3A_105, %broadcast_in_dim3A_112, %broadcast_in_dim3A_119, %broadcast_in_dim3A_126, %broadcast_in_dim3A_133, %broadcast_in_dim3A_140 in 0 : vector<1x500x32xf32>, vector<1x500x32xf32>, vector<1x500x32xf32>, vector<1x500x32xf32>, vector<1x500x32xf32>, vector<1x500x32xf32>, vector<1x500x32xf32>, vector<1x500x32xf32> -> vector<8x500x32xf32>
    %squeeze3A_142 = vector.extract %dot_general3A_25[0, 0] : f32 from vector<1x1xf32>
    %slice3A_143 = vector.extract_strided_slice %broadcast_in_dim3A_80 {offsets = [0, 0], sizes = [500, 1], strides = [1, 1]} : vector<512x1xf32> to vector<500x1xf32>
    %mul3A_144 = vector.broadcast %squeeze3A_142 : f32 to vector<500x1xf32>
    %mul3A_145 = arith.mulf %mul3A_144, %slice3A_143 : vector<500x1xf32>
    %broadcast_in_dim3A_146 = vector.shape_cast %mul3A_145 : vector<500x1xf32> to vector<1x500x1xf32>
    %add3A_147 = vector.broadcast %broadcast_in_dim3A_146 : vector<1x500x1xf32> to vector<8x500x32xf32>
    %add3A_148 = arith.addf %concatenate3A_141, %add3A_147 : vector<8x500x32xf32>
    %squeeze3A_149 = vector.extract %add3A_54[0, 0] : f32 from vector<1x1xf32>
    %add3A_150 = vector.broadcast %squeeze3A_149 : f32 to vector<8x500x32xf32>
    %add3A_151 = arith.addf %add3A_148, %add3A_150 : vector<8x500x32xf32>
    %swap3A = arith.constant 0 : index
    %swap3A_152 = arith.constant 0 : index
    %swap3A_153 = arith.constant 0 : index
    %swap3A_154 = vector.load %arg14[%swap3A, %swap3A_152, %swap3A_153] : memref<8x500x32xf32, #tpu.memory_space<vmem>>, vector<8x500x32xf32>
    tpu.vector_store %arg14[%swap3A, %swap3A_152, %swap3A_153], %add3A_151 {strides = array<i32>} : memref<8x500x32xf32, #tpu.memory_space<vmem>>, vector<8x500x32xf32>,
    return
  }
}

module attributes {stable_mosaic.version = 14 : i64} {
  func.func @_lstm_body(%arg0: memref<32x16x4000xf32, #tpu.memory_space<vmem>>, %arg1: memref<64x33xf32, #tpu.memory_space<vmem>>, %arg2: memref<64x33xf32, #tpu.memory_space<vmem>>, %arg3: memref<16x16xf32, #tpu.memory_space<vmem>>, %arg4: memref<16x16xf32, #tpu.memory_space<vmem>>, %arg5: memref<16x16xf32, #tpu.memory_space<vmem>>, %arg6: memref<16x8xf32, #tpu.memory_space<vmem>>, %arg7: memref<8x4xf32, #tpu.memory_space<vmem>>, %arg8: memref<4x1xf32, #tpu.memory_space<vmem>>, %arg9: memref<32x4000xf32, #tpu.memory_space<vmem>>) attributes {dimension_semantics = [], scalar_prefetch = 0 : i64, scratch_operands = 0 : i64, tpu.core_type = #tpu.core_type<tc>} {
    %get3A = arith.constant 0 : index
    %get3A_0 = arith.constant 0 : index
    %get3A_1 = vector.load %arg7[%get3A, %get3A_0] : memref<8x4xf32, #tpu.memory_space<vmem>>, vector<8x4xf32>
    %get3A_2 = arith.constant 0 : index
    %get3A_3 = arith.constant 0 : index
    %get3A_4 = vector.load %arg8[%get3A_2, %get3A_3] : memref<4x1xf32, #tpu.memory_space<vmem>>, vector<4x1xf32>
    %dot_general3A = arith.constant dense<0.000000e+00> : vector<8x1xf32>
    %dot_general3A_5 = tpu.matmul %get3A_1, %get3A_4, %dot_general3A {dimension_numbers = #tpu.dot_dimension_numbers<[1], [0], [0], [1], [0, 0, 1, 1], [], []>, precision = #tpu.contract_precision<fp32>, transpose_lhs_hint = false} : vector<8x4xf32>, vector<4x1xf32>, vector<8x1xf32> -> vector<8x1xf32>
    %get3A_6 = arith.constant 0 : index
    %get3A_7 = arith.constant 0 : index
    %get3A_8 = vector.load %arg6[%get3A_6, %get3A_7] : memref<16x8xf32, #tpu.memory_space<vmem>>, vector<16x8xf32>
    %dot_general3A_9 = arith.constant dense<0.000000e+00> : vector<16x1xf32>
    %dot_general3A_10 = tpu.matmul %get3A_8, %dot_general3A_5, %dot_general3A_9 {dimension_numbers = #tpu.dot_dimension_numbers<[1], [0], [0], [1], [0, 0, 1, 1], [], []>, precision = #tpu.contract_precision<fp32>, transpose_lhs_hint = false} : vector<16x8xf32>, vector<8x1xf32>, vector<16x1xf32> -> vector<16x1xf32>
    %get3A_11 = arith.constant 0 : index
    %get3A_12 = arith.constant 0 : index
    %get3A_13 = vector.load %arg5[%get3A_11, %get3A_12] : memref<16x16xf32, #tpu.memory_space<vmem>>, vector<16x16xf32>
    %dot_general3A_14 = arith.constant dense<0.000000e+00> : vector<16x1xf32>
    %dot_general3A_15 = tpu.matmul %get3A_13, %dot_general3A_10, %dot_general3A_14 {dimension_numbers = #tpu.dot_dimension_numbers<[1], [0], [0], [1], [0, 0, 1, 1], [], []>, precision = #tpu.contract_precision<fp32>, transpose_lhs_hint = false} : vector<16x16xf32>, vector<16x1xf32>, vector<16x1xf32> -> vector<16x1xf32>
    %get3A_16 = arith.constant 0 : index
    %get3A_17 = arith.constant 0 : index
    %get3A_18 = vector.load %arg3[%get3A_16, %get3A_17] : memref<16x16xf32, #tpu.memory_space<vmem>>, vector<16x16xf32>
    %get3A_19 = arith.constant 0 : index
    %get3A_20 = arith.constant 0 : index
    %get3A_21 = vector.load %arg4[%get3A_19, %get3A_20] : memref<16x16xf32, #tpu.memory_space<vmem>>, vector<16x16xf32>
    %dot_general3A_22 = arith.constant dense<0.000000e+00> : vector<16x1xf32>
    %dot_general3A_23 = tpu.matmul %get3A_21, %dot_general3A_15, %dot_general3A_22 {dimension_numbers = #tpu.dot_dimension_numbers<[1], [0], [0], [1], [0, 0, 1, 1], [], []>, precision = #tpu.contract_precision<fp32>, transpose_lhs_hint = false} : vector<16x16xf32>, vector<16x1xf32>, vector<16x1xf32> -> vector<16x1xf32>
    %dot_general3A_24 = arith.constant dense<0.000000e+00> : vector<16x1xf32>
    %dot_general3A_25 = tpu.matmul %get3A_18, %dot_general3A_23, %dot_general3A_24 {dimension_numbers = #tpu.dot_dimension_numbers<[1], [0], [0], [1], [0, 0, 1, 1], [], []>, precision = #tpu.contract_precision<fp32>, transpose_lhs_hint = false} : vector<16x16xf32>, vector<16x1xf32>, vector<16x1xf32> -> vector<16x1xf32>
    %transpose3A = tpu.transpose %dot_general3A_25, [1, 0] : vector<16x1xf32> -> vector<1x16xf32>
    %get3A_26 = arith.constant 0 : index
    %get3A_27 = arith.constant 0 : index
    %get3A_28 = vector.load %arg1[%get3A_26, %get3A_27] : memref<64x33xf32, #tpu.memory_space<vmem>>, vector<64x33xf32>
    %get3A_29 = arith.constant 0 : index
    %get3A_30 = arith.constant 0 : index
    %get3A_31 = vector.load %arg2[%get3A_29, %get3A_30] : memref<64x33xf32, #tpu.memory_space<vmem>>, vector<64x33xf32>
    %broadcast_in_dim3A = arith.constant 1.000000e+00 : f32
    %broadcast_in_dim3A_32 = vector.broadcast %broadcast_in_dim3A : f32 to vector<1x4000xf32>
    %broadcast_in_dim3A_33 = arith.constant 0.000000e+00 : f32
    %broadcast_in_dim3A_34 = vector.broadcast %broadcast_in_dim3A_33 : f32 to vector<16x4000xf32>
    %broadcast_in_dim3A_35 = arith.constant 0.000000e+00 : f32
    %broadcast_in_dim3A_36 = vector.broadcast %broadcast_in_dim3A_35 : f32 to vector<16x4000xf32>
    %broadcast_in_dim3A_37 = arith.constant 0.000000e+00 : f32
    %broadcast_in_dim3A_38 = vector.broadcast %broadcast_in_dim3A_37 : f32 to vector<16x4000xf32>
    %broadcast_in_dim3A_39 = arith.constant 0.000000e+00 : f32
    %broadcast_in_dim3A_40 = vector.broadcast %broadcast_in_dim3A_39 : f32 to vector<16x4000xf32>
    %get3A_41 = arith.constant 0 : index
    %get3A_42 = arith.constant 0 : index
    %get3A_43 = arith.constant 0 : index
    %get3A_44 = vector.load %arg0[%get3A_41, %get3A_42, %get3A_43] : memref<32x16x4000xf32, #tpu.memory_space<vmem>>, vector<1x16x4000xf32>
    %get3A_45 = vector.shape_cast %get3A_44 : vector<1x16x4000xf32> to vector<16x4000xf32>
    %concatenate3A = tpu.concatenate %get3A_45, %broadcast_in_dim3A_34, %broadcast_in_dim3A_32 in 0 : vector<16x4000xf32>, vector<16x4000xf32>, vector<1x4000xf32> -> vector<33x4000xf32>
    %dot_general3A_46 = arith.constant dense<0.000000e+00> : vector<64x4000xf32>
    %dot_general3A_47 = tpu.matmul %get3A_28, %concatenate3A, %dot_general3A_46 {dimension_numbers = #tpu.dot_dimension_numbers<[1], [0], [0], [1], [0, 0, 1, 1], [], []>, transpose_lhs_hint = false} : vector<64x33xf32>, vector<33x4000xf32>, vector<64x4000xf32> -> vector<64x4000xf32>
    %slice3A = vector.extract_strided_slice %dot_general3A_47 {offsets = [0, 0], sizes = [16, 4000], strides = [1, 1]} : vector<64x4000xf32> to vector<16x4000xf32>
    %tanh3A = math.tanh %slice3A : vector<16x4000xf32>
    %mul3A = arith.constant 5.000000e-01 : f32
    %mul3A_48 = vector.broadcast %mul3A : f32 to vector<16x4000xf32>
    %mul3A_49 = arith.mulf %mul3A_48, %tanh3A : vector<16x4000xf32>
    %add3A = arith.constant 5.000000e-01 : f32
    %add3A_50 = vector.broadcast %add3A : f32 to vector<16x4000xf32>
    %add3A_51 = arith.addf %mul3A_49, %add3A_50 : vector<16x4000xf32>
    %slice3A_52 = vector.extract_strided_slice %dot_general3A_47 {offsets = [16, 0], sizes = [16, 4000], strides = [1, 1]} : vector<64x4000xf32> to vector<16x4000xf32>
    %tanh3A_53 = math.tanh %slice3A_52 : vector<16x4000xf32>
    %mul3A_54 = arith.constant 5.000000e-01 : f32
    %mul3A_55 = vector.broadcast %mul3A_54 : f32 to vector<16x4000xf32>
    %mul3A_56 = arith.mulf %mul3A_55, %tanh3A_53 : vector<16x4000xf32>
    %add3A_57 = arith.constant 5.000000e-01 : f32
    %add3A_58 = vector.broadcast %add3A_57 : f32 to vector<16x4000xf32>
    %add3A_59 = arith.addf %mul3A_56, %add3A_58 : vector<16x4000xf32>
    %slice3A_60 = vector.extract_strided_slice %dot_general3A_47 {offsets = [32, 0], sizes = [16, 4000], strides = [1, 1]} : vector<64x4000xf32> to vector<16x4000xf32>
    %tanh3A_61 = math.tanh %slice3A_60 : vector<16x4000xf32>
    %slice3A_62 = vector.extract_strided_slice %dot_general3A_47 {offsets = [48, 0], sizes = [16, 4000], strides = [1, 1]} : vector<64x4000xf32> to vector<16x4000xf32>
    %tanh3A_63 = math.tanh %slice3A_62 : vector<16x4000xf32>
    %mul3A_64 = arith.constant 5.000000e-01 : f32
    %mul3A_65 = vector.broadcast %mul3A_64 : f32 to vector<16x4000xf32>
    %mul3A_66 = arith.mulf %mul3A_65, %tanh3A_63 : vector<16x4000xf32>
    %add3A_67 = arith.constant 5.000000e-01 : f32
    %add3A_68 = vector.broadcast %add3A_67 : f32 to vector<16x4000xf32>
    %add3A_69 = arith.addf %mul3A_66, %add3A_68 : vector<16x4000xf32>
    %mul3A_70 = arith.mulf %add3A_59, %broadcast_in_dim3A_36 : vector<16x4000xf32>
    %mul3A_71 = arith.mulf %add3A_51, %tanh3A_61 : vector<16x4000xf32>
    %add3A_72 = arith.addf %mul3A_70, %mul3A_71 : vector<16x4000xf32>
    %tanh3A_73 = math.tanh %add3A_72 : vector<16x4000xf32>
    %mul3A_74 = arith.mulf %add3A_69, %tanh3A_73 : vector<16x4000xf32>
    %concatenate3A_75 = tpu.concatenate %mul3A_74, %broadcast_in_dim3A_38, %broadcast_in_dim3A_32 in 0 : vector<16x4000xf32>, vector<16x4000xf32>, vector<1x4000xf32> -> vector<33x4000xf32>
    %dot_general3A_76 = arith.constant dense<0.000000e+00> : vector<64x4000xf32>
    %dot_general3A_77 = tpu.matmul %get3A_31, %concatenate3A_75, %dot_general3A_76 {dimension_numbers = #tpu.dot_dimension_numbers<[1], [0], [0], [1], [0, 0, 1, 1], [], []>, transpose_lhs_hint = false} : vector<64x33xf32>, vector<33x4000xf32>, vector<64x4000xf32> -> vector<64x4000xf32>
    %slice3A_78 = vector.extract_strided_slice %dot_general3A_77 {offsets = [0, 0], sizes = [16, 4000], strides = [1, 1]} : vector<64x4000xf32> to vector<16x4000xf32>
    %tanh3A_79 = math.tanh %slice3A_78 : vector<16x4000xf32>
    %mul3A_80 = arith.constant 5.000000e-01 : f32
    %mul3A_81 = vector.broadcast %mul3A_80 : f32 to vector<16x4000xf32>
    %mul3A_82 = arith.mulf %mul3A_81, %tanh3A_79 : vector<16x4000xf32>
    %add3A_83 = arith.constant 5.000000e-01 : f32
    %add3A_84 = vector.broadcast %add3A_83 : f32 to vector<16x4000xf32>
    %add3A_85 = arith.addf %mul3A_82, %add3A_84 : vector<16x4000xf32>
    %slice3A_86 = vector.extract_strided_slice %dot_general3A_77 {offsets = [16, 0], sizes = [16, 4000], strides = [1, 1]} : vector<64x4000xf32> to vector<16x4000xf32>
    %tanh3A_87 = math.tanh %slice3A_86 : vector<16x4000xf32>
    %mul3A_88 = arith.constant 5.000000e-01 : f32
    %mul3A_89 = vector.broadcast %mul3A_88 : f32 to vector<16x4000xf32>
    %mul3A_90 = arith.mulf %mul3A_89, %tanh3A_87 : vector<16x4000xf32>
    %add3A_91 = arith.constant 5.000000e-01 : f32
    %add3A_92 = vector.broadcast %add3A_91 : f32 to vector<16x4000xf32>
    %add3A_93 = arith.addf %mul3A_90, %add3A_92 : vector<16x4000xf32>
    %slice3A_94 = vector.extract_strided_slice %dot_general3A_77 {offsets = [32, 0], sizes = [16, 4000], strides = [1, 1]} : vector<64x4000xf32> to vector<16x4000xf32>
    %tanh3A_95 = math.tanh %slice3A_94 : vector<16x4000xf32>
    %slice3A_96 = vector.extract_strided_slice %dot_general3A_77 {offsets = [48, 0], sizes = [16, 4000], strides = [1, 1]} : vector<64x4000xf32> to vector<16x4000xf32>
    %tanh3A_97 = math.tanh %slice3A_96 : vector<16x4000xf32>
    %mul3A_98 = arith.constant 5.000000e-01 : f32
    %mul3A_99 = vector.broadcast %mul3A_98 : f32 to vector<16x4000xf32>
    %mul3A_100 = arith.mulf %mul3A_99, %tanh3A_97 : vector<16x4000xf32>
    %add3A_101 = arith.constant 5.000000e-01 : f32
    %add3A_102 = vector.broadcast %add3A_101 : f32 to vector<16x4000xf32>
    %add3A_103 = arith.addf %mul3A_100, %add3A_102 : vector<16x4000xf32>
    %mul3A_104 = arith.mulf %add3A_93, %broadcast_in_dim3A_40 : vector<16x4000xf32>
    %mul3A_105 = arith.mulf %add3A_85, %tanh3A_95 : vector<16x4000xf32>
    %add3A_106 = arith.addf %mul3A_104, %mul3A_105 : vector<16x4000xf32>
    %tanh3A_107 = math.tanh %add3A_106 : vector<16x4000xf32>
    %mul3A_108 = arith.mulf %add3A_103, %tanh3A_107 : vector<16x4000xf32>
    %dot_general3A_109 = arith.constant dense<0.000000e+00> : vector<1x4000xf32>
    %dot_general3A_110 = tpu.matmul %transpose3A, %mul3A_108, %dot_general3A_109 {dimension_numbers = #tpu.dot_dimension_numbers<[1], [0], [0], [1], [0, 0, 1, 1], [], []>, precision = #tpu.contract_precision<fp32>, transpose_lhs_hint = false} : vector<1x16xf32>, vector<16x4000xf32>, vector<1x4000xf32> -> vector<1x4000xf32>
    %get3A_111 = arith.constant 1 : index
    %get3A_112 = arith.constant 0 : index
    %get3A_113 = arith.constant 0 : index
    %get3A_114 = vector.load %arg0[%get3A_111, %get3A_112, %get3A_113] : memref<32x16x4000xf32, #tpu.memory_space<vmem>>, vector<1x16x4000xf32>
    %get3A_115 = vector.shape_cast %get3A_114 : vector<1x16x4000xf32> to vector<16x4000xf32>
    %concatenate3A_116 = tpu.concatenate %get3A_115, %mul3A_74, %broadcast_in_dim3A_32 in 0 : vector<16x4000xf32>, vector<16x4000xf32>, vector<1x4000xf32> -> vector<33x4000xf32>
    %dot_general3A_117 = arith.constant dense<0.000000e+00> : vector<64x4000xf32>
    %dot_general3A_118 = tpu.matmul %get3A_28, %concatenate3A_116, %dot_general3A_117 {dimension_numbers = #tpu.dot_dimension_numbers<[1], [0], [0], [1], [0, 0, 1, 1], [], []>, transpose_lhs_hint = false} : vector<64x33xf32>, vector<33x4000xf32>, vector<64x4000xf32> -> vector<64x4000xf32>
    %slice3A_119 = vector.extract_strided_slice %dot_general3A_118 {offsets = [0, 0], sizes = [16, 4000], strides = [1, 1]} : vector<64x4000xf32> to vector<16x4000xf32>
    %tanh3A_120 = math.tanh %slice3A_119 : vector<16x4000xf32>
    %mul3A_121 = arith.constant 5.000000e-01 : f32
    %mul3A_122 = vector.broadcast %mul3A_121 : f32 to vector<16x4000xf32>
    %mul3A_123 = arith.mulf %mul3A_122, %tanh3A_120 : vector<16x4000xf32>
    %add3A_124 = arith.constant 5.000000e-01 : f32
    %add3A_125 = vector.broadcast %add3A_124 : f32 to vector<16x4000xf32>
    %add3A_126 = arith.addf %mul3A_123, %add3A_125 : vector<16x4000xf32>
    %slice3A_127 = vector.extract_strided_slice %dot_general3A_118 {offsets = [16, 0], sizes = [16, 4000], strides = [1, 1]} : vector<64x4000xf32> to vector<16x4000xf32>
    %tanh3A_128 = math.tanh %slice3A_127 : vector<16x4000xf32>
    %mul3A_129 = arith.constant 5.000000e-01 : f32
    %mul3A_130 = vector.broadcast %mul3A_129 : f32 to vector<16x4000xf32>
    %mul3A_131 = arith.mulf %mul3A_130, %tanh3A_128 : vector<16x4000xf32>
    %add3A_132 = arith.constant 5.000000e-01 : f32
    %add3A_133 = vector.broadcast %add3A_132 : f32 to vector<16x4000xf32>
    %add3A_134 = arith.addf %mul3A_131, %add3A_133 : vector<16x4000xf32>
    %slice3A_135 = vector.extract_strided_slice %dot_general3A_118 {offsets = [32, 0], sizes = [16, 4000], strides = [1, 1]} : vector<64x4000xf32> to vector<16x4000xf32>
    %tanh3A_136 = math.tanh %slice3A_135 : vector<16x4000xf32>
    %slice3A_137 = vector.extract_strided_slice %dot_general3A_118 {offsets = [48, 0], sizes = [16, 4000], strides = [1, 1]} : vector<64x4000xf32> to vector<16x4000xf32>
    %tanh3A_138 = math.tanh %slice3A_137 : vector<16x4000xf32>
    %mul3A_139 = arith.constant 5.000000e-01 : f32
    %mul3A_140 = vector.broadcast %mul3A_139 : f32 to vector<16x4000xf32>
    %mul3A_141 = arith.mulf %mul3A_140, %tanh3A_138 : vector<16x4000xf32>
    %add3A_142 = arith.constant 5.000000e-01 : f32
    %add3A_143 = vector.broadcast %add3A_142 : f32 to vector<16x4000xf32>
    %add3A_144 = arith.addf %mul3A_141, %add3A_143 : vector<16x4000xf32>
    %mul3A_145 = arith.mulf %add3A_134, %add3A_72 : vector<16x4000xf32>
    %mul3A_146 = arith.mulf %add3A_126, %tanh3A_136 : vector<16x4000xf32>
    %add3A_147 = arith.addf %mul3A_145, %mul3A_146 : vector<16x4000xf32>
    %tanh3A_148 = math.tanh %add3A_147 : vector<16x4000xf32>
    %mul3A_149 = arith.mulf %add3A_144, %tanh3A_148 : vector<16x4000xf32>
    %concatenate3A_150 = tpu.concatenate %mul3A_149, %mul3A_108, %broadcast_in_dim3A_32 in 0 : vector<16x4000xf32>, vector<16x4000xf32>, vector<1x4000xf32> -> vector<33x4000xf32>
    %dot_general3A_151 = arith.constant dense<0.000000e+00> : vector<64x4000xf32>
    %dot_general3A_152 = tpu.matmul %get3A_31, %concatenate3A_150, %dot_general3A_151 {dimension_numbers = #tpu.dot_dimension_numbers<[1], [0], [0], [1], [0, 0, 1, 1], [], []>, transpose_lhs_hint = false} : vector<64x33xf32>, vector<33x4000xf32>, vector<64x4000xf32> -> vector<64x4000xf32>
    %slice3A_153 = vector.extract_strided_slice %dot_general3A_152 {offsets = [0, 0], sizes = [16, 4000], strides = [1, 1]} : vector<64x4000xf32> to vector<16x4000xf32>
    %tanh3A_154 = math.tanh %slice3A_153 : vector<16x4000xf32>
    %mul3A_155 = arith.constant 5.000000e-01 : f32
    %mul3A_156 = vector.broadcast %mul3A_155 : f32 to vector<16x4000xf32>
    %mul3A_157 = arith.mulf %mul3A_156, %tanh3A_154 : vector<16x4000xf32>
    %add3A_158 = arith.constant 5.000000e-01 : f32
    %add3A_159 = vector.broadcast %add3A_158 : f32 to vector<16x4000xf32>
    %add3A_160 = arith.addf %mul3A_157, %add3A_159 : vector<16x4000xf32>
    %slice3A_161 = vector.extract_strided_slice %dot_general3A_152 {offsets = [16, 0], sizes = [16, 4000], strides = [1, 1]} : vector<64x4000xf32> to vector<16x4000xf32>
    %tanh3A_162 = math.tanh %slice3A_161 : vector<16x4000xf32>
    %mul3A_163 = arith.constant 5.000000e-01 : f32
    %mul3A_164 = vector.broadcast %mul3A_163 : f32 to vector<16x4000xf32>
    %mul3A_165 = arith.mulf %mul3A_164, %tanh3A_162 : vector<16x4000xf32>
    %add3A_166 = arith.constant 5.000000e-01 : f32
    %add3A_167 = vector.broadcast %add3A_166 : f32 to vector<16x4000xf32>
    %add3A_168 = arith.addf %mul3A_165, %add3A_167 : vector<16x4000xf32>
    %slice3A_169 = vector.extract_strided_slice %dot_general3A_152 {offsets = [32, 0], sizes = [16, 4000], strides = [1, 1]} : vector<64x4000xf32> to vector<16x4000xf32>
    %tanh3A_170 = math.tanh %slice3A_169 : vector<16x4000xf32>
    %slice3A_171 = vector.extract_strided_slice %dot_general3A_152 {offsets = [48, 0], sizes = [16, 4000], strides = [1, 1]} : vector<64x4000xf32> to vector<16x4000xf32>
    %tanh3A_172 = math.tanh %slice3A_171 : vector<16x4000xf32>
    %mul3A_173 = arith.constant 5.000000e-01 : f32
    %mul3A_174 = vector.broadcast %mul3A_173 : f32 to vector<16x4000xf32>
    %mul3A_175 = arith.mulf %mul3A_174, %tanh3A_172 : vector<16x4000xf32>
    %add3A_176 = arith.constant 5.000000e-01 : f32
    %add3A_177 = vector.broadcast %add3A_176 : f32 to vector<16x4000xf32>
    %add3A_178 = arith.addf %mul3A_175, %add3A_177 : vector<16x4000xf32>
    %mul3A_179 = arith.mulf %add3A_168, %add3A_106 : vector<16x4000xf32>
    %mul3A_180 = arith.mulf %add3A_160, %tanh3A_170 : vector<16x4000xf32>
    %add3A_181 = arith.addf %mul3A_179, %mul3A_180 : vector<16x4000xf32>
    %tanh3A_182 = math.tanh %add3A_181 : vector<16x4000xf32>
    %mul3A_183 = arith.mulf %add3A_178, %tanh3A_182 : vector<16x4000xf32>
    %dot_general3A_184 = arith.constant dense<0.000000e+00> : vector<1x4000xf32>
    %dot_general3A_185 = tpu.matmul %transpose3A, %mul3A_183, %dot_general3A_184 {dimension_numbers = #tpu.dot_dimension_numbers<[1], [0], [0], [1], [0, 0, 1, 1], [], []>, precision = #tpu.contract_precision<fp32>, transpose_lhs_hint = false} : vector<1x16xf32>, vector<16x4000xf32>, vector<1x4000xf32> -> vector<1x4000xf32>
    %get3A_186 = arith.constant 2 : index
    %get3A_187 = arith.constant 0 : index
    %get3A_188 = arith.constant 0 : index
    %get3A_189 = vector.load %arg0[%get3A_186, %get3A_187, %get3A_188] : memref<32x16x4000xf32, #tpu.memory_space<vmem>>, vector<1x16x4000xf32>
    %get3A_190 = vector.shape_cast %get3A_189 : vector<1x16x4000xf32> to vector<16x4000xf32>
    %concatenate3A_191 = tpu.concatenate %get3A_190, %mul3A_149, %broadcast_in_dim3A_32 in 0 : vector<16x4000xf32>, vector<16x4000xf32>, vector<1x4000xf32> -> vector<33x4000xf32>
    %dot_general3A_192 = arith.constant dense<0.000000e+00> : vector<64x4000xf32>
    %dot_general3A_193 = tpu.matmul %get3A_28, %concatenate3A_191, %dot_general3A_192 {dimension_numbers = #tpu.dot_dimension_numbers<[1], [0], [0], [1], [0, 0, 1, 1], [], []>, transpose_lhs_hint = false} : vector<64x33xf32>, vector<33x4000xf32>, vector<64x4000xf32> -> vector<64x4000xf32>
    %slice3A_194 = vector.extract_strided_slice %dot_general3A_193 {offsets = [0, 0], sizes = [16, 4000], strides = [1, 1]} : vector<64x4000xf32> to vector<16x4000xf32>
    %tanh3A_195 = math.tanh %slice3A_194 : vector<16x4000xf32>
    %mul3A_196 = arith.constant 5.000000e-01 : f32
    %mul3A_197 = vector.broadcast %mul3A_196 : f32 to vector<16x4000xf32>
    %mul3A_198 = arith.mulf %mul3A_197, %tanh3A_195 : vector<16x4000xf32>
    %add3A_199 = arith.constant 5.000000e-01 : f32
    %add3A_200 = vector.broadcast %add3A_199 : f32 to vector<16x4000xf32>
    %add3A_201 = arith.addf %mul3A_198, %add3A_200 : vector<16x4000xf32>
    %slice3A_202 = vector.extract_strided_slice %dot_general3A_193 {offsets = [16, 0], sizes = [16, 4000], strides = [1, 1]} : vector<64x4000xf32> to vector<16x4000xf32>
    %tanh3A_203 = math.tanh %slice3A_202 : vector<16x4000xf32>
    %mul3A_204 = arith.constant 5.000000e-01 : f32
    %mul3A_205 = vector.broadcast %mul3A_204 : f32 to vector<16x4000xf32>
    %mul3A_206 = arith.mulf %mul3A_205, %tanh3A_203 : vector<16x4000xf32>
    %add3A_207 = arith.constant 5.000000e-01 : f32
    %add3A_208 = vector.broadcast %add3A_207 : f32 to vector<16x4000xf32>
    %add3A_209 = arith.addf %mul3A_206, %add3A_208 : vector<16x4000xf32>
    %slice3A_210 = vector.extract_strided_slice %dot_general3A_193 {offsets = [32, 0], sizes = [16, 4000], strides = [1, 1]} : vector<64x4000xf32> to vector<16x4000xf32>
    %tanh3A_211 = math.tanh %slice3A_210 : vector<16x4000xf32>
    %slice3A_212 = vector.extract_strided_slice %dot_general3A_193 {offsets = [48, 0], sizes = [16, 4000], strides = [1, 1]} : vector<64x4000xf32> to vector<16x4000xf32>
    %tanh3A_213 = math.tanh %slice3A_212 : vector<16x4000xf32>
    %mul3A_214 = arith.constant 5.000000e-01 : f32
    %mul3A_215 = vector.broadcast %mul3A_214 : f32 to vector<16x4000xf32>
    %mul3A_216 = arith.mulf %mul3A_215, %tanh3A_213 : vector<16x4000xf32>
    %add3A_217 = arith.constant 5.000000e-01 : f32
    %add3A_218 = vector.broadcast %add3A_217 : f32 to vector<16x4000xf32>
    %add3A_219 = arith.addf %mul3A_216, %add3A_218 : vector<16x4000xf32>
    %mul3A_220 = arith.mulf %add3A_209, %add3A_147 : vector<16x4000xf32>
    %mul3A_221 = arith.mulf %add3A_201, %tanh3A_211 : vector<16x4000xf32>
    %add3A_222 = arith.addf %mul3A_220, %mul3A_221 : vector<16x4000xf32>
    %tanh3A_223 = math.tanh %add3A_222 : vector<16x4000xf32>
    %mul3A_224 = arith.mulf %add3A_219, %tanh3A_223 : vector<16x4000xf32>
    %concatenate3A_225 = tpu.concatenate %mul3A_224, %mul3A_183, %broadcast_in_dim3A_32 in 0 : vector<16x4000xf32>, vector<16x4000xf32>, vector<1x4000xf32> -> vector<33x4000xf32>
    %dot_general3A_226 = arith.constant dense<0.000000e+00> : vector<64x4000xf32>
    %dot_general3A_227 = tpu.matmul %get3A_31, %concatenate3A_225, %dot_general3A_226 {dimension_numbers = #tpu.dot_dimension_numbers<[1], [0], [0], [1], [0, 0, 1, 1], [], []>, transpose_lhs_hint = false} : vector<64x33xf32>, vector<33x4000xf32>, vector<64x4000xf32> -> vector<64x4000xf32>
    %slice3A_228 = vector.extract_strided_slice %dot_general3A_227 {offsets = [0, 0], sizes = [16, 4000], strides = [1, 1]} : vector<64x4000xf32> to vector<16x4000xf32>
    %tanh3A_229 = math.tanh %slice3A_228 : vector<16x4000xf32>
    %mul3A_230 = arith.constant 5.000000e-01 : f32
    %mul3A_231 = vector.broadcast %mul3A_230 : f32 to vector<16x4000xf32>
    %mul3A_232 = arith.mulf %mul3A_231, %tanh3A_229 : vector<16x4000xf32>
    %add3A_233 = arith.constant 5.000000e-01 : f32
    %add3A_234 = vector.broadcast %add3A_233 : f32 to vector<16x4000xf32>
    %add3A_235 = arith.addf %mul3A_232, %add3A_234 : vector<16x4000xf32>
    %slice3A_236 = vector.extract_strided_slice %dot_general3A_227 {offsets = [16, 0], sizes = [16, 4000], strides = [1, 1]} : vector<64x4000xf32> to vector<16x4000xf32>
    %tanh3A_237 = math.tanh %slice3A_236 : vector<16x4000xf32>
    %mul3A_238 = arith.constant 5.000000e-01 : f32
    %mul3A_239 = vector.broadcast %mul3A_238 : f32 to vector<16x4000xf32>
    %mul3A_240 = arith.mulf %mul3A_239, %tanh3A_237 : vector<16x4000xf32>
    %add3A_241 = arith.constant 5.000000e-01 : f32
    %add3A_242 = vector.broadcast %add3A_241 : f32 to vector<16x4000xf32>
    %add3A_243 = arith.addf %mul3A_240, %add3A_242 : vector<16x4000xf32>
    %slice3A_244 = vector.extract_strided_slice %dot_general3A_227 {offsets = [32, 0], sizes = [16, 4000], strides = [1, 1]} : vector<64x4000xf32> to vector<16x4000xf32>
    %tanh3A_245 = math.tanh %slice3A_244 : vector<16x4000xf32>
    %slice3A_246 = vector.extract_strided_slice %dot_general3A_227 {offsets = [48, 0], sizes = [16, 4000], strides = [1, 1]} : vector<64x4000xf32> to vector<16x4000xf32>
    %tanh3A_247 = math.tanh %slice3A_246 : vector<16x4000xf32>
    %mul3A_248 = arith.constant 5.000000e-01 : f32
    %mul3A_249 = vector.broadcast %mul3A_248 : f32 to vector<16x4000xf32>
    %mul3A_250 = arith.mulf %mul3A_249, %tanh3A_247 : vector<16x4000xf32>
    %add3A_251 = arith.constant 5.000000e-01 : f32
    %add3A_252 = vector.broadcast %add3A_251 : f32 to vector<16x4000xf32>
    %add3A_253 = arith.addf %mul3A_250, %add3A_252 : vector<16x4000xf32>
    %mul3A_254 = arith.mulf %add3A_243, %add3A_181 : vector<16x4000xf32>
    %mul3A_255 = arith.mulf %add3A_235, %tanh3A_245 : vector<16x4000xf32>
    %add3A_256 = arith.addf %mul3A_254, %mul3A_255 : vector<16x4000xf32>
    %tanh3A_257 = math.tanh %add3A_256 : vector<16x4000xf32>
    %mul3A_258 = arith.mulf %add3A_253, %tanh3A_257 : vector<16x4000xf32>
    %dot_general3A_259 = arith.constant dense<0.000000e+00> : vector<1x4000xf32>
    %dot_general3A_260 = tpu.matmul %transpose3A, %mul3A_258, %dot_general3A_259 {dimension_numbers = #tpu.dot_dimension_numbers<[1], [0], [0], [1], [0, 0, 1, 1], [], []>, precision = #tpu.contract_precision<fp32>, transpose_lhs_hint = false} : vector<1x16xf32>, vector<16x4000xf32>, vector<1x4000xf32> -> vector<1x4000xf32>
    %get3A_261 = arith.constant 3 : index
    %get3A_262 = arith.constant 0 : index
    %get3A_263 = arith.constant 0 : index
    %get3A_264 = vector.load %arg0[%get3A_261, %get3A_262, %get3A_263] : memref<32x16x4000xf32, #tpu.memory_space<vmem>>, vector<1x16x4000xf32>
    %get3A_265 = vector.shape_cast %get3A_264 : vector<1x16x4000xf32> to vector<16x4000xf32>
    %concatenate3A_266 = tpu.concatenate %get3A_265, %mul3A_224, %broadcast_in_dim3A_32 in 0 : vector<16x4000xf32>, vector<16x4000xf32>, vector<1x4000xf32> -> vector<33x4000xf32>
    %dot_general3A_267 = arith.constant dense<0.000000e+00> : vector<64x4000xf32>
    %dot_general3A_268 = tpu.matmul %get3A_28, %concatenate3A_266, %dot_general3A_267 {dimension_numbers = #tpu.dot_dimension_numbers<[1], [0], [0], [1], [0, 0, 1, 1], [], []>, transpose_lhs_hint = false} : vector<64x33xf32>, vector<33x4000xf32>, vector<64x4000xf32> -> vector<64x4000xf32>
    %slice3A_269 = vector.extract_strided_slice %dot_general3A_268 {offsets = [0, 0], sizes = [16, 4000], strides = [1, 1]} : vector<64x4000xf32> to vector<16x4000xf32>
    %tanh3A_270 = math.tanh %slice3A_269 : vector<16x4000xf32>
    %mul3A_271 = arith.constant 5.000000e-01 : f32
    %mul3A_272 = vector.broadcast %mul3A_271 : f32 to vector<16x4000xf32>
    %mul3A_273 = arith.mulf %mul3A_272, %tanh3A_270 : vector<16x4000xf32>
    %add3A_274 = arith.constant 5.000000e-01 : f32
    %add3A_275 = vector.broadcast %add3A_274 : f32 to vector<16x4000xf32>
    %add3A_276 = arith.addf %mul3A_273, %add3A_275 : vector<16x4000xf32>
    %slice3A_277 = vector.extract_strided_slice %dot_general3A_268 {offsets = [16, 0], sizes = [16, 4000], strides = [1, 1]} : vector<64x4000xf32> to vector<16x4000xf32>
    %tanh3A_278 = math.tanh %slice3A_277 : vector<16x4000xf32>
    %mul3A_279 = arith.constant 5.000000e-01 : f32
    %mul3A_280 = vector.broadcast %mul3A_279 : f32 to vector<16x4000xf32>
    %mul3A_281 = arith.mulf %mul3A_280, %tanh3A_278 : vector<16x4000xf32>
    %add3A_282 = arith.constant 5.000000e-01 : f32
    %add3A_283 = vector.broadcast %add3A_282 : f32 to vector<16x4000xf32>
    %add3A_284 = arith.addf %mul3A_281, %add3A_283 : vector<16x4000xf32>
    %slice3A_285 = vector.extract_strided_slice %dot_general3A_268 {offsets = [32, 0], sizes = [16, 4000], strides = [1, 1]} : vector<64x4000xf32> to vector<16x4000xf32>
    %tanh3A_286 = math.tanh %slice3A_285 : vector<16x4000xf32>
    %slice3A_287 = vector.extract_strided_slice %dot_general3A_268 {offsets = [48, 0], sizes = [16, 4000], strides = [1, 1]} : vector<64x4000xf32> to vector<16x4000xf32>
    %tanh3A_288 = math.tanh %slice3A_287 : vector<16x4000xf32>
    %mul3A_289 = arith.constant 5.000000e-01 : f32
    %mul3A_290 = vector.broadcast %mul3A_289 : f32 to vector<16x4000xf32>
    %mul3A_291 = arith.mulf %mul3A_290, %tanh3A_288 : vector<16x4000xf32>
    %add3A_292 = arith.constant 5.000000e-01 : f32
    %add3A_293 = vector.broadcast %add3A_292 : f32 to vector<16x4000xf32>
    %add3A_294 = arith.addf %mul3A_291, %add3A_293 : vector<16x4000xf32>
    %mul3A_295 = arith.mulf %add3A_284, %add3A_222 : vector<16x4000xf32>
    %mul3A_296 = arith.mulf %add3A_276, %tanh3A_286 : vector<16x4000xf32>
    %add3A_297 = arith.addf %mul3A_295, %mul3A_296 : vector<16x4000xf32>
    %tanh3A_298 = math.tanh %add3A_297 : vector<16x4000xf32>
    %mul3A_299 = arith.mulf %add3A_294, %tanh3A_298 : vector<16x4000xf32>
    %concatenate3A_300 = tpu.concatenate %mul3A_299, %mul3A_258, %broadcast_in_dim3A_32 in 0 : vector<16x4000xf32>, vector<16x4000xf32>, vector<1x4000xf32> -> vector<33x4000xf32>
    %dot_general3A_301 = arith.constant dense<0.000000e+00> : vector<64x4000xf32>
    %dot_general3A_302 = tpu.matmul %get3A_31, %concatenate3A_300, %dot_general3A_301 {dimension_numbers = #tpu.dot_dimension_numbers<[1], [0], [0], [1], [0, 0, 1, 1], [], []>, transpose_lhs_hint = false} : vector<64x33xf32>, vector<33x4000xf32>, vector<64x4000xf32> -> vector<64x4000xf32>
    %slice3A_303 = vector.extract_strided_slice %dot_general3A_302 {offsets = [0, 0], sizes = [16, 4000], strides = [1, 1]} : vector<64x4000xf32> to vector<16x4000xf32>
    %tanh3A_304 = math.tanh %slice3A_303 : vector<16x4000xf32>
    %mul3A_305 = arith.constant 5.000000e-01 : f32
    %mul3A_306 = vector.broadcast %mul3A_305 : f32 to vector<16x4000xf32>
    %mul3A_307 = arith.mulf %mul3A_306, %tanh3A_304 : vector<16x4000xf32>
    %add3A_308 = arith.constant 5.000000e-01 : f32
    %add3A_309 = vector.broadcast %add3A_308 : f32 to vector<16x4000xf32>
    %add3A_310 = arith.addf %mul3A_307, %add3A_309 : vector<16x4000xf32>
    %slice3A_311 = vector.extract_strided_slice %dot_general3A_302 {offsets = [16, 0], sizes = [16, 4000], strides = [1, 1]} : vector<64x4000xf32> to vector<16x4000xf32>
    %tanh3A_312 = math.tanh %slice3A_311 : vector<16x4000xf32>
    %mul3A_313 = arith.constant 5.000000e-01 : f32
    %mul3A_314 = vector.broadcast %mul3A_313 : f32 to vector<16x4000xf32>
    %mul3A_315 = arith.mulf %mul3A_314, %tanh3A_312 : vector<16x4000xf32>
    %add3A_316 = arith.constant 5.000000e-01 : f32
    %add3A_317 = vector.broadcast %add3A_316 : f32 to vector<16x4000xf32>
    %add3A_318 = arith.addf %mul3A_315, %add3A_317 : vector<16x4000xf32>
    %slice3A_319 = vector.extract_strided_slice %dot_general3A_302 {offsets = [32, 0], sizes = [16, 4000], strides = [1, 1]} : vector<64x4000xf32> to vector<16x4000xf32>
    %tanh3A_320 = math.tanh %slice3A_319 : vector<16x4000xf32>
    %slice3A_321 = vector.extract_strided_slice %dot_general3A_302 {offsets = [48, 0], sizes = [16, 4000], strides = [1, 1]} : vector<64x4000xf32> to vector<16x4000xf32>
    %tanh3A_322 = math.tanh %slice3A_321 : vector<16x4000xf32>
    %mul3A_323 = arith.constant 5.000000e-01 : f32
    %mul3A_324 = vector.broadcast %mul3A_323 : f32 to vector<16x4000xf32>
    %mul3A_325 = arith.mulf %mul3A_324, %tanh3A_322 : vector<16x4000xf32>
    %add3A_326 = arith.constant 5.000000e-01 : f32
    %add3A_327 = vector.broadcast %add3A_326 : f32 to vector<16x4000xf32>
    %add3A_328 = arith.addf %mul3A_325, %add3A_327 : vector<16x4000xf32>
    %mul3A_329 = arith.mulf %add3A_318, %add3A_256 : vector<16x4000xf32>
    %mul3A_330 = arith.mulf %add3A_310, %tanh3A_320 : vector<16x4000xf32>
    %add3A_331 = arith.addf %mul3A_329, %mul3A_330 : vector<16x4000xf32>
    %tanh3A_332 = math.tanh %add3A_331 : vector<16x4000xf32>
    %mul3A_333 = arith.mulf %add3A_328, %tanh3A_332 : vector<16x4000xf32>
    %dot_general3A_334 = arith.constant dense<0.000000e+00> : vector<1x4000xf32>
    %dot_general3A_335 = tpu.matmul %transpose3A, %mul3A_333, %dot_general3A_334 {dimension_numbers = #tpu.dot_dimension_numbers<[1], [0], [0], [1], [0, 0, 1, 1], [], []>, precision = #tpu.contract_precision<fp32>, transpose_lhs_hint = false} : vector<1x16xf32>, vector<16x4000xf32>, vector<1x4000xf32> -> vector<1x4000xf32>
    %get3A_336 = arith.constant 4 : index
    %get3A_337 = arith.constant 0 : index
    %get3A_338 = arith.constant 0 : index
    %get3A_339 = vector.load %arg0[%get3A_336, %get3A_337, %get3A_338] : memref<32x16x4000xf32, #tpu.memory_space<vmem>>, vector<1x16x4000xf32>
    %get3A_340 = vector.shape_cast %get3A_339 : vector<1x16x4000xf32> to vector<16x4000xf32>
    %concatenate3A_341 = tpu.concatenate %get3A_340, %mul3A_299, %broadcast_in_dim3A_32 in 0 : vector<16x4000xf32>, vector<16x4000xf32>, vector<1x4000xf32> -> vector<33x4000xf32>
    %dot_general3A_342 = arith.constant dense<0.000000e+00> : vector<64x4000xf32>
    %dot_general3A_343 = tpu.matmul %get3A_28, %concatenate3A_341, %dot_general3A_342 {dimension_numbers = #tpu.dot_dimension_numbers<[1], [0], [0], [1], [0, 0, 1, 1], [], []>, transpose_lhs_hint = false} : vector<64x33xf32>, vector<33x4000xf32>, vector<64x4000xf32> -> vector<64x4000xf32>
    %slice3A_344 = vector.extract_strided_slice %dot_general3A_343 {offsets = [0, 0], sizes = [16, 4000], strides = [1, 1]} : vector<64x4000xf32> to vector<16x4000xf32>
    %tanh3A_345 = math.tanh %slice3A_344 : vector<16x4000xf32>
    %mul3A_346 = arith.constant 5.000000e-01 : f32
    %mul3A_347 = vector.broadcast %mul3A_346 : f32 to vector<16x4000xf32>
    %mul3A_348 = arith.mulf %mul3A_347, %tanh3A_345 : vector<16x4000xf32>
    %add3A_349 = arith.constant 5.000000e-01 : f32
    %add3A_350 = vector.broadcast %add3A_349 : f32 to vector<16x4000xf32>
    %add3A_351 = arith.addf %mul3A_348, %add3A_350 : vector<16x4000xf32>
    %slice3A_352 = vector.extract_strided_slice %dot_general3A_343 {offsets = [16, 0], sizes = [16, 4000], strides = [1, 1]} : vector<64x4000xf32> to vector<16x4000xf32>
    %tanh3A_353 = math.tanh %slice3A_352 : vector<16x4000xf32>
    %mul3A_354 = arith.constant 5.000000e-01 : f32
    %mul3A_355 = vector.broadcast %mul3A_354 : f32 to vector<16x4000xf32>
    %mul3A_356 = arith.mulf %mul3A_355, %tanh3A_353 : vector<16x4000xf32>
    %add3A_357 = arith.constant 5.000000e-01 : f32
    %add3A_358 = vector.broadcast %add3A_357 : f32 to vector<16x4000xf32>
    %add3A_359 = arith.addf %mul3A_356, %add3A_358 : vector<16x4000xf32>
    %slice3A_360 = vector.extract_strided_slice %dot_general3A_343 {offsets = [32, 0], sizes = [16, 4000], strides = [1, 1]} : vector<64x4000xf32> to vector<16x4000xf32>
    %tanh3A_361 = math.tanh %slice3A_360 : vector<16x4000xf32>
    %slice3A_362 = vector.extract_strided_slice %dot_general3A_343 {offsets = [48, 0], sizes = [16, 4000], strides = [1, 1]} : vector<64x4000xf32> to vector<16x4000xf32>
    %tanh3A_363 = math.tanh %slice3A_362 : vector<16x4000xf32>
    %mul3A_364 = arith.constant 5.000000e-01 : f32
    %mul3A_365 = vector.broadcast %mul3A_364 : f32 to vector<16x4000xf32>
    %mul3A_366 = arith.mulf %mul3A_365, %tanh3A_363 : vector<16x4000xf32>
    %add3A_367 = arith.constant 5.000000e-01 : f32
    %add3A_368 = vector.broadcast %add3A_367 : f32 to vector<16x4000xf32>
    %add3A_369 = arith.addf %mul3A_366, %add3A_368 : vector<16x4000xf32>
    %mul3A_370 = arith.mulf %add3A_359, %add3A_297 : vector<16x4000xf32>
    %mul3A_371 = arith.mulf %add3A_351, %tanh3A_361 : vector<16x4000xf32>
    %add3A_372 = arith.addf %mul3A_370, %mul3A_371 : vector<16x4000xf32>
    %tanh3A_373 = math.tanh %add3A_372 : vector<16x4000xf32>
    %mul3A_374 = arith.mulf %add3A_369, %tanh3A_373 : vector<16x4000xf32>
    %concatenate3A_375 = tpu.concatenate %mul3A_374, %mul3A_333, %broadcast_in_dim3A_32 in 0 : vector<16x4000xf32>, vector<16x4000xf32>, vector<1x4000xf32> -> vector<33x4000xf32>
    %dot_general3A_376 = arith.constant dense<0.000000e+00> : vector<64x4000xf32>
    %dot_general3A_377 = tpu.matmul %get3A_31, %concatenate3A_375, %dot_general3A_376 {dimension_numbers = #tpu.dot_dimension_numbers<[1], [0], [0], [1], [0, 0, 1, 1], [], []>, transpose_lhs_hint = false} : vector<64x33xf32>, vector<33x4000xf32>, vector<64x4000xf32> -> vector<64x4000xf32>
    %slice3A_378 = vector.extract_strided_slice %dot_general3A_377 {offsets = [0, 0], sizes = [16, 4000], strides = [1, 1]} : vector<64x4000xf32> to vector<16x4000xf32>
    %tanh3A_379 = math.tanh %slice3A_378 : vector<16x4000xf32>
    %mul3A_380 = arith.constant 5.000000e-01 : f32
    %mul3A_381 = vector.broadcast %mul3A_380 : f32 to vector<16x4000xf32>
    %mul3A_382 = arith.mulf %mul3A_381, %tanh3A_379 : vector<16x4000xf32>
    %add3A_383 = arith.constant 5.000000e-01 : f32
    %add3A_384 = vector.broadcast %add3A_383 : f32 to vector<16x4000xf32>
    %add3A_385 = arith.addf %mul3A_382, %add3A_384 : vector<16x4000xf32>
    %slice3A_386 = vector.extract_strided_slice %dot_general3A_377 {offsets = [16, 0], sizes = [16, 4000], strides = [1, 1]} : vector<64x4000xf32> to vector<16x4000xf32>
    %tanh3A_387 = math.tanh %slice3A_386 : vector<16x4000xf32>
    %mul3A_388 = arith.constant 5.000000e-01 : f32
    %mul3A_389 = vector.broadcast %mul3A_388 : f32 to vector<16x4000xf32>
    %mul3A_390 = arith.mulf %mul3A_389, %tanh3A_387 : vector<16x4000xf32>
    %add3A_391 = arith.constant 5.000000e-01 : f32
    %add3A_392 = vector.broadcast %add3A_391 : f32 to vector<16x4000xf32>
    %add3A_393 = arith.addf %mul3A_390, %add3A_392 : vector<16x4000xf32>
    %slice3A_394 = vector.extract_strided_slice %dot_general3A_377 {offsets = [32, 0], sizes = [16, 4000], strides = [1, 1]} : vector<64x4000xf32> to vector<16x4000xf32>
    %tanh3A_395 = math.tanh %slice3A_394 : vector<16x4000xf32>
    %slice3A_396 = vector.extract_strided_slice %dot_general3A_377 {offsets = [48, 0], sizes = [16, 4000], strides = [1, 1]} : vector<64x4000xf32> to vector<16x4000xf32>
    %tanh3A_397 = math.tanh %slice3A_396 : vector<16x4000xf32>
    %mul3A_398 = arith.constant 5.000000e-01 : f32
    %mul3A_399 = vector.broadcast %mul3A_398 : f32 to vector<16x4000xf32>
    %mul3A_400 = arith.mulf %mul3A_399, %tanh3A_397 : vector<16x4000xf32>
    %add3A_401 = arith.constant 5.000000e-01 : f32
    %add3A_402 = vector.broadcast %add3A_401 : f32 to vector<16x4000xf32>
    %add3A_403 = arith.addf %mul3A_400, %add3A_402 : vector<16x4000xf32>
    %mul3A_404 = arith.mulf %add3A_393, %add3A_331 : vector<16x4000xf32>
    %mul3A_405 = arith.mulf %add3A_385, %tanh3A_395 : vector<16x4000xf32>
    %add3A_406 = arith.addf %mul3A_404, %mul3A_405 : vector<16x4000xf32>
    %tanh3A_407 = math.tanh %add3A_406 : vector<16x4000xf32>
    %mul3A_408 = arith.mulf %add3A_403, %tanh3A_407 : vector<16x4000xf32>
    %dot_general3A_409 = arith.constant dense<0.000000e+00> : vector<1x4000xf32>
    %dot_general3A_410 = tpu.matmul %transpose3A, %mul3A_408, %dot_general3A_409 {dimension_numbers = #tpu.dot_dimension_numbers<[1], [0], [0], [1], [0, 0, 1, 1], [], []>, precision = #tpu.contract_precision<fp32>, transpose_lhs_hint = false} : vector<1x16xf32>, vector<16x4000xf32>, vector<1x4000xf32> -> vector<1x4000xf32>
    %get3A_411 = arith.constant 5 : index
    %get3A_412 = arith.constant 0 : index
    %get3A_413 = arith.constant 0 : index
    %get3A_414 = vector.load %arg0[%get3A_411, %get3A_412, %get3A_413] : memref<32x16x4000xf32, #tpu.memory_space<vmem>>, vector<1x16x4000xf32>
    %get3A_415 = vector.shape_cast %get3A_414 : vector<1x16x4000xf32> to vector<16x4000xf32>
    %concatenate3A_416 = tpu.concatenate %get3A_415, %mul3A_374, %broadcast_in_dim3A_32 in 0 : vector<16x4000xf32>, vector<16x4000xf32>, vector<1x4000xf32> -> vector<33x4000xf32>
    %dot_general3A_417 = arith.constant dense<0.000000e+00> : vector<64x4000xf32>
    %dot_general3A_418 = tpu.matmul %get3A_28, %concatenate3A_416, %dot_general3A_417 {dimension_numbers = #tpu.dot_dimension_numbers<[1], [0], [0], [1], [0, 0, 1, 1], [], []>, transpose_lhs_hint = false} : vector<64x33xf32>, vector<33x4000xf32>, vector<64x4000xf32> -> vector<64x4000xf32>
    %slice3A_419 = vector.extract_strided_slice %dot_general3A_418 {offsets = [0, 0], sizes = [16, 4000], strides = [1, 1]} : vector<64x4000xf32> to vector<16x4000xf32>
    %tanh3A_420 = math.tanh %slice3A_419 : vector<16x4000xf32>
    %mul3A_421 = arith.constant 5.000000e-01 : f32
    %mul3A_422 = vector.broadcast %mul3A_421 : f32 to vector<16x4000xf32>
    %mul3A_423 = arith.mulf %mul3A_422, %tanh3A_420 : vector<16x4000xf32>
    %add3A_424 = arith.constant 5.000000e-01 : f32
    %add3A_425 = vector.broadcast %add3A_424 : f32 to vector<16x4000xf32>
    %add3A_426 = arith.addf %mul3A_423, %add3A_425 : vector<16x4000xf32>
    %slice3A_427 = vector.extract_strided_slice %dot_general3A_418 {offsets = [16, 0], sizes = [16, 4000], strides = [1, 1]} : vector<64x4000xf32> to vector<16x4000xf32>
    %tanh3A_428 = math.tanh %slice3A_427 : vector<16x4000xf32>
    %mul3A_429 = arith.constant 5.000000e-01 : f32
    %mul3A_430 = vector.broadcast %mul3A_429 : f32 to vector<16x4000xf32>
    %mul3A_431 = arith.mulf %mul3A_430, %tanh3A_428 : vector<16x4000xf32>
    %add3A_432 = arith.constant 5.000000e-01 : f32
    %add3A_433 = vector.broadcast %add3A_432 : f32 to vector<16x4000xf32>
    %add3A_434 = arith.addf %mul3A_431, %add3A_433 : vector<16x4000xf32>
    %slice3A_435 = vector.extract_strided_slice %dot_general3A_418 {offsets = [32, 0], sizes = [16, 4000], strides = [1, 1]} : vector<64x4000xf32> to vector<16x4000xf32>
    %tanh3A_436 = math.tanh %slice3A_435 : vector<16x4000xf32>
    %slice3A_437 = vector.extract_strided_slice %dot_general3A_418 {offsets = [48, 0], sizes = [16, 4000], strides = [1, 1]} : vector<64x4000xf32> to vector<16x4000xf32>
    %tanh3A_438 = math.tanh %slice3A_437 : vector<16x4000xf32>
    %mul3A_439 = arith.constant 5.000000e-01 : f32
    %mul3A_440 = vector.broadcast %mul3A_439 : f32 to vector<16x4000xf32>
    %mul3A_441 = arith.mulf %mul3A_440, %tanh3A_438 : vector<16x4000xf32>
    %add3A_442 = arith.constant 5.000000e-01 : f32
    %add3A_443 = vector.broadcast %add3A_442 : f32 to vector<16x4000xf32>
    %add3A_444 = arith.addf %mul3A_441, %add3A_443 : vector<16x4000xf32>
    %mul3A_445 = arith.mulf %add3A_434, %add3A_372 : vector<16x4000xf32>
    %mul3A_446 = arith.mulf %add3A_426, %tanh3A_436 : vector<16x4000xf32>
    %add3A_447 = arith.addf %mul3A_445, %mul3A_446 : vector<16x4000xf32>
    %tanh3A_448 = math.tanh %add3A_447 : vector<16x4000xf32>
    %mul3A_449 = arith.mulf %add3A_444, %tanh3A_448 : vector<16x4000xf32>
    %concatenate3A_450 = tpu.concatenate %mul3A_449, %mul3A_408, %broadcast_in_dim3A_32 in 0 : vector<16x4000xf32>, vector<16x4000xf32>, vector<1x4000xf32> -> vector<33x4000xf32>
    %dot_general3A_451 = arith.constant dense<0.000000e+00> : vector<64x4000xf32>
    %dot_general3A_452 = tpu.matmul %get3A_31, %concatenate3A_450, %dot_general3A_451 {dimension_numbers = #tpu.dot_dimension_numbers<[1], [0], [0], [1], [0, 0, 1, 1], [], []>, transpose_lhs_hint = false} : vector<64x33xf32>, vector<33x4000xf32>, vector<64x4000xf32> -> vector<64x4000xf32>
    %slice3A_453 = vector.extract_strided_slice %dot_general3A_452 {offsets = [0, 0], sizes = [16, 4000], strides = [1, 1]} : vector<64x4000xf32> to vector<16x4000xf32>
    %tanh3A_454 = math.tanh %slice3A_453 : vector<16x4000xf32>
    %mul3A_455 = arith.constant 5.000000e-01 : f32
    %mul3A_456 = vector.broadcast %mul3A_455 : f32 to vector<16x4000xf32>
    %mul3A_457 = arith.mulf %mul3A_456, %tanh3A_454 : vector<16x4000xf32>
    %add3A_458 = arith.constant 5.000000e-01 : f32
    %add3A_459 = vector.broadcast %add3A_458 : f32 to vector<16x4000xf32>
    %add3A_460 = arith.addf %mul3A_457, %add3A_459 : vector<16x4000xf32>
    %slice3A_461 = vector.extract_strided_slice %dot_general3A_452 {offsets = [16, 0], sizes = [16, 4000], strides = [1, 1]} : vector<64x4000xf32> to vector<16x4000xf32>
    %tanh3A_462 = math.tanh %slice3A_461 : vector<16x4000xf32>
    %mul3A_463 = arith.constant 5.000000e-01 : f32
    %mul3A_464 = vector.broadcast %mul3A_463 : f32 to vector<16x4000xf32>
    %mul3A_465 = arith.mulf %mul3A_464, %tanh3A_462 : vector<16x4000xf32>
    %add3A_466 = arith.constant 5.000000e-01 : f32
    %add3A_467 = vector.broadcast %add3A_466 : f32 to vector<16x4000xf32>
    %add3A_468 = arith.addf %mul3A_465, %add3A_467 : vector<16x4000xf32>
    %slice3A_469 = vector.extract_strided_slice %dot_general3A_452 {offsets = [32, 0], sizes = [16, 4000], strides = [1, 1]} : vector<64x4000xf32> to vector<16x4000xf32>
    %tanh3A_470 = math.tanh %slice3A_469 : vector<16x4000xf32>
    %slice3A_471 = vector.extract_strided_slice %dot_general3A_452 {offsets = [48, 0], sizes = [16, 4000], strides = [1, 1]} : vector<64x4000xf32> to vector<16x4000xf32>
    %tanh3A_472 = math.tanh %slice3A_471 : vector<16x4000xf32>
    %mul3A_473 = arith.constant 5.000000e-01 : f32
    %mul3A_474 = vector.broadcast %mul3A_473 : f32 to vector<16x4000xf32>
    %mul3A_475 = arith.mulf %mul3A_474, %tanh3A_472 : vector<16x4000xf32>
    %add3A_476 = arith.constant 5.000000e-01 : f32
    %add3A_477 = vector.broadcast %add3A_476 : f32 to vector<16x4000xf32>
    %add3A_478 = arith.addf %mul3A_475, %add3A_477 : vector<16x4000xf32>
    %mul3A_479 = arith.mulf %add3A_468, %add3A_406 : vector<16x4000xf32>
    %mul3A_480 = arith.mulf %add3A_460, %tanh3A_470 : vector<16x4000xf32>
    %add3A_481 = arith.addf %mul3A_479, %mul3A_480 : vector<16x4000xf32>
    %tanh3A_482 = math.tanh %add3A_481 : vector<16x4000xf32>
    %mul3A_483 = arith.mulf %add3A_478, %tanh3A_482 : vector<16x4000xf32>
    %dot_general3A_484 = arith.constant dense<0.000000e+00> : vector<1x4000xf32>
    %dot_general3A_485 = tpu.matmul %transpose3A, %mul3A_483, %dot_general3A_484 {dimension_numbers = #tpu.dot_dimension_numbers<[1], [0], [0], [1], [0, 0, 1, 1], [], []>, precision = #tpu.contract_precision<fp32>, transpose_lhs_hint = false} : vector<1x16xf32>, vector<16x4000xf32>, vector<1x4000xf32> -> vector<1x4000xf32>
    %get3A_486 = arith.constant 6 : index
    %get3A_487 = arith.constant 0 : index
    %get3A_488 = arith.constant 0 : index
    %get3A_489 = vector.load %arg0[%get3A_486, %get3A_487, %get3A_488] : memref<32x16x4000xf32, #tpu.memory_space<vmem>>, vector<1x16x4000xf32>
    %get3A_490 = vector.shape_cast %get3A_489 : vector<1x16x4000xf32> to vector<16x4000xf32>
    %concatenate3A_491 = tpu.concatenate %get3A_490, %mul3A_449, %broadcast_in_dim3A_32 in 0 : vector<16x4000xf32>, vector<16x4000xf32>, vector<1x4000xf32> -> vector<33x4000xf32>
    %dot_general3A_492 = arith.constant dense<0.000000e+00> : vector<64x4000xf32>
    %dot_general3A_493 = tpu.matmul %get3A_28, %concatenate3A_491, %dot_general3A_492 {dimension_numbers = #tpu.dot_dimension_numbers<[1], [0], [0], [1], [0, 0, 1, 1], [], []>, transpose_lhs_hint = false} : vector<64x33xf32>, vector<33x4000xf32>, vector<64x4000xf32> -> vector<64x4000xf32>
    %slice3A_494 = vector.extract_strided_slice %dot_general3A_493 {offsets = [0, 0], sizes = [16, 4000], strides = [1, 1]} : vector<64x4000xf32> to vector<16x4000xf32>
    %tanh3A_495 = math.tanh %slice3A_494 : vector<16x4000xf32>
    %mul3A_496 = arith.constant 5.000000e-01 : f32
    %mul3A_497 = vector.broadcast %mul3A_496 : f32 to vector<16x4000xf32>
    %mul3A_498 = arith.mulf %mul3A_497, %tanh3A_495 : vector<16x4000xf32>
    %add3A_499 = arith.constant 5.000000e-01 : f32
    %add3A_500 = vector.broadcast %add3A_499 : f32 to vector<16x4000xf32>
    %add3A_501 = arith.addf %mul3A_498, %add3A_500 : vector<16x4000xf32>
    %slice3A_502 = vector.extract_strided_slice %dot_general3A_493 {offsets = [16, 0], sizes = [16, 4000], strides = [1, 1]} : vector<64x4000xf32> to vector<16x4000xf32>
    %tanh3A_503 = math.tanh %slice3A_502 : vector<16x4000xf32>
    %mul3A_504 = arith.constant 5.000000e-01 : f32
    %mul3A_505 = vector.broadcast %mul3A_504 : f32 to vector<16x4000xf32>
    %mul3A_506 = arith.mulf %mul3A_505, %tanh3A_503 : vector<16x4000xf32>
    %add3A_507 = arith.constant 5.000000e-01 : f32
    %add3A_508 = vector.broadcast %add3A_507 : f32 to vector<16x4000xf32>
    %add3A_509 = arith.addf %mul3A_506, %add3A_508 : vector<16x4000xf32>
    %slice3A_510 = vector.extract_strided_slice %dot_general3A_493 {offsets = [32, 0], sizes = [16, 4000], strides = [1, 1]} : vector<64x4000xf32> to vector<16x4000xf32>
    %tanh3A_511 = math.tanh %slice3A_510 : vector<16x4000xf32>
    %slice3A_512 = vector.extract_strided_slice %dot_general3A_493 {offsets = [48, 0], sizes = [16, 4000], strides = [1, 1]} : vector<64x4000xf32> to vector<16x4000xf32>
    %tanh3A_513 = math.tanh %slice3A_512 : vector<16x4000xf32>
    %mul3A_514 = arith.constant 5.000000e-01 : f32
    %mul3A_515 = vector.broadcast %mul3A_514 : f32 to vector<16x4000xf32>
    %mul3A_516 = arith.mulf %mul3A_515, %tanh3A_513 : vector<16x4000xf32>
    %add3A_517 = arith.constant 5.000000e-01 : f32
    %add3A_518 = vector.broadcast %add3A_517 : f32 to vector<16x4000xf32>
    %add3A_519 = arith.addf %mul3A_516, %add3A_518 : vector<16x4000xf32>
    %mul3A_520 = arith.mulf %add3A_509, %add3A_447 : vector<16x4000xf32>
    %mul3A_521 = arith.mulf %add3A_501, %tanh3A_511 : vector<16x4000xf32>
    %add3A_522 = arith.addf %mul3A_520, %mul3A_521 : vector<16x4000xf32>
    %tanh3A_523 = math.tanh %add3A_522 : vector<16x4000xf32>
    %mul3A_524 = arith.mulf %add3A_519, %tanh3A_523 : vector<16x4000xf32>
    %concatenate3A_525 = tpu.concatenate %mul3A_524, %mul3A_483, %broadcast_in_dim3A_32 in 0 : vector<16x4000xf32>, vector<16x4000xf32>, vector<1x4000xf32> -> vector<33x4000xf32>
    %dot_general3A_526 = arith.constant dense<0.000000e+00> : vector<64x4000xf32>
    %dot_general3A_527 = tpu.matmul %get3A_31, %concatenate3A_525, %dot_general3A_526 {dimension_numbers = #tpu.dot_dimension_numbers<[1], [0], [0], [1], [0, 0, 1, 1], [], []>, transpose_lhs_hint = false} : vector<64x33xf32>, vector<33x4000xf32>, vector<64x4000xf32> -> vector<64x4000xf32>
    %slice3A_528 = vector.extract_strided_slice %dot_general3A_527 {offsets = [0, 0], sizes = [16, 4000], strides = [1, 1]} : vector<64x4000xf32> to vector<16x4000xf32>
    %tanh3A_529 = math.tanh %slice3A_528 : vector<16x4000xf32>
    %mul3A_530 = arith.constant 5.000000e-01 : f32
    %mul3A_531 = vector.broadcast %mul3A_530 : f32 to vector<16x4000xf32>
    %mul3A_532 = arith.mulf %mul3A_531, %tanh3A_529 : vector<16x4000xf32>
    %add3A_533 = arith.constant 5.000000e-01 : f32
    %add3A_534 = vector.broadcast %add3A_533 : f32 to vector<16x4000xf32>
    %add3A_535 = arith.addf %mul3A_532, %add3A_534 : vector<16x4000xf32>
    %slice3A_536 = vector.extract_strided_slice %dot_general3A_527 {offsets = [16, 0], sizes = [16, 4000], strides = [1, 1]} : vector<64x4000xf32> to vector<16x4000xf32>
    %tanh3A_537 = math.tanh %slice3A_536 : vector<16x4000xf32>
    %mul3A_538 = arith.constant 5.000000e-01 : f32
    %mul3A_539 = vector.broadcast %mul3A_538 : f32 to vector<16x4000xf32>
    %mul3A_540 = arith.mulf %mul3A_539, %tanh3A_537 : vector<16x4000xf32>
    %add3A_541 = arith.constant 5.000000e-01 : f32
    %add3A_542 = vector.broadcast %add3A_541 : f32 to vector<16x4000xf32>
    %add3A_543 = arith.addf %mul3A_540, %add3A_542 : vector<16x4000xf32>
    %slice3A_544 = vector.extract_strided_slice %dot_general3A_527 {offsets = [32, 0], sizes = [16, 4000], strides = [1, 1]} : vector<64x4000xf32> to vector<16x4000xf32>
    %tanh3A_545 = math.tanh %slice3A_544 : vector<16x4000xf32>
    %slice3A_546 = vector.extract_strided_slice %dot_general3A_527 {offsets = [48, 0], sizes = [16, 4000], strides = [1, 1]} : vector<64x4000xf32> to vector<16x4000xf32>
    %tanh3A_547 = math.tanh %slice3A_546 : vector<16x4000xf32>
    %mul3A_548 = arith.constant 5.000000e-01 : f32
    %mul3A_549 = vector.broadcast %mul3A_548 : f32 to vector<16x4000xf32>
    %mul3A_550 = arith.mulf %mul3A_549, %tanh3A_547 : vector<16x4000xf32>
    %add3A_551 = arith.constant 5.000000e-01 : f32
    %add3A_552 = vector.broadcast %add3A_551 : f32 to vector<16x4000xf32>
    %add3A_553 = arith.addf %mul3A_550, %add3A_552 : vector<16x4000xf32>
    %mul3A_554 = arith.mulf %add3A_543, %add3A_481 : vector<16x4000xf32>
    %mul3A_555 = arith.mulf %add3A_535, %tanh3A_545 : vector<16x4000xf32>
    %add3A_556 = arith.addf %mul3A_554, %mul3A_555 : vector<16x4000xf32>
    %tanh3A_557 = math.tanh %add3A_556 : vector<16x4000xf32>
    %mul3A_558 = arith.mulf %add3A_553, %tanh3A_557 : vector<16x4000xf32>
    %dot_general3A_559 = arith.constant dense<0.000000e+00> : vector<1x4000xf32>
    %dot_general3A_560 = tpu.matmul %transpose3A, %mul3A_558, %dot_general3A_559 {dimension_numbers = #tpu.dot_dimension_numbers<[1], [0], [0], [1], [0, 0, 1, 1], [], []>, precision = #tpu.contract_precision<fp32>, transpose_lhs_hint = false} : vector<1x16xf32>, vector<16x4000xf32>, vector<1x4000xf32> -> vector<1x4000xf32>
    %get3A_561 = arith.constant 7 : index
    %get3A_562 = arith.constant 0 : index
    %get3A_563 = arith.constant 0 : index
    %get3A_564 = vector.load %arg0[%get3A_561, %get3A_562, %get3A_563] : memref<32x16x4000xf32, #tpu.memory_space<vmem>>, vector<1x16x4000xf32>
    %get3A_565 = vector.shape_cast %get3A_564 : vector<1x16x4000xf32> to vector<16x4000xf32>
    %concatenate3A_566 = tpu.concatenate %get3A_565, %mul3A_524, %broadcast_in_dim3A_32 in 0 : vector<16x4000xf32>, vector<16x4000xf32>, vector<1x4000xf32> -> vector<33x4000xf32>
    %dot_general3A_567 = arith.constant dense<0.000000e+00> : vector<64x4000xf32>
    %dot_general3A_568 = tpu.matmul %get3A_28, %concatenate3A_566, %dot_general3A_567 {dimension_numbers = #tpu.dot_dimension_numbers<[1], [0], [0], [1], [0, 0, 1, 1], [], []>, transpose_lhs_hint = false} : vector<64x33xf32>, vector<33x4000xf32>, vector<64x4000xf32> -> vector<64x4000xf32>
    %slice3A_569 = vector.extract_strided_slice %dot_general3A_568 {offsets = [0, 0], sizes = [16, 4000], strides = [1, 1]} : vector<64x4000xf32> to vector<16x4000xf32>
    %tanh3A_570 = math.tanh %slice3A_569 : vector<16x4000xf32>
    %mul3A_571 = arith.constant 5.000000e-01 : f32
    %mul3A_572 = vector.broadcast %mul3A_571 : f32 to vector<16x4000xf32>
    %mul3A_573 = arith.mulf %mul3A_572, %tanh3A_570 : vector<16x4000xf32>
    %add3A_574 = arith.constant 5.000000e-01 : f32
    %add3A_575 = vector.broadcast %add3A_574 : f32 to vector<16x4000xf32>
    %add3A_576 = arith.addf %mul3A_573, %add3A_575 : vector<16x4000xf32>
    %slice3A_577 = vector.extract_strided_slice %dot_general3A_568 {offsets = [16, 0], sizes = [16, 4000], strides = [1, 1]} : vector<64x4000xf32> to vector<16x4000xf32>
    %tanh3A_578 = math.tanh %slice3A_577 : vector<16x4000xf32>
    %mul3A_579 = arith.constant 5.000000e-01 : f32
    %mul3A_580 = vector.broadcast %mul3A_579 : f32 to vector<16x4000xf32>
    %mul3A_581 = arith.mulf %mul3A_580, %tanh3A_578 : vector<16x4000xf32>
    %add3A_582 = arith.constant 5.000000e-01 : f32
    %add3A_583 = vector.broadcast %add3A_582 : f32 to vector<16x4000xf32>
    %add3A_584 = arith.addf %mul3A_581, %add3A_583 : vector<16x4000xf32>
    %slice3A_585 = vector.extract_strided_slice %dot_general3A_568 {offsets = [32, 0], sizes = [16, 4000], strides = [1, 1]} : vector<64x4000xf32> to vector<16x4000xf32>
    %tanh3A_586 = math.tanh %slice3A_585 : vector<16x4000xf32>
    %slice3A_587 = vector.extract_strided_slice %dot_general3A_568 {offsets = [48, 0], sizes = [16, 4000], strides = [1, 1]} : vector<64x4000xf32> to vector<16x4000xf32>
    %tanh3A_588 = math.tanh %slice3A_587 : vector<16x4000xf32>
    %mul3A_589 = arith.constant 5.000000e-01 : f32
    %mul3A_590 = vector.broadcast %mul3A_589 : f32 to vector<16x4000xf32>
    %mul3A_591 = arith.mulf %mul3A_590, %tanh3A_588 : vector<16x4000xf32>
    %add3A_592 = arith.constant 5.000000e-01 : f32
    %add3A_593 = vector.broadcast %add3A_592 : f32 to vector<16x4000xf32>
    %add3A_594 = arith.addf %mul3A_591, %add3A_593 : vector<16x4000xf32>
    %mul3A_595 = arith.mulf %add3A_584, %add3A_522 : vector<16x4000xf32>
    %mul3A_596 = arith.mulf %add3A_576, %tanh3A_586 : vector<16x4000xf32>
    %add3A_597 = arith.addf %mul3A_595, %mul3A_596 : vector<16x4000xf32>
    %tanh3A_598 = math.tanh %add3A_597 : vector<16x4000xf32>
    %mul3A_599 = arith.mulf %add3A_594, %tanh3A_598 : vector<16x4000xf32>
    %concatenate3A_600 = tpu.concatenate %mul3A_599, %mul3A_558, %broadcast_in_dim3A_32 in 0 : vector<16x4000xf32>, vector<16x4000xf32>, vector<1x4000xf32> -> vector<33x4000xf32>
    %dot_general3A_601 = arith.constant dense<0.000000e+00> : vector<64x4000xf32>
    %dot_general3A_602 = tpu.matmul %get3A_31, %concatenate3A_600, %dot_general3A_601 {dimension_numbers = #tpu.dot_dimension_numbers<[1], [0], [0], [1], [0, 0, 1, 1], [], []>, transpose_lhs_hint = false} : vector<64x33xf32>, vector<33x4000xf32>, vector<64x4000xf32> -> vector<64x4000xf32>
    %slice3A_603 = vector.extract_strided_slice %dot_general3A_602 {offsets = [0, 0], sizes = [16, 4000], strides = [1, 1]} : vector<64x4000xf32> to vector<16x4000xf32>
    %tanh3A_604 = math.tanh %slice3A_603 : vector<16x4000xf32>
    %mul3A_605 = arith.constant 5.000000e-01 : f32
    %mul3A_606 = vector.broadcast %mul3A_605 : f32 to vector<16x4000xf32>
    %mul3A_607 = arith.mulf %mul3A_606, %tanh3A_604 : vector<16x4000xf32>
    %add3A_608 = arith.constant 5.000000e-01 : f32
    %add3A_609 = vector.broadcast %add3A_608 : f32 to vector<16x4000xf32>
    %add3A_610 = arith.addf %mul3A_607, %add3A_609 : vector<16x4000xf32>
    %slice3A_611 = vector.extract_strided_slice %dot_general3A_602 {offsets = [16, 0], sizes = [16, 4000], strides = [1, 1]} : vector<64x4000xf32> to vector<16x4000xf32>
    %tanh3A_612 = math.tanh %slice3A_611 : vector<16x4000xf32>
    %mul3A_613 = arith.constant 5.000000e-01 : f32
    %mul3A_614 = vector.broadcast %mul3A_613 : f32 to vector<16x4000xf32>
    %mul3A_615 = arith.mulf %mul3A_614, %tanh3A_612 : vector<16x4000xf32>
    %add3A_616 = arith.constant 5.000000e-01 : f32
    %add3A_617 = vector.broadcast %add3A_616 : f32 to vector<16x4000xf32>
    %add3A_618 = arith.addf %mul3A_615, %add3A_617 : vector<16x4000xf32>
    %slice3A_619 = vector.extract_strided_slice %dot_general3A_602 {offsets = [32, 0], sizes = [16, 4000], strides = [1, 1]} : vector<64x4000xf32> to vector<16x4000xf32>
    %tanh3A_620 = math.tanh %slice3A_619 : vector<16x4000xf32>
    %slice3A_621 = vector.extract_strided_slice %dot_general3A_602 {offsets = [48, 0], sizes = [16, 4000], strides = [1, 1]} : vector<64x4000xf32> to vector<16x4000xf32>
    %tanh3A_622 = math.tanh %slice3A_621 : vector<16x4000xf32>
    %mul3A_623 = arith.constant 5.000000e-01 : f32
    %mul3A_624 = vector.broadcast %mul3A_623 : f32 to vector<16x4000xf32>
    %mul3A_625 = arith.mulf %mul3A_624, %tanh3A_622 : vector<16x4000xf32>
    %add3A_626 = arith.constant 5.000000e-01 : f32
    %add3A_627 = vector.broadcast %add3A_626 : f32 to vector<16x4000xf32>
    %add3A_628 = arith.addf %mul3A_625, %add3A_627 : vector<16x4000xf32>
    %mul3A_629 = arith.mulf %add3A_618, %add3A_556 : vector<16x4000xf32>
    %mul3A_630 = arith.mulf %add3A_610, %tanh3A_620 : vector<16x4000xf32>
    %add3A_631 = arith.addf %mul3A_629, %mul3A_630 : vector<16x4000xf32>
    %tanh3A_632 = math.tanh %add3A_631 : vector<16x4000xf32>
    %mul3A_633 = arith.mulf %add3A_628, %tanh3A_632 : vector<16x4000xf32>
    %dot_general3A_634 = arith.constant dense<0.000000e+00> : vector<1x4000xf32>
    %dot_general3A_635 = tpu.matmul %transpose3A, %mul3A_633, %dot_general3A_634 {dimension_numbers = #tpu.dot_dimension_numbers<[1], [0], [0], [1], [0, 0, 1, 1], [], []>, precision = #tpu.contract_precision<fp32>, transpose_lhs_hint = false} : vector<1x16xf32>, vector<16x4000xf32>, vector<1x4000xf32> -> vector<1x4000xf32>
    %get3A_636 = arith.constant 8 : index
    %get3A_637 = arith.constant 0 : index
    %get3A_638 = arith.constant 0 : index
    %get3A_639 = vector.load %arg0[%get3A_636, %get3A_637, %get3A_638] : memref<32x16x4000xf32, #tpu.memory_space<vmem>>, vector<1x16x4000xf32>
    %get3A_640 = vector.shape_cast %get3A_639 : vector<1x16x4000xf32> to vector<16x4000xf32>
    %concatenate3A_641 = tpu.concatenate %get3A_640, %mul3A_599, %broadcast_in_dim3A_32 in 0 : vector<16x4000xf32>, vector<16x4000xf32>, vector<1x4000xf32> -> vector<33x4000xf32>
    %dot_general3A_642 = arith.constant dense<0.000000e+00> : vector<64x4000xf32>
    %dot_general3A_643 = tpu.matmul %get3A_28, %concatenate3A_641, %dot_general3A_642 {dimension_numbers = #tpu.dot_dimension_numbers<[1], [0], [0], [1], [0, 0, 1, 1], [], []>, transpose_lhs_hint = false} : vector<64x33xf32>, vector<33x4000xf32>, vector<64x4000xf32> -> vector<64x4000xf32>
    %slice3A_644 = vector.extract_strided_slice %dot_general3A_643 {offsets = [0, 0], sizes = [16, 4000], strides = [1, 1]} : vector<64x4000xf32> to vector<16x4000xf32>
    %tanh3A_645 = math.tanh %slice3A_644 : vector<16x4000xf32>
    %mul3A_646 = arith.constant 5.000000e-01 : f32
    %mul3A_647 = vector.broadcast %mul3A_646 : f32 to vector<16x4000xf32>
    %mul3A_648 = arith.mulf %mul3A_647, %tanh3A_645 : vector<16x4000xf32>
    %add3A_649 = arith.constant 5.000000e-01 : f32
    %add3A_650 = vector.broadcast %add3A_649 : f32 to vector<16x4000xf32>
    %add3A_651 = arith.addf %mul3A_648, %add3A_650 : vector<16x4000xf32>
    %slice3A_652 = vector.extract_strided_slice %dot_general3A_643 {offsets = [16, 0], sizes = [16, 4000], strides = [1, 1]} : vector<64x4000xf32> to vector<16x4000xf32>
    %tanh3A_653 = math.tanh %slice3A_652 : vector<16x4000xf32>
    %mul3A_654 = arith.constant 5.000000e-01 : f32
    %mul3A_655 = vector.broadcast %mul3A_654 : f32 to vector<16x4000xf32>
    %mul3A_656 = arith.mulf %mul3A_655, %tanh3A_653 : vector<16x4000xf32>
    %add3A_657 = arith.constant 5.000000e-01 : f32
    %add3A_658 = vector.broadcast %add3A_657 : f32 to vector<16x4000xf32>
    %add3A_659 = arith.addf %mul3A_656, %add3A_658 : vector<16x4000xf32>
    %slice3A_660 = vector.extract_strided_slice %dot_general3A_643 {offsets = [32, 0], sizes = [16, 4000], strides = [1, 1]} : vector<64x4000xf32> to vector<16x4000xf32>
    %tanh3A_661 = math.tanh %slice3A_660 : vector<16x4000xf32>
    %slice3A_662 = vector.extract_strided_slice %dot_general3A_643 {offsets = [48, 0], sizes = [16, 4000], strides = [1, 1]} : vector<64x4000xf32> to vector<16x4000xf32>
    %tanh3A_663 = math.tanh %slice3A_662 : vector<16x4000xf32>
    %mul3A_664 = arith.constant 5.000000e-01 : f32
    %mul3A_665 = vector.broadcast %mul3A_664 : f32 to vector<16x4000xf32>
    %mul3A_666 = arith.mulf %mul3A_665, %tanh3A_663 : vector<16x4000xf32>
    %add3A_667 = arith.constant 5.000000e-01 : f32
    %add3A_668 = vector.broadcast %add3A_667 : f32 to vector<16x4000xf32>
    %add3A_669 = arith.addf %mul3A_666, %add3A_668 : vector<16x4000xf32>
    %mul3A_670 = arith.mulf %add3A_659, %add3A_597 : vector<16x4000xf32>
    %mul3A_671 = arith.mulf %add3A_651, %tanh3A_661 : vector<16x4000xf32>
    %add3A_672 = arith.addf %mul3A_670, %mul3A_671 : vector<16x4000xf32>
    %tanh3A_673 = math.tanh %add3A_672 : vector<16x4000xf32>
    %mul3A_674 = arith.mulf %add3A_669, %tanh3A_673 : vector<16x4000xf32>
    %concatenate3A_675 = tpu.concatenate %mul3A_674, %mul3A_633, %broadcast_in_dim3A_32 in 0 : vector<16x4000xf32>, vector<16x4000xf32>, vector<1x4000xf32> -> vector<33x4000xf32>
    %dot_general3A_676 = arith.constant dense<0.000000e+00> : vector<64x4000xf32>
    %dot_general3A_677 = tpu.matmul %get3A_31, %concatenate3A_675, %dot_general3A_676 {dimension_numbers = #tpu.dot_dimension_numbers<[1], [0], [0], [1], [0, 0, 1, 1], [], []>, transpose_lhs_hint = false} : vector<64x33xf32>, vector<33x4000xf32>, vector<64x4000xf32> -> vector<64x4000xf32>
    %slice3A_678 = vector.extract_strided_slice %dot_general3A_677 {offsets = [0, 0], sizes = [16, 4000], strides = [1, 1]} : vector<64x4000xf32> to vector<16x4000xf32>
    %tanh3A_679 = math.tanh %slice3A_678 : vector<16x4000xf32>
    %mul3A_680 = arith.constant 5.000000e-01 : f32
    %mul3A_681 = vector.broadcast %mul3A_680 : f32 to vector<16x4000xf32>
    %mul3A_682 = arith.mulf %mul3A_681, %tanh3A_679 : vector<16x4000xf32>
    %add3A_683 = arith.constant 5.000000e-01 : f32
    %add3A_684 = vector.broadcast %add3A_683 : f32 to vector<16x4000xf32>
    %add3A_685 = arith.addf %mul3A_682, %add3A_684 : vector<16x4000xf32>
    %slice3A_686 = vector.extract_strided_slice %dot_general3A_677 {offsets = [16, 0], sizes = [16, 4000], strides = [1, 1]} : vector<64x4000xf32> to vector<16x4000xf32>
    %tanh3A_687 = math.tanh %slice3A_686 : vector<16x4000xf32>
    %mul3A_688 = arith.constant 5.000000e-01 : f32
    %mul3A_689 = vector.broadcast %mul3A_688 : f32 to vector<16x4000xf32>
    %mul3A_690 = arith.mulf %mul3A_689, %tanh3A_687 : vector<16x4000xf32>
    %add3A_691 = arith.constant 5.000000e-01 : f32
    %add3A_692 = vector.broadcast %add3A_691 : f32 to vector<16x4000xf32>
    %add3A_693 = arith.addf %mul3A_690, %add3A_692 : vector<16x4000xf32>
    %slice3A_694 = vector.extract_strided_slice %dot_general3A_677 {offsets = [32, 0], sizes = [16, 4000], strides = [1, 1]} : vector<64x4000xf32> to vector<16x4000xf32>
    %tanh3A_695 = math.tanh %slice3A_694 : vector<16x4000xf32>
    %slice3A_696 = vector.extract_strided_slice %dot_general3A_677 {offsets = [48, 0], sizes = [16, 4000], strides = [1, 1]} : vector<64x4000xf32> to vector<16x4000xf32>
    %tanh3A_697 = math.tanh %slice3A_696 : vector<16x4000xf32>
    %mul3A_698 = arith.constant 5.000000e-01 : f32
    %mul3A_699 = vector.broadcast %mul3A_698 : f32 to vector<16x4000xf32>
    %mul3A_700 = arith.mulf %mul3A_699, %tanh3A_697 : vector<16x4000xf32>
    %add3A_701 = arith.constant 5.000000e-01 : f32
    %add3A_702 = vector.broadcast %add3A_701 : f32 to vector<16x4000xf32>
    %add3A_703 = arith.addf %mul3A_700, %add3A_702 : vector<16x4000xf32>
    %mul3A_704 = arith.mulf %add3A_693, %add3A_631 : vector<16x4000xf32>
    %mul3A_705 = arith.mulf %add3A_685, %tanh3A_695 : vector<16x4000xf32>
    %add3A_706 = arith.addf %mul3A_704, %mul3A_705 : vector<16x4000xf32>
    %tanh3A_707 = math.tanh %add3A_706 : vector<16x4000xf32>
    %mul3A_708 = arith.mulf %add3A_703, %tanh3A_707 : vector<16x4000xf32>
    %dot_general3A_709 = arith.constant dense<0.000000e+00> : vector<1x4000xf32>
    %dot_general3A_710 = tpu.matmul %transpose3A, %mul3A_708, %dot_general3A_709 {dimension_numbers = #tpu.dot_dimension_numbers<[1], [0], [0], [1], [0, 0, 1, 1], [], []>, precision = #tpu.contract_precision<fp32>, transpose_lhs_hint = false} : vector<1x16xf32>, vector<16x4000xf32>, vector<1x4000xf32> -> vector<1x4000xf32>
    %get3A_711 = arith.constant 9 : index
    %get3A_712 = arith.constant 0 : index
    %get3A_713 = arith.constant 0 : index
    %get3A_714 = vector.load %arg0[%get3A_711, %get3A_712, %get3A_713] : memref<32x16x4000xf32, #tpu.memory_space<vmem>>, vector<1x16x4000xf32>
    %get3A_715 = vector.shape_cast %get3A_714 : vector<1x16x4000xf32> to vector<16x4000xf32>
    %concatenate3A_716 = tpu.concatenate %get3A_715, %mul3A_674, %broadcast_in_dim3A_32 in 0 : vector<16x4000xf32>, vector<16x4000xf32>, vector<1x4000xf32> -> vector<33x4000xf32>
    %dot_general3A_717 = arith.constant dense<0.000000e+00> : vector<64x4000xf32>
    %dot_general3A_718 = tpu.matmul %get3A_28, %concatenate3A_716, %dot_general3A_717 {dimension_numbers = #tpu.dot_dimension_numbers<[1], [0], [0], [1], [0, 0, 1, 1], [], []>, transpose_lhs_hint = false} : vector<64x33xf32>, vector<33x4000xf32>, vector<64x4000xf32> -> vector<64x4000xf32>
    %slice3A_719 = vector.extract_strided_slice %dot_general3A_718 {offsets = [0, 0], sizes = [16, 4000], strides = [1, 1]} : vector<64x4000xf32> to vector<16x4000xf32>
    %tanh3A_720 = math.tanh %slice3A_719 : vector<16x4000xf32>
    %mul3A_721 = arith.constant 5.000000e-01 : f32
    %mul3A_722 = vector.broadcast %mul3A_721 : f32 to vector<16x4000xf32>
    %mul3A_723 = arith.mulf %mul3A_722, %tanh3A_720 : vector<16x4000xf32>
    %add3A_724 = arith.constant 5.000000e-01 : f32
    %add3A_725 = vector.broadcast %add3A_724 : f32 to vector<16x4000xf32>
    %add3A_726 = arith.addf %mul3A_723, %add3A_725 : vector<16x4000xf32>
    %slice3A_727 = vector.extract_strided_slice %dot_general3A_718 {offsets = [16, 0], sizes = [16, 4000], strides = [1, 1]} : vector<64x4000xf32> to vector<16x4000xf32>
    %tanh3A_728 = math.tanh %slice3A_727 : vector<16x4000xf32>
    %mul3A_729 = arith.constant 5.000000e-01 : f32
    %mul3A_730 = vector.broadcast %mul3A_729 : f32 to vector<16x4000xf32>
    %mul3A_731 = arith.mulf %mul3A_730, %tanh3A_728 : vector<16x4000xf32>
    %add3A_732 = arith.constant 5.000000e-01 : f32
    %add3A_733 = vector.broadcast %add3A_732 : f32 to vector<16x4000xf32>
    %add3A_734 = arith.addf %mul3A_731, %add3A_733 : vector<16x4000xf32>
    %slice3A_735 = vector.extract_strided_slice %dot_general3A_718 {offsets = [32, 0], sizes = [16, 4000], strides = [1, 1]} : vector<64x4000xf32> to vector<16x4000xf32>
    %tanh3A_736 = math.tanh %slice3A_735 : vector<16x4000xf32>
    %slice3A_737 = vector.extract_strided_slice %dot_general3A_718 {offsets = [48, 0], sizes = [16, 4000], strides = [1, 1]} : vector<64x4000xf32> to vector<16x4000xf32>
    %tanh3A_738 = math.tanh %slice3A_737 : vector<16x4000xf32>
    %mul3A_739 = arith.constant 5.000000e-01 : f32
    %mul3A_740 = vector.broadcast %mul3A_739 : f32 to vector<16x4000xf32>
    %mul3A_741 = arith.mulf %mul3A_740, %tanh3A_738 : vector<16x4000xf32>
    %add3A_742 = arith.constant 5.000000e-01 : f32
    %add3A_743 = vector.broadcast %add3A_742 : f32 to vector<16x4000xf32>
    %add3A_744 = arith.addf %mul3A_741, %add3A_743 : vector<16x4000xf32>
    %mul3A_745 = arith.mulf %add3A_734, %add3A_672 : vector<16x4000xf32>
    %mul3A_746 = arith.mulf %add3A_726, %tanh3A_736 : vector<16x4000xf32>
    %add3A_747 = arith.addf %mul3A_745, %mul3A_746 : vector<16x4000xf32>
    %tanh3A_748 = math.tanh %add3A_747 : vector<16x4000xf32>
    %mul3A_749 = arith.mulf %add3A_744, %tanh3A_748 : vector<16x4000xf32>
    %concatenate3A_750 = tpu.concatenate %mul3A_749, %mul3A_708, %broadcast_in_dim3A_32 in 0 : vector<16x4000xf32>, vector<16x4000xf32>, vector<1x4000xf32> -> vector<33x4000xf32>
    %dot_general3A_751 = arith.constant dense<0.000000e+00> : vector<64x4000xf32>
    %dot_general3A_752 = tpu.matmul %get3A_31, %concatenate3A_750, %dot_general3A_751 {dimension_numbers = #tpu.dot_dimension_numbers<[1], [0], [0], [1], [0, 0, 1, 1], [], []>, transpose_lhs_hint = false} : vector<64x33xf32>, vector<33x4000xf32>, vector<64x4000xf32> -> vector<64x4000xf32>
    %slice3A_753 = vector.extract_strided_slice %dot_general3A_752 {offsets = [0, 0], sizes = [16, 4000], strides = [1, 1]} : vector<64x4000xf32> to vector<16x4000xf32>
    %tanh3A_754 = math.tanh %slice3A_753 : vector<16x4000xf32>
    %mul3A_755 = arith.constant 5.000000e-01 : f32
    %mul3A_756 = vector.broadcast %mul3A_755 : f32 to vector<16x4000xf32>
    %mul3A_757 = arith.mulf %mul3A_756, %tanh3A_754 : vector<16x4000xf32>
    %add3A_758 = arith.constant 5.000000e-01 : f32
    %add3A_759 = vector.broadcast %add3A_758 : f32 to vector<16x4000xf32>
    %add3A_760 = arith.addf %mul3A_757, %add3A_759 : vector<16x4000xf32>
    %slice3A_761 = vector.extract_strided_slice %dot_general3A_752 {offsets = [16, 0], sizes = [16, 4000], strides = [1, 1]} : vector<64x4000xf32> to vector<16x4000xf32>
    %tanh3A_762 = math.tanh %slice3A_761 : vector<16x4000xf32>
    %mul3A_763 = arith.constant 5.000000e-01 : f32
    %mul3A_764 = vector.broadcast %mul3A_763 : f32 to vector<16x4000xf32>
    %mul3A_765 = arith.mulf %mul3A_764, %tanh3A_762 : vector<16x4000xf32>
    %add3A_766 = arith.constant 5.000000e-01 : f32
    %add3A_767 = vector.broadcast %add3A_766 : f32 to vector<16x4000xf32>
    %add3A_768 = arith.addf %mul3A_765, %add3A_767 : vector<16x4000xf32>
    %slice3A_769 = vector.extract_strided_slice %dot_general3A_752 {offsets = [32, 0], sizes = [16, 4000], strides = [1, 1]} : vector<64x4000xf32> to vector<16x4000xf32>
    %tanh3A_770 = math.tanh %slice3A_769 : vector<16x4000xf32>
    %slice3A_771 = vector.extract_strided_slice %dot_general3A_752 {offsets = [48, 0], sizes = [16, 4000], strides = [1, 1]} : vector<64x4000xf32> to vector<16x4000xf32>
    %tanh3A_772 = math.tanh %slice3A_771 : vector<16x4000xf32>
    %mul3A_773 = arith.constant 5.000000e-01 : f32
    %mul3A_774 = vector.broadcast %mul3A_773 : f32 to vector<16x4000xf32>
    %mul3A_775 = arith.mulf %mul3A_774, %tanh3A_772 : vector<16x4000xf32>
    %add3A_776 = arith.constant 5.000000e-01 : f32
    %add3A_777 = vector.broadcast %add3A_776 : f32 to vector<16x4000xf32>
    %add3A_778 = arith.addf %mul3A_775, %add3A_777 : vector<16x4000xf32>
    %mul3A_779 = arith.mulf %add3A_768, %add3A_706 : vector<16x4000xf32>
    %mul3A_780 = arith.mulf %add3A_760, %tanh3A_770 : vector<16x4000xf32>
    %add3A_781 = arith.addf %mul3A_779, %mul3A_780 : vector<16x4000xf32>
    %tanh3A_782 = math.tanh %add3A_781 : vector<16x4000xf32>
    %mul3A_783 = arith.mulf %add3A_778, %tanh3A_782 : vector<16x4000xf32>
    %dot_general3A_784 = arith.constant dense<0.000000e+00> : vector<1x4000xf32>
    %dot_general3A_785 = tpu.matmul %transpose3A, %mul3A_783, %dot_general3A_784 {dimension_numbers = #tpu.dot_dimension_numbers<[1], [0], [0], [1], [0, 0, 1, 1], [], []>, precision = #tpu.contract_precision<fp32>, transpose_lhs_hint = false} : vector<1x16xf32>, vector<16x4000xf32>, vector<1x4000xf32> -> vector<1x4000xf32>
    %get3A_786 = arith.constant 10 : index
    %get3A_787 = arith.constant 0 : index
    %get3A_788 = arith.constant 0 : index
    %get3A_789 = vector.load %arg0[%get3A_786, %get3A_787, %get3A_788] : memref<32x16x4000xf32, #tpu.memory_space<vmem>>, vector<1x16x4000xf32>
    %get3A_790 = vector.shape_cast %get3A_789 : vector<1x16x4000xf32> to vector<16x4000xf32>
    %concatenate3A_791 = tpu.concatenate %get3A_790, %mul3A_749, %broadcast_in_dim3A_32 in 0 : vector<16x4000xf32>, vector<16x4000xf32>, vector<1x4000xf32> -> vector<33x4000xf32>
    %dot_general3A_792 = arith.constant dense<0.000000e+00> : vector<64x4000xf32>
    %dot_general3A_793 = tpu.matmul %get3A_28, %concatenate3A_791, %dot_general3A_792 {dimension_numbers = #tpu.dot_dimension_numbers<[1], [0], [0], [1], [0, 0, 1, 1], [], []>, transpose_lhs_hint = false} : vector<64x33xf32>, vector<33x4000xf32>, vector<64x4000xf32> -> vector<64x4000xf32>
    %slice3A_794 = vector.extract_strided_slice %dot_general3A_793 {offsets = [0, 0], sizes = [16, 4000], strides = [1, 1]} : vector<64x4000xf32> to vector<16x4000xf32>
    %tanh3A_795 = math.tanh %slice3A_794 : vector<16x4000xf32>
    %mul3A_796 = arith.constant 5.000000e-01 : f32
    %mul3A_797 = vector.broadcast %mul3A_796 : f32 to vector<16x4000xf32>
    %mul3A_798 = arith.mulf %mul3A_797, %tanh3A_795 : vector<16x4000xf32>
    %add3A_799 = arith.constant 5.000000e-01 : f32
    %add3A_800 = vector.broadcast %add3A_799 : f32 to vector<16x4000xf32>
    %add3A_801 = arith.addf %mul3A_798, %add3A_800 : vector<16x4000xf32>
    %slice3A_802 = vector.extract_strided_slice %dot_general3A_793 {offsets = [16, 0], sizes = [16, 4000], strides = [1, 1]} : vector<64x4000xf32> to vector<16x4000xf32>
    %tanh3A_803 = math.tanh %slice3A_802 : vector<16x4000xf32>
    %mul3A_804 = arith.constant 5.000000e-01 : f32
    %mul3A_805 = vector.broadcast %mul3A_804 : f32 to vector<16x4000xf32>
    %mul3A_806 = arith.mulf %mul3A_805, %tanh3A_803 : vector<16x4000xf32>
    %add3A_807 = arith.constant 5.000000e-01 : f32
    %add3A_808 = vector.broadcast %add3A_807 : f32 to vector<16x4000xf32>
    %add3A_809 = arith.addf %mul3A_806, %add3A_808 : vector<16x4000xf32>
    %slice3A_810 = vector.extract_strided_slice %dot_general3A_793 {offsets = [32, 0], sizes = [16, 4000], strides = [1, 1]} : vector<64x4000xf32> to vector<16x4000xf32>
    %tanh3A_811 = math.tanh %slice3A_810 : vector<16x4000xf32>
    %slice3A_812 = vector.extract_strided_slice %dot_general3A_793 {offsets = [48, 0], sizes = [16, 4000], strides = [1, 1]} : vector<64x4000xf32> to vector<16x4000xf32>
    %tanh3A_813 = math.tanh %slice3A_812 : vector<16x4000xf32>
    %mul3A_814 = arith.constant 5.000000e-01 : f32
    %mul3A_815 = vector.broadcast %mul3A_814 : f32 to vector<16x4000xf32>
    %mul3A_816 = arith.mulf %mul3A_815, %tanh3A_813 : vector<16x4000xf32>
    %add3A_817 = arith.constant 5.000000e-01 : f32
    %add3A_818 = vector.broadcast %add3A_817 : f32 to vector<16x4000xf32>
    %add3A_819 = arith.addf %mul3A_816, %add3A_818 : vector<16x4000xf32>
    %mul3A_820 = arith.mulf %add3A_809, %add3A_747 : vector<16x4000xf32>
    %mul3A_821 = arith.mulf %add3A_801, %tanh3A_811 : vector<16x4000xf32>
    %add3A_822 = arith.addf %mul3A_820, %mul3A_821 : vector<16x4000xf32>
    %tanh3A_823 = math.tanh %add3A_822 : vector<16x4000xf32>
    %mul3A_824 = arith.mulf %add3A_819, %tanh3A_823 : vector<16x4000xf32>
    %concatenate3A_825 = tpu.concatenate %mul3A_824, %mul3A_783, %broadcast_in_dim3A_32 in 0 : vector<16x4000xf32>, vector<16x4000xf32>, vector<1x4000xf32> -> vector<33x4000xf32>
    %dot_general3A_826 = arith.constant dense<0.000000e+00> : vector<64x4000xf32>
    %dot_general3A_827 = tpu.matmul %get3A_31, %concatenate3A_825, %dot_general3A_826 {dimension_numbers = #tpu.dot_dimension_numbers<[1], [0], [0], [1], [0, 0, 1, 1], [], []>, transpose_lhs_hint = false} : vector<64x33xf32>, vector<33x4000xf32>, vector<64x4000xf32> -> vector<64x4000xf32>
    %slice3A_828 = vector.extract_strided_slice %dot_general3A_827 {offsets = [0, 0], sizes = [16, 4000], strides = [1, 1]} : vector<64x4000xf32> to vector<16x4000xf32>
    %tanh3A_829 = math.tanh %slice3A_828 : vector<16x4000xf32>
    %mul3A_830 = arith.constant 5.000000e-01 : f32
    %mul3A_831 = vector.broadcast %mul3A_830 : f32 to vector<16x4000xf32>
    %mul3A_832 = arith.mulf %mul3A_831, %tanh3A_829 : vector<16x4000xf32>
    %add3A_833 = arith.constant 5.000000e-01 : f32
    %add3A_834 = vector.broadcast %add3A_833 : f32 to vector<16x4000xf32>
    %add3A_835 = arith.addf %mul3A_832, %add3A_834 : vector<16x4000xf32>
    %slice3A_836 = vector.extract_strided_slice %dot_general3A_827 {offsets = [16, 0], sizes = [16, 4000], strides = [1, 1]} : vector<64x4000xf32> to vector<16x4000xf32>
    %tanh3A_837 = math.tanh %slice3A_836 : vector<16x4000xf32>
    %mul3A_838 = arith.constant 5.000000e-01 : f32
    %mul3A_839 = vector.broadcast %mul3A_838 : f32 to vector<16x4000xf32>
    %mul3A_840 = arith.mulf %mul3A_839, %tanh3A_837 : vector<16x4000xf32>
    %add3A_841 = arith.constant 5.000000e-01 : f32
    %add3A_842 = vector.broadcast %add3A_841 : f32 to vector<16x4000xf32>
    %add3A_843 = arith.addf %mul3A_840, %add3A_842 : vector<16x4000xf32>
    %slice3A_844 = vector.extract_strided_slice %dot_general3A_827 {offsets = [32, 0], sizes = [16, 4000], strides = [1, 1]} : vector<64x4000xf32> to vector<16x4000xf32>
    %tanh3A_845 = math.tanh %slice3A_844 : vector<16x4000xf32>
    %slice3A_846 = vector.extract_strided_slice %dot_general3A_827 {offsets = [48, 0], sizes = [16, 4000], strides = [1, 1]} : vector<64x4000xf32> to vector<16x4000xf32>
    %tanh3A_847 = math.tanh %slice3A_846 : vector<16x4000xf32>
    %mul3A_848 = arith.constant 5.000000e-01 : f32
    %mul3A_849 = vector.broadcast %mul3A_848 : f32 to vector<16x4000xf32>
    %mul3A_850 = arith.mulf %mul3A_849, %tanh3A_847 : vector<16x4000xf32>
    %add3A_851 = arith.constant 5.000000e-01 : f32
    %add3A_852 = vector.broadcast %add3A_851 : f32 to vector<16x4000xf32>
    %add3A_853 = arith.addf %mul3A_850, %add3A_852 : vector<16x4000xf32>
    %mul3A_854 = arith.mulf %add3A_843, %add3A_781 : vector<16x4000xf32>
    %mul3A_855 = arith.mulf %add3A_835, %tanh3A_845 : vector<16x4000xf32>
    %add3A_856 = arith.addf %mul3A_854, %mul3A_855 : vector<16x4000xf32>
    %tanh3A_857 = math.tanh %add3A_856 : vector<16x4000xf32>
    %mul3A_858 = arith.mulf %add3A_853, %tanh3A_857 : vector<16x4000xf32>
    %dot_general3A_859 = arith.constant dense<0.000000e+00> : vector<1x4000xf32>
    %dot_general3A_860 = tpu.matmul %transpose3A, %mul3A_858, %dot_general3A_859 {dimension_numbers = #tpu.dot_dimension_numbers<[1], [0], [0], [1], [0, 0, 1, 1], [], []>, precision = #tpu.contract_precision<fp32>, transpose_lhs_hint = false} : vector<1x16xf32>, vector<16x4000xf32>, vector<1x4000xf32> -> vector<1x4000xf32>
    %get3A_861 = arith.constant 11 : index
    %get3A_862 = arith.constant 0 : index
    %get3A_863 = arith.constant 0 : index
    %get3A_864 = vector.load %arg0[%get3A_861, %get3A_862, %get3A_863] : memref<32x16x4000xf32, #tpu.memory_space<vmem>>, vector<1x16x4000xf32>
    %get3A_865 = vector.shape_cast %get3A_864 : vector<1x16x4000xf32> to vector<16x4000xf32>
    %concatenate3A_866 = tpu.concatenate %get3A_865, %mul3A_824, %broadcast_in_dim3A_32 in 0 : vector<16x4000xf32>, vector<16x4000xf32>, vector<1x4000xf32> -> vector<33x4000xf32>
    %dot_general3A_867 = arith.constant dense<0.000000e+00> : vector<64x4000xf32>
    %dot_general3A_868 = tpu.matmul %get3A_28, %concatenate3A_866, %dot_general3A_867 {dimension_numbers = #tpu.dot_dimension_numbers<[1], [0], [0], [1], [0, 0, 1, 1], [], []>, transpose_lhs_hint = false} : vector<64x33xf32>, vector<33x4000xf32>, vector<64x4000xf32> -> vector<64x4000xf32>
    %slice3A_869 = vector.extract_strided_slice %dot_general3A_868 {offsets = [0, 0], sizes = [16, 4000], strides = [1, 1]} : vector<64x4000xf32> to vector<16x4000xf32>
    %tanh3A_870 = math.tanh %slice3A_869 : vector<16x4000xf32>
    %mul3A_871 = arith.constant 5.000000e-01 : f32
    %mul3A_872 = vector.broadcast %mul3A_871 : f32 to vector<16x4000xf32>
    %mul3A_873 = arith.mulf %mul3A_872, %tanh3A_870 : vector<16x4000xf32>
    %add3A_874 = arith.constant 5.000000e-01 : f32
    %add3A_875 = vector.broadcast %add3A_874 : f32 to vector<16x4000xf32>
    %add3A_876 = arith.addf %mul3A_873, %add3A_875 : vector<16x4000xf32>
    %slice3A_877 = vector.extract_strided_slice %dot_general3A_868 {offsets = [16, 0], sizes = [16, 4000], strides = [1, 1]} : vector<64x4000xf32> to vector<16x4000xf32>
    %tanh3A_878 = math.tanh %slice3A_877 : vector<16x4000xf32>
    %mul3A_879 = arith.constant 5.000000e-01 : f32
    %mul3A_880 = vector.broadcast %mul3A_879 : f32 to vector<16x4000xf32>
    %mul3A_881 = arith.mulf %mul3A_880, %tanh3A_878 : vector<16x4000xf32>
    %add3A_882 = arith.constant 5.000000e-01 : f32
    %add3A_883 = vector.broadcast %add3A_882 : f32 to vector<16x4000xf32>
    %add3A_884 = arith.addf %mul3A_881, %add3A_883 : vector<16x4000xf32>
    %slice3A_885 = vector.extract_strided_slice %dot_general3A_868 {offsets = [32, 0], sizes = [16, 4000], strides = [1, 1]} : vector<64x4000xf32> to vector<16x4000xf32>
    %tanh3A_886 = math.tanh %slice3A_885 : vector<16x4000xf32>
    %slice3A_887 = vector.extract_strided_slice %dot_general3A_868 {offsets = [48, 0], sizes = [16, 4000], strides = [1, 1]} : vector<64x4000xf32> to vector<16x4000xf32>
    %tanh3A_888 = math.tanh %slice3A_887 : vector<16x4000xf32>
    %mul3A_889 = arith.constant 5.000000e-01 : f32
    %mul3A_890 = vector.broadcast %mul3A_889 : f32 to vector<16x4000xf32>
    %mul3A_891 = arith.mulf %mul3A_890, %tanh3A_888 : vector<16x4000xf32>
    %add3A_892 = arith.constant 5.000000e-01 : f32
    %add3A_893 = vector.broadcast %add3A_892 : f32 to vector<16x4000xf32>
    %add3A_894 = arith.addf %mul3A_891, %add3A_893 : vector<16x4000xf32>
    %mul3A_895 = arith.mulf %add3A_884, %add3A_822 : vector<16x4000xf32>
    %mul3A_896 = arith.mulf %add3A_876, %tanh3A_886 : vector<16x4000xf32>
    %add3A_897 = arith.addf %mul3A_895, %mul3A_896 : vector<16x4000xf32>
    %tanh3A_898 = math.tanh %add3A_897 : vector<16x4000xf32>
    %mul3A_899 = arith.mulf %add3A_894, %tanh3A_898 : vector<16x4000xf32>
    %concatenate3A_900 = tpu.concatenate %mul3A_899, %mul3A_858, %broadcast_in_dim3A_32 in 0 : vector<16x4000xf32>, vector<16x4000xf32>, vector<1x4000xf32> -> vector<33x4000xf32>
    %dot_general3A_901 = arith.constant dense<0.000000e+00> : vector<64x4000xf32>
    %dot_general3A_902 = tpu.matmul %get3A_31, %concatenate3A_900, %dot_general3A_901 {dimension_numbers = #tpu.dot_dimension_numbers<[1], [0], [0], [1], [0, 0, 1, 1], [], []>, transpose_lhs_hint = false} : vector<64x33xf32>, vector<33x4000xf32>, vector<64x4000xf32> -> vector<64x4000xf32>
    %slice3A_903 = vector.extract_strided_slice %dot_general3A_902 {offsets = [0, 0], sizes = [16, 4000], strides = [1, 1]} : vector<64x4000xf32> to vector<16x4000xf32>
    %tanh3A_904 = math.tanh %slice3A_903 : vector<16x4000xf32>
    %mul3A_905 = arith.constant 5.000000e-01 : f32
    %mul3A_906 = vector.broadcast %mul3A_905 : f32 to vector<16x4000xf32>
    %mul3A_907 = arith.mulf %mul3A_906, %tanh3A_904 : vector<16x4000xf32>
    %add3A_908 = arith.constant 5.000000e-01 : f32
    %add3A_909 = vector.broadcast %add3A_908 : f32 to vector<16x4000xf32>
    %add3A_910 = arith.addf %mul3A_907, %add3A_909 : vector<16x4000xf32>
    %slice3A_911 = vector.extract_strided_slice %dot_general3A_902 {offsets = [16, 0], sizes = [16, 4000], strides = [1, 1]} : vector<64x4000xf32> to vector<16x4000xf32>
    %tanh3A_912 = math.tanh %slice3A_911 : vector<16x4000xf32>
    %mul3A_913 = arith.constant 5.000000e-01 : f32
    %mul3A_914 = vector.broadcast %mul3A_913 : f32 to vector<16x4000xf32>
    %mul3A_915 = arith.mulf %mul3A_914, %tanh3A_912 : vector<16x4000xf32>
    %add3A_916 = arith.constant 5.000000e-01 : f32
    %add3A_917 = vector.broadcast %add3A_916 : f32 to vector<16x4000xf32>
    %add3A_918 = arith.addf %mul3A_915, %add3A_917 : vector<16x4000xf32>
    %slice3A_919 = vector.extract_strided_slice %dot_general3A_902 {offsets = [32, 0], sizes = [16, 4000], strides = [1, 1]} : vector<64x4000xf32> to vector<16x4000xf32>
    %tanh3A_920 = math.tanh %slice3A_919 : vector<16x4000xf32>
    %slice3A_921 = vector.extract_strided_slice %dot_general3A_902 {offsets = [48, 0], sizes = [16, 4000], strides = [1, 1]} : vector<64x4000xf32> to vector<16x4000xf32>
    %tanh3A_922 = math.tanh %slice3A_921 : vector<16x4000xf32>
    %mul3A_923 = arith.constant 5.000000e-01 : f32
    %mul3A_924 = vector.broadcast %mul3A_923 : f32 to vector<16x4000xf32>
    %mul3A_925 = arith.mulf %mul3A_924, %tanh3A_922 : vector<16x4000xf32>
    %add3A_926 = arith.constant 5.000000e-01 : f32
    %add3A_927 = vector.broadcast %add3A_926 : f32 to vector<16x4000xf32>
    %add3A_928 = arith.addf %mul3A_925, %add3A_927 : vector<16x4000xf32>
    %mul3A_929 = arith.mulf %add3A_918, %add3A_856 : vector<16x4000xf32>
    %mul3A_930 = arith.mulf %add3A_910, %tanh3A_920 : vector<16x4000xf32>
    %add3A_931 = arith.addf %mul3A_929, %mul3A_930 : vector<16x4000xf32>
    %tanh3A_932 = math.tanh %add3A_931 : vector<16x4000xf32>
    %mul3A_933 = arith.mulf %add3A_928, %tanh3A_932 : vector<16x4000xf32>
    %dot_general3A_934 = arith.constant dense<0.000000e+00> : vector<1x4000xf32>
    %dot_general3A_935 = tpu.matmul %transpose3A, %mul3A_933, %dot_general3A_934 {dimension_numbers = #tpu.dot_dimension_numbers<[1], [0], [0], [1], [0, 0, 1, 1], [], []>, precision = #tpu.contract_precision<fp32>, transpose_lhs_hint = false} : vector<1x16xf32>, vector<16x4000xf32>, vector<1x4000xf32> -> vector<1x4000xf32>
    %get3A_936 = arith.constant 12 : index
    %get3A_937 = arith.constant 0 : index
    %get3A_938 = arith.constant 0 : index
    %get3A_939 = vector.load %arg0[%get3A_936, %get3A_937, %get3A_938] : memref<32x16x4000xf32, #tpu.memory_space<vmem>>, vector<1x16x4000xf32>
    %get3A_940 = vector.shape_cast %get3A_939 : vector<1x16x4000xf32> to vector<16x4000xf32>
    %concatenate3A_941 = tpu.concatenate %get3A_940, %mul3A_899, %broadcast_in_dim3A_32 in 0 : vector<16x4000xf32>, vector<16x4000xf32>, vector<1x4000xf32> -> vector<33x4000xf32>
    %dot_general3A_942 = arith.constant dense<0.000000e+00> : vector<64x4000xf32>
    %dot_general3A_943 = tpu.matmul %get3A_28, %concatenate3A_941, %dot_general3A_942 {dimension_numbers = #tpu.dot_dimension_numbers<[1], [0], [0], [1], [0, 0, 1, 1], [], []>, transpose_lhs_hint = false} : vector<64x33xf32>, vector<33x4000xf32>, vector<64x4000xf32> -> vector<64x4000xf32>
    %slice3A_944 = vector.extract_strided_slice %dot_general3A_943 {offsets = [0, 0], sizes = [16, 4000], strides = [1, 1]} : vector<64x4000xf32> to vector<16x4000xf32>
    %tanh3A_945 = math.tanh %slice3A_944 : vector<16x4000xf32>
    %mul3A_946 = arith.constant 5.000000e-01 : f32
    %mul3A_947 = vector.broadcast %mul3A_946 : f32 to vector<16x4000xf32>
    %mul3A_948 = arith.mulf %mul3A_947, %tanh3A_945 : vector<16x4000xf32>
    %add3A_949 = arith.constant 5.000000e-01 : f32
    %add3A_950 = vector.broadcast %add3A_949 : f32 to vector<16x4000xf32>
    %add3A_951 = arith.addf %mul3A_948, %add3A_950 : vector<16x4000xf32>
    %slice3A_952 = vector.extract_strided_slice %dot_general3A_943 {offsets = [16, 0], sizes = [16, 4000], strides = [1, 1]} : vector<64x4000xf32> to vector<16x4000xf32>
    %tanh3A_953 = math.tanh %slice3A_952 : vector<16x4000xf32>
    %mul3A_954 = arith.constant 5.000000e-01 : f32
    %mul3A_955 = vector.broadcast %mul3A_954 : f32 to vector<16x4000xf32>
    %mul3A_956 = arith.mulf %mul3A_955, %tanh3A_953 : vector<16x4000xf32>
    %add3A_957 = arith.constant 5.000000e-01 : f32
    %add3A_958 = vector.broadcast %add3A_957 : f32 to vector<16x4000xf32>
    %add3A_959 = arith.addf %mul3A_956, %add3A_958 : vector<16x4000xf32>
    %slice3A_960 = vector.extract_strided_slice %dot_general3A_943 {offsets = [32, 0], sizes = [16, 4000], strides = [1, 1]} : vector<64x4000xf32> to vector<16x4000xf32>
    %tanh3A_961 = math.tanh %slice3A_960 : vector<16x4000xf32>
    %slice3A_962 = vector.extract_strided_slice %dot_general3A_943 {offsets = [48, 0], sizes = [16, 4000], strides = [1, 1]} : vector<64x4000xf32> to vector<16x4000xf32>
    %tanh3A_963 = math.tanh %slice3A_962 : vector<16x4000xf32>
    %mul3A_964 = arith.constant 5.000000e-01 : f32
    %mul3A_965 = vector.broadcast %mul3A_964 : f32 to vector<16x4000xf32>
    %mul3A_966 = arith.mulf %mul3A_965, %tanh3A_963 : vector<16x4000xf32>
    %add3A_967 = arith.constant 5.000000e-01 : f32
    %add3A_968 = vector.broadcast %add3A_967 : f32 to vector<16x4000xf32>
    %add3A_969 = arith.addf %mul3A_966, %add3A_968 : vector<16x4000xf32>
    %mul3A_970 = arith.mulf %add3A_959, %add3A_897 : vector<16x4000xf32>
    %mul3A_971 = arith.mulf %add3A_951, %tanh3A_961 : vector<16x4000xf32>
    %add3A_972 = arith.addf %mul3A_970, %mul3A_971 : vector<16x4000xf32>
    %tanh3A_973 = math.tanh %add3A_972 : vector<16x4000xf32>
    %mul3A_974 = arith.mulf %add3A_969, %tanh3A_973 : vector<16x4000xf32>
    %concatenate3A_975 = tpu.concatenate %mul3A_974, %mul3A_933, %broadcast_in_dim3A_32 in 0 : vector<16x4000xf32>, vector<16x4000xf32>, vector<1x4000xf32> -> vector<33x4000xf32>
    %dot_general3A_976 = arith.constant dense<0.000000e+00> : vector<64x4000xf32>
    %dot_general3A_977 = tpu.matmul %get3A_31, %concatenate3A_975, %dot_general3A_976 {dimension_numbers = #tpu.dot_dimension_numbers<[1], [0], [0], [1], [0, 0, 1, 1], [], []>, transpose_lhs_hint = false} : vector<64x33xf32>, vector<33x4000xf32>, vector<64x4000xf32> -> vector<64x4000xf32>
    %slice3A_978 = vector.extract_strided_slice %dot_general3A_977 {offsets = [0, 0], sizes = [16, 4000], strides = [1, 1]} : vector<64x4000xf32> to vector<16x4000xf32>
    %tanh3A_979 = math.tanh %slice3A_978 : vector<16x4000xf32>
    %mul3A_980 = arith.constant 5.000000e-01 : f32
    %mul3A_981 = vector.broadcast %mul3A_980 : f32 to vector<16x4000xf32>
    %mul3A_982 = arith.mulf %mul3A_981, %tanh3A_979 : vector<16x4000xf32>
    %add3A_983 = arith.constant 5.000000e-01 : f32
    %add3A_984 = vector.broadcast %add3A_983 : f32 to vector<16x4000xf32>
    %add3A_985 = arith.addf %mul3A_982, %add3A_984 : vector<16x4000xf32>
    %slice3A_986 = vector.extract_strided_slice %dot_general3A_977 {offsets = [16, 0], sizes = [16, 4000], strides = [1, 1]} : vector<64x4000xf32> to vector<16x4000xf32>
    %tanh3A_987 = math.tanh %slice3A_986 : vector<16x4000xf32>
    %mul3A_988 = arith.constant 5.000000e-01 : f32
    %mul3A_989 = vector.broadcast %mul3A_988 : f32 to vector<16x4000xf32>
    %mul3A_990 = arith.mulf %mul3A_989, %tanh3A_987 : vector<16x4000xf32>
    %add3A_991 = arith.constant 5.000000e-01 : f32
    %add3A_992 = vector.broadcast %add3A_991 : f32 to vector<16x4000xf32>
    %add3A_993 = arith.addf %mul3A_990, %add3A_992 : vector<16x4000xf32>
    %slice3A_994 = vector.extract_strided_slice %dot_general3A_977 {offsets = [32, 0], sizes = [16, 4000], strides = [1, 1]} : vector<64x4000xf32> to vector<16x4000xf32>
    %tanh3A_995 = math.tanh %slice3A_994 : vector<16x4000xf32>
    %slice3A_996 = vector.extract_strided_slice %dot_general3A_977 {offsets = [48, 0], sizes = [16, 4000], strides = [1, 1]} : vector<64x4000xf32> to vector<16x4000xf32>
    %tanh3A_997 = math.tanh %slice3A_996 : vector<16x4000xf32>
    %mul3A_998 = arith.constant 5.000000e-01 : f32
    %mul3A_999 = vector.broadcast %mul3A_998 : f32 to vector<16x4000xf32>
    %mul3A_1000 = arith.mulf %mul3A_999, %tanh3A_997 : vector<16x4000xf32>
    %add3A_1001 = arith.constant 5.000000e-01 : f32
    %add3A_1002 = vector.broadcast %add3A_1001 : f32 to vector<16x4000xf32>
    %add3A_1003 = arith.addf %mul3A_1000, %add3A_1002 : vector<16x4000xf32>
    %mul3A_1004 = arith.mulf %add3A_993, %add3A_931 : vector<16x4000xf32>
    %mul3A_1005 = arith.mulf %add3A_985, %tanh3A_995 : vector<16x4000xf32>
    %add3A_1006 = arith.addf %mul3A_1004, %mul3A_1005 : vector<16x4000xf32>
    %tanh3A_1007 = math.tanh %add3A_1006 : vector<16x4000xf32>
    %mul3A_1008 = arith.mulf %add3A_1003, %tanh3A_1007 : vector<16x4000xf32>
    %dot_general3A_1009 = arith.constant dense<0.000000e+00> : vector<1x4000xf32>
    %dot_general3A_1010 = tpu.matmul %transpose3A, %mul3A_1008, %dot_general3A_1009 {dimension_numbers = #tpu.dot_dimension_numbers<[1], [0], [0], [1], [0, 0, 1, 1], [], []>, precision = #tpu.contract_precision<fp32>, transpose_lhs_hint = false} : vector<1x16xf32>, vector<16x4000xf32>, vector<1x4000xf32> -> vector<1x4000xf32>
    %get3A_1011 = arith.constant 13 : index
    %get3A_1012 = arith.constant 0 : index
    %get3A_1013 = arith.constant 0 : index
    %get3A_1014 = vector.load %arg0[%get3A_1011, %get3A_1012, %get3A_1013] : memref<32x16x4000xf32, #tpu.memory_space<vmem>>, vector<1x16x4000xf32>
    %get3A_1015 = vector.shape_cast %get3A_1014 : vector<1x16x4000xf32> to vector<16x4000xf32>
    %concatenate3A_1016 = tpu.concatenate %get3A_1015, %mul3A_974, %broadcast_in_dim3A_32 in 0 : vector<16x4000xf32>, vector<16x4000xf32>, vector<1x4000xf32> -> vector<33x4000xf32>
    %dot_general3A_1017 = arith.constant dense<0.000000e+00> : vector<64x4000xf32>
    %dot_general3A_1018 = tpu.matmul %get3A_28, %concatenate3A_1016, %dot_general3A_1017 {dimension_numbers = #tpu.dot_dimension_numbers<[1], [0], [0], [1], [0, 0, 1, 1], [], []>, transpose_lhs_hint = false} : vector<64x33xf32>, vector<33x4000xf32>, vector<64x4000xf32> -> vector<64x4000xf32>
    %slice3A_1019 = vector.extract_strided_slice %dot_general3A_1018 {offsets = [0, 0], sizes = [16, 4000], strides = [1, 1]} : vector<64x4000xf32> to vector<16x4000xf32>
    %tanh3A_1020 = math.tanh %slice3A_1019 : vector<16x4000xf32>
    %mul3A_1021 = arith.constant 5.000000e-01 : f32
    %mul3A_1022 = vector.broadcast %mul3A_1021 : f32 to vector<16x4000xf32>
    %mul3A_1023 = arith.mulf %mul3A_1022, %tanh3A_1020 : vector<16x4000xf32>
    %add3A_1024 = arith.constant 5.000000e-01 : f32
    %add3A_1025 = vector.broadcast %add3A_1024 : f32 to vector<16x4000xf32>
    %add3A_1026 = arith.addf %mul3A_1023, %add3A_1025 : vector<16x4000xf32>
    %slice3A_1027 = vector.extract_strided_slice %dot_general3A_1018 {offsets = [16, 0], sizes = [16, 4000], strides = [1, 1]} : vector<64x4000xf32> to vector<16x4000xf32>
    %tanh3A_1028 = math.tanh %slice3A_1027 : vector<16x4000xf32>
    %mul3A_1029 = arith.constant 5.000000e-01 : f32
    %mul3A_1030 = vector.broadcast %mul3A_1029 : f32 to vector<16x4000xf32>
    %mul3A_1031 = arith.mulf %mul3A_1030, %tanh3A_1028 : vector<16x4000xf32>
    %add3A_1032 = arith.constant 5.000000e-01 : f32
    %add3A_1033 = vector.broadcast %add3A_1032 : f32 to vector<16x4000xf32>
    %add3A_1034 = arith.addf %mul3A_1031, %add3A_1033 : vector<16x4000xf32>
    %slice3A_1035 = vector.extract_strided_slice %dot_general3A_1018 {offsets = [32, 0], sizes = [16, 4000], strides = [1, 1]} : vector<64x4000xf32> to vector<16x4000xf32>
    %tanh3A_1036 = math.tanh %slice3A_1035 : vector<16x4000xf32>
    %slice3A_1037 = vector.extract_strided_slice %dot_general3A_1018 {offsets = [48, 0], sizes = [16, 4000], strides = [1, 1]} : vector<64x4000xf32> to vector<16x4000xf32>
    %tanh3A_1038 = math.tanh %slice3A_1037 : vector<16x4000xf32>
    %mul3A_1039 = arith.constant 5.000000e-01 : f32
    %mul3A_1040 = vector.broadcast %mul3A_1039 : f32 to vector<16x4000xf32>
    %mul3A_1041 = arith.mulf %mul3A_1040, %tanh3A_1038 : vector<16x4000xf32>
    %add3A_1042 = arith.constant 5.000000e-01 : f32
    %add3A_1043 = vector.broadcast %add3A_1042 : f32 to vector<16x4000xf32>
    %add3A_1044 = arith.addf %mul3A_1041, %add3A_1043 : vector<16x4000xf32>
    %mul3A_1045 = arith.mulf %add3A_1034, %add3A_972 : vector<16x4000xf32>
    %mul3A_1046 = arith.mulf %add3A_1026, %tanh3A_1036 : vector<16x4000xf32>
    %add3A_1047 = arith.addf %mul3A_1045, %mul3A_1046 : vector<16x4000xf32>
    %tanh3A_1048 = math.tanh %add3A_1047 : vector<16x4000xf32>
    %mul3A_1049 = arith.mulf %add3A_1044, %tanh3A_1048 : vector<16x4000xf32>
    %concatenate3A_1050 = tpu.concatenate %mul3A_1049, %mul3A_1008, %broadcast_in_dim3A_32 in 0 : vector<16x4000xf32>, vector<16x4000xf32>, vector<1x4000xf32> -> vector<33x4000xf32>
    %dot_general3A_1051 = arith.constant dense<0.000000e+00> : vector<64x4000xf32>
    %dot_general3A_1052 = tpu.matmul %get3A_31, %concatenate3A_1050, %dot_general3A_1051 {dimension_numbers = #tpu.dot_dimension_numbers<[1], [0], [0], [1], [0, 0, 1, 1], [], []>, transpose_lhs_hint = false} : vector<64x33xf32>, vector<33x4000xf32>, vector<64x4000xf32> -> vector<64x4000xf32>
    %slice3A_1053 = vector.extract_strided_slice %dot_general3A_1052 {offsets = [0, 0], sizes = [16, 4000], strides = [1, 1]} : vector<64x4000xf32> to vector<16x4000xf32>
    %tanh3A_1054 = math.tanh %slice3A_1053 : vector<16x4000xf32>
    %mul3A_1055 = arith.constant 5.000000e-01 : f32
    %mul3A_1056 = vector.broadcast %mul3A_1055 : f32 to vector<16x4000xf32>
    %mul3A_1057 = arith.mulf %mul3A_1056, %tanh3A_1054 : vector<16x4000xf32>
    %add3A_1058 = arith.constant 5.000000e-01 : f32
    %add3A_1059 = vector.broadcast %add3A_1058 : f32 to vector<16x4000xf32>
    %add3A_1060 = arith.addf %mul3A_1057, %add3A_1059 : vector<16x4000xf32>
    %slice3A_1061 = vector.extract_strided_slice %dot_general3A_1052 {offsets = [16, 0], sizes = [16, 4000], strides = [1, 1]} : vector<64x4000xf32> to vector<16x4000xf32>
    %tanh3A_1062 = math.tanh %slice3A_1061 : vector<16x4000xf32>
    %mul3A_1063 = arith.constant 5.000000e-01 : f32
    %mul3A_1064 = vector.broadcast %mul3A_1063 : f32 to vector<16x4000xf32>
    %mul3A_1065 = arith.mulf %mul3A_1064, %tanh3A_1062 : vector<16x4000xf32>
    %add3A_1066 = arith.constant 5.000000e-01 : f32
    %add3A_1067 = vector.broadcast %add3A_1066 : f32 to vector<16x4000xf32>
    %add3A_1068 = arith.addf %mul3A_1065, %add3A_1067 : vector<16x4000xf32>
    %slice3A_1069 = vector.extract_strided_slice %dot_general3A_1052 {offsets = [32, 0], sizes = [16, 4000], strides = [1, 1]} : vector<64x4000xf32> to vector<16x4000xf32>
    %tanh3A_1070 = math.tanh %slice3A_1069 : vector<16x4000xf32>
    %slice3A_1071 = vector.extract_strided_slice %dot_general3A_1052 {offsets = [48, 0], sizes = [16, 4000], strides = [1, 1]} : vector<64x4000xf32> to vector<16x4000xf32>
    %tanh3A_1072 = math.tanh %slice3A_1071 : vector<16x4000xf32>
    %mul3A_1073 = arith.constant 5.000000e-01 : f32
    %mul3A_1074 = vector.broadcast %mul3A_1073 : f32 to vector<16x4000xf32>
    %mul3A_1075 = arith.mulf %mul3A_1074, %tanh3A_1072 : vector<16x4000xf32>
    %add3A_1076 = arith.constant 5.000000e-01 : f32
    %add3A_1077 = vector.broadcast %add3A_1076 : f32 to vector<16x4000xf32>
    %add3A_1078 = arith.addf %mul3A_1075, %add3A_1077 : vector<16x4000xf32>
    %mul3A_1079 = arith.mulf %add3A_1068, %add3A_1006 : vector<16x4000xf32>
    %mul3A_1080 = arith.mulf %add3A_1060, %tanh3A_1070 : vector<16x4000xf32>
    %add3A_1081 = arith.addf %mul3A_1079, %mul3A_1080 : vector<16x4000xf32>
    %tanh3A_1082 = math.tanh %add3A_1081 : vector<16x4000xf32>
    %mul3A_1083 = arith.mulf %add3A_1078, %tanh3A_1082 : vector<16x4000xf32>
    %dot_general3A_1084 = arith.constant dense<0.000000e+00> : vector<1x4000xf32>
    %dot_general3A_1085 = tpu.matmul %transpose3A, %mul3A_1083, %dot_general3A_1084 {dimension_numbers = #tpu.dot_dimension_numbers<[1], [0], [0], [1], [0, 0, 1, 1], [], []>, precision = #tpu.contract_precision<fp32>, transpose_lhs_hint = false} : vector<1x16xf32>, vector<16x4000xf32>, vector<1x4000xf32> -> vector<1x4000xf32>
    %get3A_1086 = arith.constant 14 : index
    %get3A_1087 = arith.constant 0 : index
    %get3A_1088 = arith.constant 0 : index
    %get3A_1089 = vector.load %arg0[%get3A_1086, %get3A_1087, %get3A_1088] : memref<32x16x4000xf32, #tpu.memory_space<vmem>>, vector<1x16x4000xf32>
    %get3A_1090 = vector.shape_cast %get3A_1089 : vector<1x16x4000xf32> to vector<16x4000xf32>
    %concatenate3A_1091 = tpu.concatenate %get3A_1090, %mul3A_1049, %broadcast_in_dim3A_32 in 0 : vector<16x4000xf32>, vector<16x4000xf32>, vector<1x4000xf32> -> vector<33x4000xf32>
    %dot_general3A_1092 = arith.constant dense<0.000000e+00> : vector<64x4000xf32>
    %dot_general3A_1093 = tpu.matmul %get3A_28, %concatenate3A_1091, %dot_general3A_1092 {dimension_numbers = #tpu.dot_dimension_numbers<[1], [0], [0], [1], [0, 0, 1, 1], [], []>, transpose_lhs_hint = false} : vector<64x33xf32>, vector<33x4000xf32>, vector<64x4000xf32> -> vector<64x4000xf32>
    %slice3A_1094 = vector.extract_strided_slice %dot_general3A_1093 {offsets = [0, 0], sizes = [16, 4000], strides = [1, 1]} : vector<64x4000xf32> to vector<16x4000xf32>
    %tanh3A_1095 = math.tanh %slice3A_1094 : vector<16x4000xf32>
    %mul3A_1096 = arith.constant 5.000000e-01 : f32
    %mul3A_1097 = vector.broadcast %mul3A_1096 : f32 to vector<16x4000xf32>
    %mul3A_1098 = arith.mulf %mul3A_1097, %tanh3A_1095 : vector<16x4000xf32>
    %add3A_1099 = arith.constant 5.000000e-01 : f32
    %add3A_1100 = vector.broadcast %add3A_1099 : f32 to vector<16x4000xf32>
    %add3A_1101 = arith.addf %mul3A_1098, %add3A_1100 : vector<16x4000xf32>
    %slice3A_1102 = vector.extract_strided_slice %dot_general3A_1093 {offsets = [16, 0], sizes = [16, 4000], strides = [1, 1]} : vector<64x4000xf32> to vector<16x4000xf32>
    %tanh3A_1103 = math.tanh %slice3A_1102 : vector<16x4000xf32>
    %mul3A_1104 = arith.constant 5.000000e-01 : f32
    %mul3A_1105 = vector.broadcast %mul3A_1104 : f32 to vector<16x4000xf32>
    %mul3A_1106 = arith.mulf %mul3A_1105, %tanh3A_1103 : vector<16x4000xf32>
    %add3A_1107 = arith.constant 5.000000e-01 : f32
    %add3A_1108 = vector.broadcast %add3A_1107 : f32 to vector<16x4000xf32>
    %add3A_1109 = arith.addf %mul3A_1106, %add3A_1108 : vector<16x4000xf32>
    %slice3A_1110 = vector.extract_strided_slice %dot_general3A_1093 {offsets = [32, 0], sizes = [16, 4000], strides = [1, 1]} : vector<64x4000xf32> to vector<16x4000xf32>
    %tanh3A_1111 = math.tanh %slice3A_1110 : vector<16x4000xf32>
    %slice3A_1112 = vector.extract_strided_slice %dot_general3A_1093 {offsets = [48, 0], sizes = [16, 4000], strides = [1, 1]} : vector<64x4000xf32> to vector<16x4000xf32>
    %tanh3A_1113 = math.tanh %slice3A_1112 : vector<16x4000xf32>
    %mul3A_1114 = arith.constant 5.000000e-01 : f32
    %mul3A_1115 = vector.broadcast %mul3A_1114 : f32 to vector<16x4000xf32>
    %mul3A_1116 = arith.mulf %mul3A_1115, %tanh3A_1113 : vector<16x4000xf32>
    %add3A_1117 = arith.constant 5.000000e-01 : f32
    %add3A_1118 = vector.broadcast %add3A_1117 : f32 to vector<16x4000xf32>
    %add3A_1119 = arith.addf %mul3A_1116, %add3A_1118 : vector<16x4000xf32>
    %mul3A_1120 = arith.mulf %add3A_1109, %add3A_1047 : vector<16x4000xf32>
    %mul3A_1121 = arith.mulf %add3A_1101, %tanh3A_1111 : vector<16x4000xf32>
    %add3A_1122 = arith.addf %mul3A_1120, %mul3A_1121 : vector<16x4000xf32>
    %tanh3A_1123 = math.tanh %add3A_1122 : vector<16x4000xf32>
    %mul3A_1124 = arith.mulf %add3A_1119, %tanh3A_1123 : vector<16x4000xf32>
    %concatenate3A_1125 = tpu.concatenate %mul3A_1124, %mul3A_1083, %broadcast_in_dim3A_32 in 0 : vector<16x4000xf32>, vector<16x4000xf32>, vector<1x4000xf32> -> vector<33x4000xf32>
    %dot_general3A_1126 = arith.constant dense<0.000000e+00> : vector<64x4000xf32>
    %dot_general3A_1127 = tpu.matmul %get3A_31, %concatenate3A_1125, %dot_general3A_1126 {dimension_numbers = #tpu.dot_dimension_numbers<[1], [0], [0], [1], [0, 0, 1, 1], [], []>, transpose_lhs_hint = false} : vector<64x33xf32>, vector<33x4000xf32>, vector<64x4000xf32> -> vector<64x4000xf32>
    %slice3A_1128 = vector.extract_strided_slice %dot_general3A_1127 {offsets = [0, 0], sizes = [16, 4000], strides = [1, 1]} : vector<64x4000xf32> to vector<16x4000xf32>
    %tanh3A_1129 = math.tanh %slice3A_1128 : vector<16x4000xf32>
    %mul3A_1130 = arith.constant 5.000000e-01 : f32
    %mul3A_1131 = vector.broadcast %mul3A_1130 : f32 to vector<16x4000xf32>
    %mul3A_1132 = arith.mulf %mul3A_1131, %tanh3A_1129 : vector<16x4000xf32>
    %add3A_1133 = arith.constant 5.000000e-01 : f32
    %add3A_1134 = vector.broadcast %add3A_1133 : f32 to vector<16x4000xf32>
    %add3A_1135 = arith.addf %mul3A_1132, %add3A_1134 : vector<16x4000xf32>
    %slice3A_1136 = vector.extract_strided_slice %dot_general3A_1127 {offsets = [16, 0], sizes = [16, 4000], strides = [1, 1]} : vector<64x4000xf32> to vector<16x4000xf32>
    %tanh3A_1137 = math.tanh %slice3A_1136 : vector<16x4000xf32>
    %mul3A_1138 = arith.constant 5.000000e-01 : f32
    %mul3A_1139 = vector.broadcast %mul3A_1138 : f32 to vector<16x4000xf32>
    %mul3A_1140 = arith.mulf %mul3A_1139, %tanh3A_1137 : vector<16x4000xf32>
    %add3A_1141 = arith.constant 5.000000e-01 : f32
    %add3A_1142 = vector.broadcast %add3A_1141 : f32 to vector<16x4000xf32>
    %add3A_1143 = arith.addf %mul3A_1140, %add3A_1142 : vector<16x4000xf32>
    %slice3A_1144 = vector.extract_strided_slice %dot_general3A_1127 {offsets = [32, 0], sizes = [16, 4000], strides = [1, 1]} : vector<64x4000xf32> to vector<16x4000xf32>
    %tanh3A_1145 = math.tanh %slice3A_1144 : vector<16x4000xf32>
    %slice3A_1146 = vector.extract_strided_slice %dot_general3A_1127 {offsets = [48, 0], sizes = [16, 4000], strides = [1, 1]} : vector<64x4000xf32> to vector<16x4000xf32>
    %tanh3A_1147 = math.tanh %slice3A_1146 : vector<16x4000xf32>
    %mul3A_1148 = arith.constant 5.000000e-01 : f32
    %mul3A_1149 = vector.broadcast %mul3A_1148 : f32 to vector<16x4000xf32>
    %mul3A_1150 = arith.mulf %mul3A_1149, %tanh3A_1147 : vector<16x4000xf32>
    %add3A_1151 = arith.constant 5.000000e-01 : f32
    %add3A_1152 = vector.broadcast %add3A_1151 : f32 to vector<16x4000xf32>
    %add3A_1153 = arith.addf %mul3A_1150, %add3A_1152 : vector<16x4000xf32>
    %mul3A_1154 = arith.mulf %add3A_1143, %add3A_1081 : vector<16x4000xf32>
    %mul3A_1155 = arith.mulf %add3A_1135, %tanh3A_1145 : vector<16x4000xf32>
    %add3A_1156 = arith.addf %mul3A_1154, %mul3A_1155 : vector<16x4000xf32>
    %tanh3A_1157 = math.tanh %add3A_1156 : vector<16x4000xf32>
    %mul3A_1158 = arith.mulf %add3A_1153, %tanh3A_1157 : vector<16x4000xf32>
    %dot_general3A_1159 = arith.constant dense<0.000000e+00> : vector<1x4000xf32>
    %dot_general3A_1160 = tpu.matmul %transpose3A, %mul3A_1158, %dot_general3A_1159 {dimension_numbers = #tpu.dot_dimension_numbers<[1], [0], [0], [1], [0, 0, 1, 1], [], []>, precision = #tpu.contract_precision<fp32>, transpose_lhs_hint = false} : vector<1x16xf32>, vector<16x4000xf32>, vector<1x4000xf32> -> vector<1x4000xf32>
    %get3A_1161 = arith.constant 15 : index
    %get3A_1162 = arith.constant 0 : index
    %get3A_1163 = arith.constant 0 : index
    %get3A_1164 = vector.load %arg0[%get3A_1161, %get3A_1162, %get3A_1163] : memref<32x16x4000xf32, #tpu.memory_space<vmem>>, vector<1x16x4000xf32>
    %get3A_1165 = vector.shape_cast %get3A_1164 : vector<1x16x4000xf32> to vector<16x4000xf32>
    %concatenate3A_1166 = tpu.concatenate %get3A_1165, %mul3A_1124, %broadcast_in_dim3A_32 in 0 : vector<16x4000xf32>, vector<16x4000xf32>, vector<1x4000xf32> -> vector<33x4000xf32>
    %dot_general3A_1167 = arith.constant dense<0.000000e+00> : vector<64x4000xf32>
    %dot_general3A_1168 = tpu.matmul %get3A_28, %concatenate3A_1166, %dot_general3A_1167 {dimension_numbers = #tpu.dot_dimension_numbers<[1], [0], [0], [1], [0, 0, 1, 1], [], []>, transpose_lhs_hint = false} : vector<64x33xf32>, vector<33x4000xf32>, vector<64x4000xf32> -> vector<64x4000xf32>
    %slice3A_1169 = vector.extract_strided_slice %dot_general3A_1168 {offsets = [0, 0], sizes = [16, 4000], strides = [1, 1]} : vector<64x4000xf32> to vector<16x4000xf32>
    %tanh3A_1170 = math.tanh %slice3A_1169 : vector<16x4000xf32>
    %mul3A_1171 = arith.constant 5.000000e-01 : f32
    %mul3A_1172 = vector.broadcast %mul3A_1171 : f32 to vector<16x4000xf32>
    %mul3A_1173 = arith.mulf %mul3A_1172, %tanh3A_1170 : vector<16x4000xf32>
    %add3A_1174 = arith.constant 5.000000e-01 : f32
    %add3A_1175 = vector.broadcast %add3A_1174 : f32 to vector<16x4000xf32>
    %add3A_1176 = arith.addf %mul3A_1173, %add3A_1175 : vector<16x4000xf32>
    %slice3A_1177 = vector.extract_strided_slice %dot_general3A_1168 {offsets = [16, 0], sizes = [16, 4000], strides = [1, 1]} : vector<64x4000xf32> to vector<16x4000xf32>
    %tanh3A_1178 = math.tanh %slice3A_1177 : vector<16x4000xf32>
    %mul3A_1179 = arith.constant 5.000000e-01 : f32
    %mul3A_1180 = vector.broadcast %mul3A_1179 : f32 to vector<16x4000xf32>
    %mul3A_1181 = arith.mulf %mul3A_1180, %tanh3A_1178 : vector<16x4000xf32>
    %add3A_1182 = arith.constant 5.000000e-01 : f32
    %add3A_1183 = vector.broadcast %add3A_1182 : f32 to vector<16x4000xf32>
    %add3A_1184 = arith.addf %mul3A_1181, %add3A_1183 : vector<16x4000xf32>
    %slice3A_1185 = vector.extract_strided_slice %dot_general3A_1168 {offsets = [32, 0], sizes = [16, 4000], strides = [1, 1]} : vector<64x4000xf32> to vector<16x4000xf32>
    %tanh3A_1186 = math.tanh %slice3A_1185 : vector<16x4000xf32>
    %slice3A_1187 = vector.extract_strided_slice %dot_general3A_1168 {offsets = [48, 0], sizes = [16, 4000], strides = [1, 1]} : vector<64x4000xf32> to vector<16x4000xf32>
    %tanh3A_1188 = math.tanh %slice3A_1187 : vector<16x4000xf32>
    %mul3A_1189 = arith.constant 5.000000e-01 : f32
    %mul3A_1190 = vector.broadcast %mul3A_1189 : f32 to vector<16x4000xf32>
    %mul3A_1191 = arith.mulf %mul3A_1190, %tanh3A_1188 : vector<16x4000xf32>
    %add3A_1192 = arith.constant 5.000000e-01 : f32
    %add3A_1193 = vector.broadcast %add3A_1192 : f32 to vector<16x4000xf32>
    %add3A_1194 = arith.addf %mul3A_1191, %add3A_1193 : vector<16x4000xf32>
    %mul3A_1195 = arith.mulf %add3A_1184, %add3A_1122 : vector<16x4000xf32>
    %mul3A_1196 = arith.mulf %add3A_1176, %tanh3A_1186 : vector<16x4000xf32>
    %add3A_1197 = arith.addf %mul3A_1195, %mul3A_1196 : vector<16x4000xf32>
    %tanh3A_1198 = math.tanh %add3A_1197 : vector<16x4000xf32>
    %mul3A_1199 = arith.mulf %add3A_1194, %tanh3A_1198 : vector<16x4000xf32>
    %concatenate3A_1200 = tpu.concatenate %mul3A_1199, %mul3A_1158, %broadcast_in_dim3A_32 in 0 : vector<16x4000xf32>, vector<16x4000xf32>, vector<1x4000xf32> -> vector<33x4000xf32>
    %dot_general3A_1201 = arith.constant dense<0.000000e+00> : vector<64x4000xf32>
    %dot_general3A_1202 = tpu.matmul %get3A_31, %concatenate3A_1200, %dot_general3A_1201 {dimension_numbers = #tpu.dot_dimension_numbers<[1], [0], [0], [1], [0, 0, 1, 1], [], []>, transpose_lhs_hint = false} : vector<64x33xf32>, vector<33x4000xf32>, vector<64x4000xf32> -> vector<64x4000xf32>
    %slice3A_1203 = vector.extract_strided_slice %dot_general3A_1202 {offsets = [0, 0], sizes = [16, 4000], strides = [1, 1]} : vector<64x4000xf32> to vector<16x4000xf32>
    %tanh3A_1204 = math.tanh %slice3A_1203 : vector<16x4000xf32>
    %mul3A_1205 = arith.constant 5.000000e-01 : f32
    %mul3A_1206 = vector.broadcast %mul3A_1205 : f32 to vector<16x4000xf32>
    %mul3A_1207 = arith.mulf %mul3A_1206, %tanh3A_1204 : vector<16x4000xf32>
    %add3A_1208 = arith.constant 5.000000e-01 : f32
    %add3A_1209 = vector.broadcast %add3A_1208 : f32 to vector<16x4000xf32>
    %add3A_1210 = arith.addf %mul3A_1207, %add3A_1209 : vector<16x4000xf32>
    %slice3A_1211 = vector.extract_strided_slice %dot_general3A_1202 {offsets = [16, 0], sizes = [16, 4000], strides = [1, 1]} : vector<64x4000xf32> to vector<16x4000xf32>
    %tanh3A_1212 = math.tanh %slice3A_1211 : vector<16x4000xf32>
    %mul3A_1213 = arith.constant 5.000000e-01 : f32
    %mul3A_1214 = vector.broadcast %mul3A_1213 : f32 to vector<16x4000xf32>
    %mul3A_1215 = arith.mulf %mul3A_1214, %tanh3A_1212 : vector<16x4000xf32>
    %add3A_1216 = arith.constant 5.000000e-01 : f32
    %add3A_1217 = vector.broadcast %add3A_1216 : f32 to vector<16x4000xf32>
    %add3A_1218 = arith.addf %mul3A_1215, %add3A_1217 : vector<16x4000xf32>
    %slice3A_1219 = vector.extract_strided_slice %dot_general3A_1202 {offsets = [32, 0], sizes = [16, 4000], strides = [1, 1]} : vector<64x4000xf32> to vector<16x4000xf32>
    %tanh3A_1220 = math.tanh %slice3A_1219 : vector<16x4000xf32>
    %slice3A_1221 = vector.extract_strided_slice %dot_general3A_1202 {offsets = [48, 0], sizes = [16, 4000], strides = [1, 1]} : vector<64x4000xf32> to vector<16x4000xf32>
    %tanh3A_1222 = math.tanh %slice3A_1221 : vector<16x4000xf32>
    %mul3A_1223 = arith.constant 5.000000e-01 : f32
    %mul3A_1224 = vector.broadcast %mul3A_1223 : f32 to vector<16x4000xf32>
    %mul3A_1225 = arith.mulf %mul3A_1224, %tanh3A_1222 : vector<16x4000xf32>
    %add3A_1226 = arith.constant 5.000000e-01 : f32
    %add3A_1227 = vector.broadcast %add3A_1226 : f32 to vector<16x4000xf32>
    %add3A_1228 = arith.addf %mul3A_1225, %add3A_1227 : vector<16x4000xf32>
    %mul3A_1229 = arith.mulf %add3A_1218, %add3A_1156 : vector<16x4000xf32>
    %mul3A_1230 = arith.mulf %add3A_1210, %tanh3A_1220 : vector<16x4000xf32>
    %add3A_1231 = arith.addf %mul3A_1229, %mul3A_1230 : vector<16x4000xf32>
    %tanh3A_1232 = math.tanh %add3A_1231 : vector<16x4000xf32>
    %mul3A_1233 = arith.mulf %add3A_1228, %tanh3A_1232 : vector<16x4000xf32>
    %dot_general3A_1234 = arith.constant dense<0.000000e+00> : vector<1x4000xf32>
    %dot_general3A_1235 = tpu.matmul %transpose3A, %mul3A_1233, %dot_general3A_1234 {dimension_numbers = #tpu.dot_dimension_numbers<[1], [0], [0], [1], [0, 0, 1, 1], [], []>, precision = #tpu.contract_precision<fp32>, transpose_lhs_hint = false} : vector<1x16xf32>, vector<16x4000xf32>, vector<1x4000xf32> -> vector<1x4000xf32>
    %get3A_1236 = arith.constant 16 : index
    %get3A_1237 = arith.constant 0 : index
    %get3A_1238 = arith.constant 0 : index
    %get3A_1239 = vector.load %arg0[%get3A_1236, %get3A_1237, %get3A_1238] : memref<32x16x4000xf32, #tpu.memory_space<vmem>>, vector<1x16x4000xf32>
    %get3A_1240 = vector.shape_cast %get3A_1239 : vector<1x16x4000xf32> to vector<16x4000xf32>
    %concatenate3A_1241 = tpu.concatenate %get3A_1240, %mul3A_1199, %broadcast_in_dim3A_32 in 0 : vector<16x4000xf32>, vector<16x4000xf32>, vector<1x4000xf32> -> vector<33x4000xf32>
    %dot_general3A_1242 = arith.constant dense<0.000000e+00> : vector<64x4000xf32>
    %dot_general3A_1243 = tpu.matmul %get3A_28, %concatenate3A_1241, %dot_general3A_1242 {dimension_numbers = #tpu.dot_dimension_numbers<[1], [0], [0], [1], [0, 0, 1, 1], [], []>, transpose_lhs_hint = false} : vector<64x33xf32>, vector<33x4000xf32>, vector<64x4000xf32> -> vector<64x4000xf32>
    %slice3A_1244 = vector.extract_strided_slice %dot_general3A_1243 {offsets = [0, 0], sizes = [16, 4000], strides = [1, 1]} : vector<64x4000xf32> to vector<16x4000xf32>
    %tanh3A_1245 = math.tanh %slice3A_1244 : vector<16x4000xf32>
    %mul3A_1246 = arith.constant 5.000000e-01 : f32
    %mul3A_1247 = vector.broadcast %mul3A_1246 : f32 to vector<16x4000xf32>
    %mul3A_1248 = arith.mulf %mul3A_1247, %tanh3A_1245 : vector<16x4000xf32>
    %add3A_1249 = arith.constant 5.000000e-01 : f32
    %add3A_1250 = vector.broadcast %add3A_1249 : f32 to vector<16x4000xf32>
    %add3A_1251 = arith.addf %mul3A_1248, %add3A_1250 : vector<16x4000xf32>
    %slice3A_1252 = vector.extract_strided_slice %dot_general3A_1243 {offsets = [16, 0], sizes = [16, 4000], strides = [1, 1]} : vector<64x4000xf32> to vector<16x4000xf32>
    %tanh3A_1253 = math.tanh %slice3A_1252 : vector<16x4000xf32>
    %mul3A_1254 = arith.constant 5.000000e-01 : f32
    %mul3A_1255 = vector.broadcast %mul3A_1254 : f32 to vector<16x4000xf32>
    %mul3A_1256 = arith.mulf %mul3A_1255, %tanh3A_1253 : vector<16x4000xf32>
    %add3A_1257 = arith.constant 5.000000e-01 : f32
    %add3A_1258 = vector.broadcast %add3A_1257 : f32 to vector<16x4000xf32>
    %add3A_1259 = arith.addf %mul3A_1256, %add3A_1258 : vector<16x4000xf32>
    %slice3A_1260 = vector.extract_strided_slice %dot_general3A_1243 {offsets = [32, 0], sizes = [16, 4000], strides = [1, 1]} : vector<64x4000xf32> to vector<16x4000xf32>
    %tanh3A_1261 = math.tanh %slice3A_1260 : vector<16x4000xf32>
    %slice3A_1262 = vector.extract_strided_slice %dot_general3A_1243 {offsets = [48, 0], sizes = [16, 4000], strides = [1, 1]} : vector<64x4000xf32> to vector<16x4000xf32>
    %tanh3A_1263 = math.tanh %slice3A_1262 : vector<16x4000xf32>
    %mul3A_1264 = arith.constant 5.000000e-01 : f32
    %mul3A_1265 = vector.broadcast %mul3A_1264 : f32 to vector<16x4000xf32>
    %mul3A_1266 = arith.mulf %mul3A_1265, %tanh3A_1263 : vector<16x4000xf32>
    %add3A_1267 = arith.constant 5.000000e-01 : f32
    %add3A_1268 = vector.broadcast %add3A_1267 : f32 to vector<16x4000xf32>
    %add3A_1269 = arith.addf %mul3A_1266, %add3A_1268 : vector<16x4000xf32>
    %mul3A_1270 = arith.mulf %add3A_1259, %add3A_1197 : vector<16x4000xf32>
    %mul3A_1271 = arith.mulf %add3A_1251, %tanh3A_1261 : vector<16x4000xf32>
    %add3A_1272 = arith.addf %mul3A_1270, %mul3A_1271 : vector<16x4000xf32>
    %tanh3A_1273 = math.tanh %add3A_1272 : vector<16x4000xf32>
    %mul3A_1274 = arith.mulf %add3A_1269, %tanh3A_1273 : vector<16x4000xf32>
    %concatenate3A_1275 = tpu.concatenate %mul3A_1274, %mul3A_1233, %broadcast_in_dim3A_32 in 0 : vector<16x4000xf32>, vector<16x4000xf32>, vector<1x4000xf32> -> vector<33x4000xf32>
    %dot_general3A_1276 = arith.constant dense<0.000000e+00> : vector<64x4000xf32>
    %dot_general3A_1277 = tpu.matmul %get3A_31, %concatenate3A_1275, %dot_general3A_1276 {dimension_numbers = #tpu.dot_dimension_numbers<[1], [0], [0], [1], [0, 0, 1, 1], [], []>, transpose_lhs_hint = false} : vector<64x33xf32>, vector<33x4000xf32>, vector<64x4000xf32> -> vector<64x4000xf32>
    %slice3A_1278 = vector.extract_strided_slice %dot_general3A_1277 {offsets = [0, 0], sizes = [16, 4000], strides = [1, 1]} : vector<64x4000xf32> to vector<16x4000xf32>
    %tanh3A_1279 = math.tanh %slice3A_1278 : vector<16x4000xf32>
    %mul3A_1280 = arith.constant 5.000000e-01 : f32
    %mul3A_1281 = vector.broadcast %mul3A_1280 : f32 to vector<16x4000xf32>
    %mul3A_1282 = arith.mulf %mul3A_1281, %tanh3A_1279 : vector<16x4000xf32>
    %add3A_1283 = arith.constant 5.000000e-01 : f32
    %add3A_1284 = vector.broadcast %add3A_1283 : f32 to vector<16x4000xf32>
    %add3A_1285 = arith.addf %mul3A_1282, %add3A_1284 : vector<16x4000xf32>
    %slice3A_1286 = vector.extract_strided_slice %dot_general3A_1277 {offsets = [16, 0], sizes = [16, 4000], strides = [1, 1]} : vector<64x4000xf32> to vector<16x4000xf32>
    %tanh3A_1287 = math.tanh %slice3A_1286 : vector<16x4000xf32>
    %mul3A_1288 = arith.constant 5.000000e-01 : f32
    %mul3A_1289 = vector.broadcast %mul3A_1288 : f32 to vector<16x4000xf32>
    %mul3A_1290 = arith.mulf %mul3A_1289, %tanh3A_1287 : vector<16x4000xf32>
    %add3A_1291 = arith.constant 5.000000e-01 : f32
    %add3A_1292 = vector.broadcast %add3A_1291 : f32 to vector<16x4000xf32>
    %add3A_1293 = arith.addf %mul3A_1290, %add3A_1292 : vector<16x4000xf32>
    %slice3A_1294 = vector.extract_strided_slice %dot_general3A_1277 {offsets = [32, 0], sizes = [16, 4000], strides = [1, 1]} : vector<64x4000xf32> to vector<16x4000xf32>
    %tanh3A_1295 = math.tanh %slice3A_1294 : vector<16x4000xf32>
    %slice3A_1296 = vector.extract_strided_slice %dot_general3A_1277 {offsets = [48, 0], sizes = [16, 4000], strides = [1, 1]} : vector<64x4000xf32> to vector<16x4000xf32>
    %tanh3A_1297 = math.tanh %slice3A_1296 : vector<16x4000xf32>
    %mul3A_1298 = arith.constant 5.000000e-01 : f32
    %mul3A_1299 = vector.broadcast %mul3A_1298 : f32 to vector<16x4000xf32>
    %mul3A_1300 = arith.mulf %mul3A_1299, %tanh3A_1297 : vector<16x4000xf32>
    %add3A_1301 = arith.constant 5.000000e-01 : f32
    %add3A_1302 = vector.broadcast %add3A_1301 : f32 to vector<16x4000xf32>
    %add3A_1303 = arith.addf %mul3A_1300, %add3A_1302 : vector<16x4000xf32>
    %mul3A_1304 = arith.mulf %add3A_1293, %add3A_1231 : vector<16x4000xf32>
    %mul3A_1305 = arith.mulf %add3A_1285, %tanh3A_1295 : vector<16x4000xf32>
    %add3A_1306 = arith.addf %mul3A_1304, %mul3A_1305 : vector<16x4000xf32>
    %tanh3A_1307 = math.tanh %add3A_1306 : vector<16x4000xf32>
    %mul3A_1308 = arith.mulf %add3A_1303, %tanh3A_1307 : vector<16x4000xf32>
    %dot_general3A_1309 = arith.constant dense<0.000000e+00> : vector<1x4000xf32>
    %dot_general3A_1310 = tpu.matmul %transpose3A, %mul3A_1308, %dot_general3A_1309 {dimension_numbers = #tpu.dot_dimension_numbers<[1], [0], [0], [1], [0, 0, 1, 1], [], []>, precision = #tpu.contract_precision<fp32>, transpose_lhs_hint = false} : vector<1x16xf32>, vector<16x4000xf32>, vector<1x4000xf32> -> vector<1x4000xf32>
    %get3A_1311 = arith.constant 17 : index
    %get3A_1312 = arith.constant 0 : index
    %get3A_1313 = arith.constant 0 : index
    %get3A_1314 = vector.load %arg0[%get3A_1311, %get3A_1312, %get3A_1313] : memref<32x16x4000xf32, #tpu.memory_space<vmem>>, vector<1x16x4000xf32>
    %get3A_1315 = vector.shape_cast %get3A_1314 : vector<1x16x4000xf32> to vector<16x4000xf32>
    %concatenate3A_1316 = tpu.concatenate %get3A_1315, %mul3A_1274, %broadcast_in_dim3A_32 in 0 : vector<16x4000xf32>, vector<16x4000xf32>, vector<1x4000xf32> -> vector<33x4000xf32>
    %dot_general3A_1317 = arith.constant dense<0.000000e+00> : vector<64x4000xf32>
    %dot_general3A_1318 = tpu.matmul %get3A_28, %concatenate3A_1316, %dot_general3A_1317 {dimension_numbers = #tpu.dot_dimension_numbers<[1], [0], [0], [1], [0, 0, 1, 1], [], []>, transpose_lhs_hint = false} : vector<64x33xf32>, vector<33x4000xf32>, vector<64x4000xf32> -> vector<64x4000xf32>
    %slice3A_1319 = vector.extract_strided_slice %dot_general3A_1318 {offsets = [0, 0], sizes = [16, 4000], strides = [1, 1]} : vector<64x4000xf32> to vector<16x4000xf32>
    %tanh3A_1320 = math.tanh %slice3A_1319 : vector<16x4000xf32>
    %mul3A_1321 = arith.constant 5.000000e-01 : f32
    %mul3A_1322 = vector.broadcast %mul3A_1321 : f32 to vector<16x4000xf32>
    %mul3A_1323 = arith.mulf %mul3A_1322, %tanh3A_1320 : vector<16x4000xf32>
    %add3A_1324 = arith.constant 5.000000e-01 : f32
    %add3A_1325 = vector.broadcast %add3A_1324 : f32 to vector<16x4000xf32>
    %add3A_1326 = arith.addf %mul3A_1323, %add3A_1325 : vector<16x4000xf32>
    %slice3A_1327 = vector.extract_strided_slice %dot_general3A_1318 {offsets = [16, 0], sizes = [16, 4000], strides = [1, 1]} : vector<64x4000xf32> to vector<16x4000xf32>
    %tanh3A_1328 = math.tanh %slice3A_1327 : vector<16x4000xf32>
    %mul3A_1329 = arith.constant 5.000000e-01 : f32
    %mul3A_1330 = vector.broadcast %mul3A_1329 : f32 to vector<16x4000xf32>
    %mul3A_1331 = arith.mulf %mul3A_1330, %tanh3A_1328 : vector<16x4000xf32>
    %add3A_1332 = arith.constant 5.000000e-01 : f32
    %add3A_1333 = vector.broadcast %add3A_1332 : f32 to vector<16x4000xf32>
    %add3A_1334 = arith.addf %mul3A_1331, %add3A_1333 : vector<16x4000xf32>
    %slice3A_1335 = vector.extract_strided_slice %dot_general3A_1318 {offsets = [32, 0], sizes = [16, 4000], strides = [1, 1]} : vector<64x4000xf32> to vector<16x4000xf32>
    %tanh3A_1336 = math.tanh %slice3A_1335 : vector<16x4000xf32>
    %slice3A_1337 = vector.extract_strided_slice %dot_general3A_1318 {offsets = [48, 0], sizes = [16, 4000], strides = [1, 1]} : vector<64x4000xf32> to vector<16x4000xf32>
    %tanh3A_1338 = math.tanh %slice3A_1337 : vector<16x4000xf32>
    %mul3A_1339 = arith.constant 5.000000e-01 : f32
    %mul3A_1340 = vector.broadcast %mul3A_1339 : f32 to vector<16x4000xf32>
    %mul3A_1341 = arith.mulf %mul3A_1340, %tanh3A_1338 : vector<16x4000xf32>
    %add3A_1342 = arith.constant 5.000000e-01 : f32
    %add3A_1343 = vector.broadcast %add3A_1342 : f32 to vector<16x4000xf32>
    %add3A_1344 = arith.addf %mul3A_1341, %add3A_1343 : vector<16x4000xf32>
    %mul3A_1345 = arith.mulf %add3A_1334, %add3A_1272 : vector<16x4000xf32>
    %mul3A_1346 = arith.mulf %add3A_1326, %tanh3A_1336 : vector<16x4000xf32>
    %add3A_1347 = arith.addf %mul3A_1345, %mul3A_1346 : vector<16x4000xf32>
    %tanh3A_1348 = math.tanh %add3A_1347 : vector<16x4000xf32>
    %mul3A_1349 = arith.mulf %add3A_1344, %tanh3A_1348 : vector<16x4000xf32>
    %concatenate3A_1350 = tpu.concatenate %mul3A_1349, %mul3A_1308, %broadcast_in_dim3A_32 in 0 : vector<16x4000xf32>, vector<16x4000xf32>, vector<1x4000xf32> -> vector<33x4000xf32>
    %dot_general3A_1351 = arith.constant dense<0.000000e+00> : vector<64x4000xf32>
    %dot_general3A_1352 = tpu.matmul %get3A_31, %concatenate3A_1350, %dot_general3A_1351 {dimension_numbers = #tpu.dot_dimension_numbers<[1], [0], [0], [1], [0, 0, 1, 1], [], []>, transpose_lhs_hint = false} : vector<64x33xf32>, vector<33x4000xf32>, vector<64x4000xf32> -> vector<64x4000xf32>
    %slice3A_1353 = vector.extract_strided_slice %dot_general3A_1352 {offsets = [0, 0], sizes = [16, 4000], strides = [1, 1]} : vector<64x4000xf32> to vector<16x4000xf32>
    %tanh3A_1354 = math.tanh %slice3A_1353 : vector<16x4000xf32>
    %mul3A_1355 = arith.constant 5.000000e-01 : f32
    %mul3A_1356 = vector.broadcast %mul3A_1355 : f32 to vector<16x4000xf32>
    %mul3A_1357 = arith.mulf %mul3A_1356, %tanh3A_1354 : vector<16x4000xf32>
    %add3A_1358 = arith.constant 5.000000e-01 : f32
    %add3A_1359 = vector.broadcast %add3A_1358 : f32 to vector<16x4000xf32>
    %add3A_1360 = arith.addf %mul3A_1357, %add3A_1359 : vector<16x4000xf32>
    %slice3A_1361 = vector.extract_strided_slice %dot_general3A_1352 {offsets = [16, 0], sizes = [16, 4000], strides = [1, 1]} : vector<64x4000xf32> to vector<16x4000xf32>
    %tanh3A_1362 = math.tanh %slice3A_1361 : vector<16x4000xf32>
    %mul3A_1363 = arith.constant 5.000000e-01 : f32
    %mul3A_1364 = vector.broadcast %mul3A_1363 : f32 to vector<16x4000xf32>
    %mul3A_1365 = arith.mulf %mul3A_1364, %tanh3A_1362 : vector<16x4000xf32>
    %add3A_1366 = arith.constant 5.000000e-01 : f32
    %add3A_1367 = vector.broadcast %add3A_1366 : f32 to vector<16x4000xf32>
    %add3A_1368 = arith.addf %mul3A_1365, %add3A_1367 : vector<16x4000xf32>
    %slice3A_1369 = vector.extract_strided_slice %dot_general3A_1352 {offsets = [32, 0], sizes = [16, 4000], strides = [1, 1]} : vector<64x4000xf32> to vector<16x4000xf32>
    %tanh3A_1370 = math.tanh %slice3A_1369 : vector<16x4000xf32>
    %slice3A_1371 = vector.extract_strided_slice %dot_general3A_1352 {offsets = [48, 0], sizes = [16, 4000], strides = [1, 1]} : vector<64x4000xf32> to vector<16x4000xf32>
    %tanh3A_1372 = math.tanh %slice3A_1371 : vector<16x4000xf32>
    %mul3A_1373 = arith.constant 5.000000e-01 : f32
    %mul3A_1374 = vector.broadcast %mul3A_1373 : f32 to vector<16x4000xf32>
    %mul3A_1375 = arith.mulf %mul3A_1374, %tanh3A_1372 : vector<16x4000xf32>
    %add3A_1376 = arith.constant 5.000000e-01 : f32
    %add3A_1377 = vector.broadcast %add3A_1376 : f32 to vector<16x4000xf32>
    %add3A_1378 = arith.addf %mul3A_1375, %add3A_1377 : vector<16x4000xf32>
    %mul3A_1379 = arith.mulf %add3A_1368, %add3A_1306 : vector<16x4000xf32>
    %mul3A_1380 = arith.mulf %add3A_1360, %tanh3A_1370 : vector<16x4000xf32>
    %add3A_1381 = arith.addf %mul3A_1379, %mul3A_1380 : vector<16x4000xf32>
    %tanh3A_1382 = math.tanh %add3A_1381 : vector<16x4000xf32>
    %mul3A_1383 = arith.mulf %add3A_1378, %tanh3A_1382 : vector<16x4000xf32>
    %dot_general3A_1384 = arith.constant dense<0.000000e+00> : vector<1x4000xf32>
    %dot_general3A_1385 = tpu.matmul %transpose3A, %mul3A_1383, %dot_general3A_1384 {dimension_numbers = #tpu.dot_dimension_numbers<[1], [0], [0], [1], [0, 0, 1, 1], [], []>, precision = #tpu.contract_precision<fp32>, transpose_lhs_hint = false} : vector<1x16xf32>, vector<16x4000xf32>, vector<1x4000xf32> -> vector<1x4000xf32>
    %get3A_1386 = arith.constant 18 : index
    %get3A_1387 = arith.constant 0 : index
    %get3A_1388 = arith.constant 0 : index
    %get3A_1389 = vector.load %arg0[%get3A_1386, %get3A_1387, %get3A_1388] : memref<32x16x4000xf32, #tpu.memory_space<vmem>>, vector<1x16x4000xf32>
    %get3A_1390 = vector.shape_cast %get3A_1389 : vector<1x16x4000xf32> to vector<16x4000xf32>
    %concatenate3A_1391 = tpu.concatenate %get3A_1390, %mul3A_1349, %broadcast_in_dim3A_32 in 0 : vector<16x4000xf32>, vector<16x4000xf32>, vector<1x4000xf32> -> vector<33x4000xf32>
    %dot_general3A_1392 = arith.constant dense<0.000000e+00> : vector<64x4000xf32>
    %dot_general3A_1393 = tpu.matmul %get3A_28, %concatenate3A_1391, %dot_general3A_1392 {dimension_numbers = #tpu.dot_dimension_numbers<[1], [0], [0], [1], [0, 0, 1, 1], [], []>, transpose_lhs_hint = false} : vector<64x33xf32>, vector<33x4000xf32>, vector<64x4000xf32> -> vector<64x4000xf32>
    %slice3A_1394 = vector.extract_strided_slice %dot_general3A_1393 {offsets = [0, 0], sizes = [16, 4000], strides = [1, 1]} : vector<64x4000xf32> to vector<16x4000xf32>
    %tanh3A_1395 = math.tanh %slice3A_1394 : vector<16x4000xf32>
    %mul3A_1396 = arith.constant 5.000000e-01 : f32
    %mul3A_1397 = vector.broadcast %mul3A_1396 : f32 to vector<16x4000xf32>
    %mul3A_1398 = arith.mulf %mul3A_1397, %tanh3A_1395 : vector<16x4000xf32>
    %add3A_1399 = arith.constant 5.000000e-01 : f32
    %add3A_1400 = vector.broadcast %add3A_1399 : f32 to vector<16x4000xf32>
    %add3A_1401 = arith.addf %mul3A_1398, %add3A_1400 : vector<16x4000xf32>
    %slice3A_1402 = vector.extract_strided_slice %dot_general3A_1393 {offsets = [16, 0], sizes = [16, 4000], strides = [1, 1]} : vector<64x4000xf32> to vector<16x4000xf32>
    %tanh3A_1403 = math.tanh %slice3A_1402 : vector<16x4000xf32>
    %mul3A_1404 = arith.constant 5.000000e-01 : f32
    %mul3A_1405 = vector.broadcast %mul3A_1404 : f32 to vector<16x4000xf32>
    %mul3A_1406 = arith.mulf %mul3A_1405, %tanh3A_1403 : vector<16x4000xf32>
    %add3A_1407 = arith.constant 5.000000e-01 : f32
    %add3A_1408 = vector.broadcast %add3A_1407 : f32 to vector<16x4000xf32>
    %add3A_1409 = arith.addf %mul3A_1406, %add3A_1408 : vector<16x4000xf32>
    %slice3A_1410 = vector.extract_strided_slice %dot_general3A_1393 {offsets = [32, 0], sizes = [16, 4000], strides = [1, 1]} : vector<64x4000xf32> to vector<16x4000xf32>
    %tanh3A_1411 = math.tanh %slice3A_1410 : vector<16x4000xf32>
    %slice3A_1412 = vector.extract_strided_slice %dot_general3A_1393 {offsets = [48, 0], sizes = [16, 4000], strides = [1, 1]} : vector<64x4000xf32> to vector<16x4000xf32>
    %tanh3A_1413 = math.tanh %slice3A_1412 : vector<16x4000xf32>
    %mul3A_1414 = arith.constant 5.000000e-01 : f32
    %mul3A_1415 = vector.broadcast %mul3A_1414 : f32 to vector<16x4000xf32>
    %mul3A_1416 = arith.mulf %mul3A_1415, %tanh3A_1413 : vector<16x4000xf32>
    %add3A_1417 = arith.constant 5.000000e-01 : f32
    %add3A_1418 = vector.broadcast %add3A_1417 : f32 to vector<16x4000xf32>
    %add3A_1419 = arith.addf %mul3A_1416, %add3A_1418 : vector<16x4000xf32>
    %mul3A_1420 = arith.mulf %add3A_1409, %add3A_1347 : vector<16x4000xf32>
    %mul3A_1421 = arith.mulf %add3A_1401, %tanh3A_1411 : vector<16x4000xf32>
    %add3A_1422 = arith.addf %mul3A_1420, %mul3A_1421 : vector<16x4000xf32>
    %tanh3A_1423 = math.tanh %add3A_1422 : vector<16x4000xf32>
    %mul3A_1424 = arith.mulf %add3A_1419, %tanh3A_1423 : vector<16x4000xf32>
    %concatenate3A_1425 = tpu.concatenate %mul3A_1424, %mul3A_1383, %broadcast_in_dim3A_32 in 0 : vector<16x4000xf32>, vector<16x4000xf32>, vector<1x4000xf32> -> vector<33x4000xf32>
    %dot_general3A_1426 = arith.constant dense<0.000000e+00> : vector<64x4000xf32>
    %dot_general3A_1427 = tpu.matmul %get3A_31, %concatenate3A_1425, %dot_general3A_1426 {dimension_numbers = #tpu.dot_dimension_numbers<[1], [0], [0], [1], [0, 0, 1, 1], [], []>, transpose_lhs_hint = false} : vector<64x33xf32>, vector<33x4000xf32>, vector<64x4000xf32> -> vector<64x4000xf32>
    %slice3A_1428 = vector.extract_strided_slice %dot_general3A_1427 {offsets = [0, 0], sizes = [16, 4000], strides = [1, 1]} : vector<64x4000xf32> to vector<16x4000xf32>
    %tanh3A_1429 = math.tanh %slice3A_1428 : vector<16x4000xf32>
    %mul3A_1430 = arith.constant 5.000000e-01 : f32
    %mul3A_1431 = vector.broadcast %mul3A_1430 : f32 to vector<16x4000xf32>
    %mul3A_1432 = arith.mulf %mul3A_1431, %tanh3A_1429 : vector<16x4000xf32>
    %add3A_1433 = arith.constant 5.000000e-01 : f32
    %add3A_1434 = vector.broadcast %add3A_1433 : f32 to vector<16x4000xf32>
    %add3A_1435 = arith.addf %mul3A_1432, %add3A_1434 : vector<16x4000xf32>
    %slice3A_1436 = vector.extract_strided_slice %dot_general3A_1427 {offsets = [16, 0], sizes = [16, 4000], strides = [1, 1]} : vector<64x4000xf32> to vector<16x4000xf32>
    %tanh3A_1437 = math.tanh %slice3A_1436 : vector<16x4000xf32>
    %mul3A_1438 = arith.constant 5.000000e-01 : f32
    %mul3A_1439 = vector.broadcast %mul3A_1438 : f32 to vector<16x4000xf32>
    %mul3A_1440 = arith.mulf %mul3A_1439, %tanh3A_1437 : vector<16x4000xf32>
    %add3A_1441 = arith.constant 5.000000e-01 : f32
    %add3A_1442 = vector.broadcast %add3A_1441 : f32 to vector<16x4000xf32>
    %add3A_1443 = arith.addf %mul3A_1440, %add3A_1442 : vector<16x4000xf32>
    %slice3A_1444 = vector.extract_strided_slice %dot_general3A_1427 {offsets = [32, 0], sizes = [16, 4000], strides = [1, 1]} : vector<64x4000xf32> to vector<16x4000xf32>
    %tanh3A_1445 = math.tanh %slice3A_1444 : vector<16x4000xf32>
    %slice3A_1446 = vector.extract_strided_slice %dot_general3A_1427 {offsets = [48, 0], sizes = [16, 4000], strides = [1, 1]} : vector<64x4000xf32> to vector<16x4000xf32>
    %tanh3A_1447 = math.tanh %slice3A_1446 : vector<16x4000xf32>
    %mul3A_1448 = arith.constant 5.000000e-01 : f32
    %mul3A_1449 = vector.broadcast %mul3A_1448 : f32 to vector<16x4000xf32>
    %mul3A_1450 = arith.mulf %mul3A_1449, %tanh3A_1447 : vector<16x4000xf32>
    %add3A_1451 = arith.constant 5.000000e-01 : f32
    %add3A_1452 = vector.broadcast %add3A_1451 : f32 to vector<16x4000xf32>
    %add3A_1453 = arith.addf %mul3A_1450, %add3A_1452 : vector<16x4000xf32>
    %mul3A_1454 = arith.mulf %add3A_1443, %add3A_1381 : vector<16x4000xf32>
    %mul3A_1455 = arith.mulf %add3A_1435, %tanh3A_1445 : vector<16x4000xf32>
    %add3A_1456 = arith.addf %mul3A_1454, %mul3A_1455 : vector<16x4000xf32>
    %tanh3A_1457 = math.tanh %add3A_1456 : vector<16x4000xf32>
    %mul3A_1458 = arith.mulf %add3A_1453, %tanh3A_1457 : vector<16x4000xf32>
    %dot_general3A_1459 = arith.constant dense<0.000000e+00> : vector<1x4000xf32>
    %dot_general3A_1460 = tpu.matmul %transpose3A, %mul3A_1458, %dot_general3A_1459 {dimension_numbers = #tpu.dot_dimension_numbers<[1], [0], [0], [1], [0, 0, 1, 1], [], []>, precision = #tpu.contract_precision<fp32>, transpose_lhs_hint = false} : vector<1x16xf32>, vector<16x4000xf32>, vector<1x4000xf32> -> vector<1x4000xf32>
    %get3A_1461 = arith.constant 19 : index
    %get3A_1462 = arith.constant 0 : index
    %get3A_1463 = arith.constant 0 : index
    %get3A_1464 = vector.load %arg0[%get3A_1461, %get3A_1462, %get3A_1463] : memref<32x16x4000xf32, #tpu.memory_space<vmem>>, vector<1x16x4000xf32>
    %get3A_1465 = vector.shape_cast %get3A_1464 : vector<1x16x4000xf32> to vector<16x4000xf32>
    %concatenate3A_1466 = tpu.concatenate %get3A_1465, %mul3A_1424, %broadcast_in_dim3A_32 in 0 : vector<16x4000xf32>, vector<16x4000xf32>, vector<1x4000xf32> -> vector<33x4000xf32>
    %dot_general3A_1467 = arith.constant dense<0.000000e+00> : vector<64x4000xf32>
    %dot_general3A_1468 = tpu.matmul %get3A_28, %concatenate3A_1466, %dot_general3A_1467 {dimension_numbers = #tpu.dot_dimension_numbers<[1], [0], [0], [1], [0, 0, 1, 1], [], []>, transpose_lhs_hint = false} : vector<64x33xf32>, vector<33x4000xf32>, vector<64x4000xf32> -> vector<64x4000xf32>
    %slice3A_1469 = vector.extract_strided_slice %dot_general3A_1468 {offsets = [0, 0], sizes = [16, 4000], strides = [1, 1]} : vector<64x4000xf32> to vector<16x4000xf32>
    %tanh3A_1470 = math.tanh %slice3A_1469 : vector<16x4000xf32>
    %mul3A_1471 = arith.constant 5.000000e-01 : f32
    %mul3A_1472 = vector.broadcast %mul3A_1471 : f32 to vector<16x4000xf32>
    %mul3A_1473 = arith.mulf %mul3A_1472, %tanh3A_1470 : vector<16x4000xf32>
    %add3A_1474 = arith.constant 5.000000e-01 : f32
    %add3A_1475 = vector.broadcast %add3A_1474 : f32 to vector<16x4000xf32>
    %add3A_1476 = arith.addf %mul3A_1473, %add3A_1475 : vector<16x4000xf32>
    %slice3A_1477 = vector.extract_strided_slice %dot_general3A_1468 {offsets = [16, 0], sizes = [16, 4000], strides = [1, 1]} : vector<64x4000xf32> to vector<16x4000xf32>
    %tanh3A_1478 = math.tanh %slice3A_1477 : vector<16x4000xf32>
    %mul3A_1479 = arith.constant 5.000000e-01 : f32
    %mul3A_1480 = vector.broadcast %mul3A_1479 : f32 to vector<16x4000xf32>
    %mul3A_1481 = arith.mulf %mul3A_1480, %tanh3A_1478 : vector<16x4000xf32>
    %add3A_1482 = arith.constant 5.000000e-01 : f32
    %add3A_1483 = vector.broadcast %add3A_1482 : f32 to vector<16x4000xf32>
    %add3A_1484 = arith.addf %mul3A_1481, %add3A_1483 : vector<16x4000xf32>
    %slice3A_1485 = vector.extract_strided_slice %dot_general3A_1468 {offsets = [32, 0], sizes = [16, 4000], strides = [1, 1]} : vector<64x4000xf32> to vector<16x4000xf32>
    %tanh3A_1486 = math.tanh %slice3A_1485 : vector<16x4000xf32>
    %slice3A_1487 = vector.extract_strided_slice %dot_general3A_1468 {offsets = [48, 0], sizes = [16, 4000], strides = [1, 1]} : vector<64x4000xf32> to vector<16x4000xf32>
    %tanh3A_1488 = math.tanh %slice3A_1487 : vector<16x4000xf32>
    %mul3A_1489 = arith.constant 5.000000e-01 : f32
    %mul3A_1490 = vector.broadcast %mul3A_1489 : f32 to vector<16x4000xf32>
    %mul3A_1491 = arith.mulf %mul3A_1490, %tanh3A_1488 : vector<16x4000xf32>
    %add3A_1492 = arith.constant 5.000000e-01 : f32
    %add3A_1493 = vector.broadcast %add3A_1492 : f32 to vector<16x4000xf32>
    %add3A_1494 = arith.addf %mul3A_1491, %add3A_1493 : vector<16x4000xf32>
    %mul3A_1495 = arith.mulf %add3A_1484, %add3A_1422 : vector<16x4000xf32>
    %mul3A_1496 = arith.mulf %add3A_1476, %tanh3A_1486 : vector<16x4000xf32>
    %add3A_1497 = arith.addf %mul3A_1495, %mul3A_1496 : vector<16x4000xf32>
    %tanh3A_1498 = math.tanh %add3A_1497 : vector<16x4000xf32>
    %mul3A_1499 = arith.mulf %add3A_1494, %tanh3A_1498 : vector<16x4000xf32>
    %concatenate3A_1500 = tpu.concatenate %mul3A_1499, %mul3A_1458, %broadcast_in_dim3A_32 in 0 : vector<16x4000xf32>, vector<16x4000xf32>, vector<1x4000xf32> -> vector<33x4000xf32>
    %dot_general3A_1501 = arith.constant dense<0.000000e+00> : vector<64x4000xf32>
    %dot_general3A_1502 = tpu.matmul %get3A_31, %concatenate3A_1500, %dot_general3A_1501 {dimension_numbers = #tpu.dot_dimension_numbers<[1], [0], [0], [1], [0, 0, 1, 1], [], []>, transpose_lhs_hint = false} : vector<64x33xf32>, vector<33x4000xf32>, vector<64x4000xf32> -> vector<64x4000xf32>
    %slice3A_1503 = vector.extract_strided_slice %dot_general3A_1502 {offsets = [0, 0], sizes = [16, 4000], strides = [1, 1]} : vector<64x4000xf32> to vector<16x4000xf32>
    %tanh3A_1504 = math.tanh %slice3A_1503 : vector<16x4000xf32>
    %mul3A_1505 = arith.constant 5.000000e-01 : f32
    %mul3A_1506 = vector.broadcast %mul3A_1505 : f32 to vector<16x4000xf32>
    %mul3A_1507 = arith.mulf %mul3A_1506, %tanh3A_1504 : vector<16x4000xf32>
    %add3A_1508 = arith.constant 5.000000e-01 : f32
    %add3A_1509 = vector.broadcast %add3A_1508 : f32 to vector<16x4000xf32>
    %add3A_1510 = arith.addf %mul3A_1507, %add3A_1509 : vector<16x4000xf32>
    %slice3A_1511 = vector.extract_strided_slice %dot_general3A_1502 {offsets = [16, 0], sizes = [16, 4000], strides = [1, 1]} : vector<64x4000xf32> to vector<16x4000xf32>
    %tanh3A_1512 = math.tanh %slice3A_1511 : vector<16x4000xf32>
    %mul3A_1513 = arith.constant 5.000000e-01 : f32
    %mul3A_1514 = vector.broadcast %mul3A_1513 : f32 to vector<16x4000xf32>
    %mul3A_1515 = arith.mulf %mul3A_1514, %tanh3A_1512 : vector<16x4000xf32>
    %add3A_1516 = arith.constant 5.000000e-01 : f32
    %add3A_1517 = vector.broadcast %add3A_1516 : f32 to vector<16x4000xf32>
    %add3A_1518 = arith.addf %mul3A_1515, %add3A_1517 : vector<16x4000xf32>
    %slice3A_1519 = vector.extract_strided_slice %dot_general3A_1502 {offsets = [32, 0], sizes = [16, 4000], strides = [1, 1]} : vector<64x4000xf32> to vector<16x4000xf32>
    %tanh3A_1520 = math.tanh %slice3A_1519 : vector<16x4000xf32>
    %slice3A_1521 = vector.extract_strided_slice %dot_general3A_1502 {offsets = [48, 0], sizes = [16, 4000], strides = [1, 1]} : vector<64x4000xf32> to vector<16x4000xf32>
    %tanh3A_1522 = math.tanh %slice3A_1521 : vector<16x4000xf32>
    %mul3A_1523 = arith.constant 5.000000e-01 : f32
    %mul3A_1524 = vector.broadcast %mul3A_1523 : f32 to vector<16x4000xf32>
    %mul3A_1525 = arith.mulf %mul3A_1524, %tanh3A_1522 : vector<16x4000xf32>
    %add3A_1526 = arith.constant 5.000000e-01 : f32
    %add3A_1527 = vector.broadcast %add3A_1526 : f32 to vector<16x4000xf32>
    %add3A_1528 = arith.addf %mul3A_1525, %add3A_1527 : vector<16x4000xf32>
    %mul3A_1529 = arith.mulf %add3A_1518, %add3A_1456 : vector<16x4000xf32>
    %mul3A_1530 = arith.mulf %add3A_1510, %tanh3A_1520 : vector<16x4000xf32>
    %add3A_1531 = arith.addf %mul3A_1529, %mul3A_1530 : vector<16x4000xf32>
    %tanh3A_1532 = math.tanh %add3A_1531 : vector<16x4000xf32>
    %mul3A_1533 = arith.mulf %add3A_1528, %tanh3A_1532 : vector<16x4000xf32>
    %dot_general3A_1534 = arith.constant dense<0.000000e+00> : vector<1x4000xf32>
    %dot_general3A_1535 = tpu.matmul %transpose3A, %mul3A_1533, %dot_general3A_1534 {dimension_numbers = #tpu.dot_dimension_numbers<[1], [0], [0], [1], [0, 0, 1, 1], [], []>, precision = #tpu.contract_precision<fp32>, transpose_lhs_hint = false} : vector<1x16xf32>, vector<16x4000xf32>, vector<1x4000xf32> -> vector<1x4000xf32>
    %get3A_1536 = arith.constant 20 : index
    %get3A_1537 = arith.constant 0 : index
    %get3A_1538 = arith.constant 0 : index
    %get3A_1539 = vector.load %arg0[%get3A_1536, %get3A_1537, %get3A_1538] : memref<32x16x4000xf32, #tpu.memory_space<vmem>>, vector<1x16x4000xf32>
    %get3A_1540 = vector.shape_cast %get3A_1539 : vector<1x16x4000xf32> to vector<16x4000xf32>
    %concatenate3A_1541 = tpu.concatenate %get3A_1540, %mul3A_1499, %broadcast_in_dim3A_32 in 0 : vector<16x4000xf32>, vector<16x4000xf32>, vector<1x4000xf32> -> vector<33x4000xf32>
    %dot_general3A_1542 = arith.constant dense<0.000000e+00> : vector<64x4000xf32>
    %dot_general3A_1543 = tpu.matmul %get3A_28, %concatenate3A_1541, %dot_general3A_1542 {dimension_numbers = #tpu.dot_dimension_numbers<[1], [0], [0], [1], [0, 0, 1, 1], [], []>, transpose_lhs_hint = false} : vector<64x33xf32>, vector<33x4000xf32>, vector<64x4000xf32> -> vector<64x4000xf32>
    %slice3A_1544 = vector.extract_strided_slice %dot_general3A_1543 {offsets = [0, 0], sizes = [16, 4000], strides = [1, 1]} : vector<64x4000xf32> to vector<16x4000xf32>
    %tanh3A_1545 = math.tanh %slice3A_1544 : vector<16x4000xf32>
    %mul3A_1546 = arith.constant 5.000000e-01 : f32
    %mul3A_1547 = vector.broadcast %mul3A_1546 : f32 to vector<16x4000xf32>
    %mul3A_1548 = arith.mulf %mul3A_1547, %tanh3A_1545 : vector<16x4000xf32>
    %add3A_1549 = arith.constant 5.000000e-01 : f32
    %add3A_1550 = vector.broadcast %add3A_1549 : f32 to vector<16x4000xf32>
    %add3A_1551 = arith.addf %mul3A_1548, %add3A_1550 : vector<16x4000xf32>
    %slice3A_1552 = vector.extract_strided_slice %dot_general3A_1543 {offsets = [16, 0], sizes = [16, 4000], strides = [1, 1]} : vector<64x4000xf32> to vector<16x4000xf32>
    %tanh3A_1553 = math.tanh %slice3A_1552 : vector<16x4000xf32>
    %mul3A_1554 = arith.constant 5.000000e-01 : f32
    %mul3A_1555 = vector.broadcast %mul3A_1554 : f32 to vector<16x4000xf32>
    %mul3A_1556 = arith.mulf %mul3A_1555, %tanh3A_1553 : vector<16x4000xf32>
    %add3A_1557 = arith.constant 5.000000e-01 : f32
    %add3A_1558 = vector.broadcast %add3A_1557 : f32 to vector<16x4000xf32>
    %add3A_1559 = arith.addf %mul3A_1556, %add3A_1558 : vector<16x4000xf32>
    %slice3A_1560 = vector.extract_strided_slice %dot_general3A_1543 {offsets = [32, 0], sizes = [16, 4000], strides = [1, 1]} : vector<64x4000xf32> to vector<16x4000xf32>
    %tanh3A_1561 = math.tanh %slice3A_1560 : vector<16x4000xf32>
    %slice3A_1562 = vector.extract_strided_slice %dot_general3A_1543 {offsets = [48, 0], sizes = [16, 4000], strides = [1, 1]} : vector<64x4000xf32> to vector<16x4000xf32>
    %tanh3A_1563 = math.tanh %slice3A_1562 : vector<16x4000xf32>
    %mul3A_1564 = arith.constant 5.000000e-01 : f32
    %mul3A_1565 = vector.broadcast %mul3A_1564 : f32 to vector<16x4000xf32>
    %mul3A_1566 = arith.mulf %mul3A_1565, %tanh3A_1563 : vector<16x4000xf32>
    %add3A_1567 = arith.constant 5.000000e-01 : f32
    %add3A_1568 = vector.broadcast %add3A_1567 : f32 to vector<16x4000xf32>
    %add3A_1569 = arith.addf %mul3A_1566, %add3A_1568 : vector<16x4000xf32>
    %mul3A_1570 = arith.mulf %add3A_1559, %add3A_1497 : vector<16x4000xf32>
    %mul3A_1571 = arith.mulf %add3A_1551, %tanh3A_1561 : vector<16x4000xf32>
    %add3A_1572 = arith.addf %mul3A_1570, %mul3A_1571 : vector<16x4000xf32>
    %tanh3A_1573 = math.tanh %add3A_1572 : vector<16x4000xf32>
    %mul3A_1574 = arith.mulf %add3A_1569, %tanh3A_1573 : vector<16x4000xf32>
    %concatenate3A_1575 = tpu.concatenate %mul3A_1574, %mul3A_1533, %broadcast_in_dim3A_32 in 0 : vector<16x4000xf32>, vector<16x4000xf32>, vector<1x4000xf32> -> vector<33x4000xf32>
    %dot_general3A_1576 = arith.constant dense<0.000000e+00> : vector<64x4000xf32>
    %dot_general3A_1577 = tpu.matmul %get3A_31, %concatenate3A_1575, %dot_general3A_1576 {dimension_numbers = #tpu.dot_dimension_numbers<[1], [0], [0], [1], [0, 0, 1, 1], [], []>, transpose_lhs_hint = false} : vector<64x33xf32>, vector<33x4000xf32>, vector<64x4000xf32> -> vector<64x4000xf32>
    %slice3A_1578 = vector.extract_strided_slice %dot_general3A_1577 {offsets = [0, 0], sizes = [16, 4000], strides = [1, 1]} : vector<64x4000xf32> to vector<16x4000xf32>
    %tanh3A_1579 = math.tanh %slice3A_1578 : vector<16x4000xf32>
    %mul3A_1580 = arith.constant 5.000000e-01 : f32
    %mul3A_1581 = vector.broadcast %mul3A_1580 : f32 to vector<16x4000xf32>
    %mul3A_1582 = arith.mulf %mul3A_1581, %tanh3A_1579 : vector<16x4000xf32>
    %add3A_1583 = arith.constant 5.000000e-01 : f32
    %add3A_1584 = vector.broadcast %add3A_1583 : f32 to vector<16x4000xf32>
    %add3A_1585 = arith.addf %mul3A_1582, %add3A_1584 : vector<16x4000xf32>
    %slice3A_1586 = vector.extract_strided_slice %dot_general3A_1577 {offsets = [16, 0], sizes = [16, 4000], strides = [1, 1]} : vector<64x4000xf32> to vector<16x4000xf32>
    %tanh3A_1587 = math.tanh %slice3A_1586 : vector<16x4000xf32>
    %mul3A_1588 = arith.constant 5.000000e-01 : f32
    %mul3A_1589 = vector.broadcast %mul3A_1588 : f32 to vector<16x4000xf32>
    %mul3A_1590 = arith.mulf %mul3A_1589, %tanh3A_1587 : vector<16x4000xf32>
    %add3A_1591 = arith.constant 5.000000e-01 : f32
    %add3A_1592 = vector.broadcast %add3A_1591 : f32 to vector<16x4000xf32>
    %add3A_1593 = arith.addf %mul3A_1590, %add3A_1592 : vector<16x4000xf32>
    %slice3A_1594 = vector.extract_strided_slice %dot_general3A_1577 {offsets = [32, 0], sizes = [16, 4000], strides = [1, 1]} : vector<64x4000xf32> to vector<16x4000xf32>
    %tanh3A_1595 = math.tanh %slice3A_1594 : vector<16x4000xf32>
    %slice3A_1596 = vector.extract_strided_slice %dot_general3A_1577 {offsets = [48, 0], sizes = [16, 4000], strides = [1, 1]} : vector<64x4000xf32> to vector<16x4000xf32>
    %tanh3A_1597 = math.tanh %slice3A_1596 : vector<16x4000xf32>
    %mul3A_1598 = arith.constant 5.000000e-01 : f32
    %mul3A_1599 = vector.broadcast %mul3A_1598 : f32 to vector<16x4000xf32>
    %mul3A_1600 = arith.mulf %mul3A_1599, %tanh3A_1597 : vector<16x4000xf32>
    %add3A_1601 = arith.constant 5.000000e-01 : f32
    %add3A_1602 = vector.broadcast %add3A_1601 : f32 to vector<16x4000xf32>
    %add3A_1603 = arith.addf %mul3A_1600, %add3A_1602 : vector<16x4000xf32>
    %mul3A_1604 = arith.mulf %add3A_1593, %add3A_1531 : vector<16x4000xf32>
    %mul3A_1605 = arith.mulf %add3A_1585, %tanh3A_1595 : vector<16x4000xf32>
    %add3A_1606 = arith.addf %mul3A_1604, %mul3A_1605 : vector<16x4000xf32>
    %tanh3A_1607 = math.tanh %add3A_1606 : vector<16x4000xf32>
    %mul3A_1608 = arith.mulf %add3A_1603, %tanh3A_1607 : vector<16x4000xf32>
    %dot_general3A_1609 = arith.constant dense<0.000000e+00> : vector<1x4000xf32>
    %dot_general3A_1610 = tpu.matmul %transpose3A, %mul3A_1608, %dot_general3A_1609 {dimension_numbers = #tpu.dot_dimension_numbers<[1], [0], [0], [1], [0, 0, 1, 1], [], []>, precision = #tpu.contract_precision<fp32>, transpose_lhs_hint = false} : vector<1x16xf32>, vector<16x4000xf32>, vector<1x4000xf32> -> vector<1x4000xf32>
    %get3A_1611 = arith.constant 21 : index
    %get3A_1612 = arith.constant 0 : index
    %get3A_1613 = arith.constant 0 : index
    %get3A_1614 = vector.load %arg0[%get3A_1611, %get3A_1612, %get3A_1613] : memref<32x16x4000xf32, #tpu.memory_space<vmem>>, vector<1x16x4000xf32>
    %get3A_1615 = vector.shape_cast %get3A_1614 : vector<1x16x4000xf32> to vector<16x4000xf32>
    %concatenate3A_1616 = tpu.concatenate %get3A_1615, %mul3A_1574, %broadcast_in_dim3A_32 in 0 : vector<16x4000xf32>, vector<16x4000xf32>, vector<1x4000xf32> -> vector<33x4000xf32>
    %dot_general3A_1617 = arith.constant dense<0.000000e+00> : vector<64x4000xf32>
    %dot_general3A_1618 = tpu.matmul %get3A_28, %concatenate3A_1616, %dot_general3A_1617 {dimension_numbers = #tpu.dot_dimension_numbers<[1], [0], [0], [1], [0, 0, 1, 1], [], []>, transpose_lhs_hint = false} : vector<64x33xf32>, vector<33x4000xf32>, vector<64x4000xf32> -> vector<64x4000xf32>
    %slice3A_1619 = vector.extract_strided_slice %dot_general3A_1618 {offsets = [0, 0], sizes = [16, 4000], strides = [1, 1]} : vector<64x4000xf32> to vector<16x4000xf32>
    %tanh3A_1620 = math.tanh %slice3A_1619 : vector<16x4000xf32>
    %mul3A_1621 = arith.constant 5.000000e-01 : f32
    %mul3A_1622 = vector.broadcast %mul3A_1621 : f32 to vector<16x4000xf32>
    %mul3A_1623 = arith.mulf %mul3A_1622, %tanh3A_1620 : vector<16x4000xf32>
    %add3A_1624 = arith.constant 5.000000e-01 : f32
    %add3A_1625 = vector.broadcast %add3A_1624 : f32 to vector<16x4000xf32>
    %add3A_1626 = arith.addf %mul3A_1623, %add3A_1625 : vector<16x4000xf32>
    %slice3A_1627 = vector.extract_strided_slice %dot_general3A_1618 {offsets = [16, 0], sizes = [16, 4000], strides = [1, 1]} : vector<64x4000xf32> to vector<16x4000xf32>
    %tanh3A_1628 = math.tanh %slice3A_1627 : vector<16x4000xf32>
    %mul3A_1629 = arith.constant 5.000000e-01 : f32
    %mul3A_1630 = vector.broadcast %mul3A_1629 : f32 to vector<16x4000xf32>
    %mul3A_1631 = arith.mulf %mul3A_1630, %tanh3A_1628 : vector<16x4000xf32>
    %add3A_1632 = arith.constant 5.000000e-01 : f32
    %add3A_1633 = vector.broadcast %add3A_1632 : f32 to vector<16x4000xf32>
    %add3A_1634 = arith.addf %mul3A_1631, %add3A_1633 : vector<16x4000xf32>
    %slice3A_1635 = vector.extract_strided_slice %dot_general3A_1618 {offsets = [32, 0], sizes = [16, 4000], strides = [1, 1]} : vector<64x4000xf32> to vector<16x4000xf32>
    %tanh3A_1636 = math.tanh %slice3A_1635 : vector<16x4000xf32>
    %slice3A_1637 = vector.extract_strided_slice %dot_general3A_1618 {offsets = [48, 0], sizes = [16, 4000], strides = [1, 1]} : vector<64x4000xf32> to vector<16x4000xf32>
    %tanh3A_1638 = math.tanh %slice3A_1637 : vector<16x4000xf32>
    %mul3A_1639 = arith.constant 5.000000e-01 : f32
    %mul3A_1640 = vector.broadcast %mul3A_1639 : f32 to vector<16x4000xf32>
    %mul3A_1641 = arith.mulf %mul3A_1640, %tanh3A_1638 : vector<16x4000xf32>
    %add3A_1642 = arith.constant 5.000000e-01 : f32
    %add3A_1643 = vector.broadcast %add3A_1642 : f32 to vector<16x4000xf32>
    %add3A_1644 = arith.addf %mul3A_1641, %add3A_1643 : vector<16x4000xf32>
    %mul3A_1645 = arith.mulf %add3A_1634, %add3A_1572 : vector<16x4000xf32>
    %mul3A_1646 = arith.mulf %add3A_1626, %tanh3A_1636 : vector<16x4000xf32>
    %add3A_1647 = arith.addf %mul3A_1645, %mul3A_1646 : vector<16x4000xf32>
    %tanh3A_1648 = math.tanh %add3A_1647 : vector<16x4000xf32>
    %mul3A_1649 = arith.mulf %add3A_1644, %tanh3A_1648 : vector<16x4000xf32>
    %concatenate3A_1650 = tpu.concatenate %mul3A_1649, %mul3A_1608, %broadcast_in_dim3A_32 in 0 : vector<16x4000xf32>, vector<16x4000xf32>, vector<1x4000xf32> -> vector<33x4000xf32>
    %dot_general3A_1651 = arith.constant dense<0.000000e+00> : vector<64x4000xf32>
    %dot_general3A_1652 = tpu.matmul %get3A_31, %concatenate3A_1650, %dot_general3A_1651 {dimension_numbers = #tpu.dot_dimension_numbers<[1], [0], [0], [1], [0, 0, 1, 1], [], []>, transpose_lhs_hint = false} : vector<64x33xf32>, vector<33x4000xf32>, vector<64x4000xf32> -> vector<64x4000xf32>
    %slice3A_1653 = vector.extract_strided_slice %dot_general3A_1652 {offsets = [0, 0], sizes = [16, 4000], strides = [1, 1]} : vector<64x4000xf32> to vector<16x4000xf32>
    %tanh3A_1654 = math.tanh %slice3A_1653 : vector<16x4000xf32>
    %mul3A_1655 = arith.constant 5.000000e-01 : f32
    %mul3A_1656 = vector.broadcast %mul3A_1655 : f32 to vector<16x4000xf32>
    %mul3A_1657 = arith.mulf %mul3A_1656, %tanh3A_1654 : vector<16x4000xf32>
    %add3A_1658 = arith.constant 5.000000e-01 : f32
    %add3A_1659 = vector.broadcast %add3A_1658 : f32 to vector<16x4000xf32>
    %add3A_1660 = arith.addf %mul3A_1657, %add3A_1659 : vector<16x4000xf32>
    %slice3A_1661 = vector.extract_strided_slice %dot_general3A_1652 {offsets = [16, 0], sizes = [16, 4000], strides = [1, 1]} : vector<64x4000xf32> to vector<16x4000xf32>
    %tanh3A_1662 = math.tanh %slice3A_1661 : vector<16x4000xf32>
    %mul3A_1663 = arith.constant 5.000000e-01 : f32
    %mul3A_1664 = vector.broadcast %mul3A_1663 : f32 to vector<16x4000xf32>
    %mul3A_1665 = arith.mulf %mul3A_1664, %tanh3A_1662 : vector<16x4000xf32>
    %add3A_1666 = arith.constant 5.000000e-01 : f32
    %add3A_1667 = vector.broadcast %add3A_1666 : f32 to vector<16x4000xf32>
    %add3A_1668 = arith.addf %mul3A_1665, %add3A_1667 : vector<16x4000xf32>
    %slice3A_1669 = vector.extract_strided_slice %dot_general3A_1652 {offsets = [32, 0], sizes = [16, 4000], strides = [1, 1]} : vector<64x4000xf32> to vector<16x4000xf32>
    %tanh3A_1670 = math.tanh %slice3A_1669 : vector<16x4000xf32>
    %slice3A_1671 = vector.extract_strided_slice %dot_general3A_1652 {offsets = [48, 0], sizes = [16, 4000], strides = [1, 1]} : vector<64x4000xf32> to vector<16x4000xf32>
    %tanh3A_1672 = math.tanh %slice3A_1671 : vector<16x4000xf32>
    %mul3A_1673 = arith.constant 5.000000e-01 : f32
    %mul3A_1674 = vector.broadcast %mul3A_1673 : f32 to vector<16x4000xf32>
    %mul3A_1675 = arith.mulf %mul3A_1674, %tanh3A_1672 : vector<16x4000xf32>
    %add3A_1676 = arith.constant 5.000000e-01 : f32
    %add3A_1677 = vector.broadcast %add3A_1676 : f32 to vector<16x4000xf32>
    %add3A_1678 = arith.addf %mul3A_1675, %add3A_1677 : vector<16x4000xf32>
    %mul3A_1679 = arith.mulf %add3A_1668, %add3A_1606 : vector<16x4000xf32>
    %mul3A_1680 = arith.mulf %add3A_1660, %tanh3A_1670 : vector<16x4000xf32>
    %add3A_1681 = arith.addf %mul3A_1679, %mul3A_1680 : vector<16x4000xf32>
    %tanh3A_1682 = math.tanh %add3A_1681 : vector<16x4000xf32>
    %mul3A_1683 = arith.mulf %add3A_1678, %tanh3A_1682 : vector<16x4000xf32>
    %dot_general3A_1684 = arith.constant dense<0.000000e+00> : vector<1x4000xf32>
    %dot_general3A_1685 = tpu.matmul %transpose3A, %mul3A_1683, %dot_general3A_1684 {dimension_numbers = #tpu.dot_dimension_numbers<[1], [0], [0], [1], [0, 0, 1, 1], [], []>, precision = #tpu.contract_precision<fp32>, transpose_lhs_hint = false} : vector<1x16xf32>, vector<16x4000xf32>, vector<1x4000xf32> -> vector<1x4000xf32>
    %get3A_1686 = arith.constant 22 : index
    %get3A_1687 = arith.constant 0 : index
    %get3A_1688 = arith.constant 0 : index
    %get3A_1689 = vector.load %arg0[%get3A_1686, %get3A_1687, %get3A_1688] : memref<32x16x4000xf32, #tpu.memory_space<vmem>>, vector<1x16x4000xf32>
    %get3A_1690 = vector.shape_cast %get3A_1689 : vector<1x16x4000xf32> to vector<16x4000xf32>
    %concatenate3A_1691 = tpu.concatenate %get3A_1690, %mul3A_1649, %broadcast_in_dim3A_32 in 0 : vector<16x4000xf32>, vector<16x4000xf32>, vector<1x4000xf32> -> vector<33x4000xf32>
    %dot_general3A_1692 = arith.constant dense<0.000000e+00> : vector<64x4000xf32>
    %dot_general3A_1693 = tpu.matmul %get3A_28, %concatenate3A_1691, %dot_general3A_1692 {dimension_numbers = #tpu.dot_dimension_numbers<[1], [0], [0], [1], [0, 0, 1, 1], [], []>, transpose_lhs_hint = false} : vector<64x33xf32>, vector<33x4000xf32>, vector<64x4000xf32> -> vector<64x4000xf32>
    %slice3A_1694 = vector.extract_strided_slice %dot_general3A_1693 {offsets = [0, 0], sizes = [16, 4000], strides = [1, 1]} : vector<64x4000xf32> to vector<16x4000xf32>
    %tanh3A_1695 = math.tanh %slice3A_1694 : vector<16x4000xf32>
    %mul3A_1696 = arith.constant 5.000000e-01 : f32
    %mul3A_1697 = vector.broadcast %mul3A_1696 : f32 to vector<16x4000xf32>
    %mul3A_1698 = arith.mulf %mul3A_1697, %tanh3A_1695 : vector<16x4000xf32>
    %add3A_1699 = arith.constant 5.000000e-01 : f32
    %add3A_1700 = vector.broadcast %add3A_1699 : f32 to vector<16x4000xf32>
    %add3A_1701 = arith.addf %mul3A_1698, %add3A_1700 : vector<16x4000xf32>
    %slice3A_1702 = vector.extract_strided_slice %dot_general3A_1693 {offsets = [16, 0], sizes = [16, 4000], strides = [1, 1]} : vector<64x4000xf32> to vector<16x4000xf32>
    %tanh3A_1703 = math.tanh %slice3A_1702 : vector<16x4000xf32>
    %mul3A_1704 = arith.constant 5.000000e-01 : f32
    %mul3A_1705 = vector.broadcast %mul3A_1704 : f32 to vector<16x4000xf32>
    %mul3A_1706 = arith.mulf %mul3A_1705, %tanh3A_1703 : vector<16x4000xf32>
    %add3A_1707 = arith.constant 5.000000e-01 : f32
    %add3A_1708 = vector.broadcast %add3A_1707 : f32 to vector<16x4000xf32>
    %add3A_1709 = arith.addf %mul3A_1706, %add3A_1708 : vector<16x4000xf32>
    %slice3A_1710 = vector.extract_strided_slice %dot_general3A_1693 {offsets = [32, 0], sizes = [16, 4000], strides = [1, 1]} : vector<64x4000xf32> to vector<16x4000xf32>
    %tanh3A_1711 = math.tanh %slice3A_1710 : vector<16x4000xf32>
    %slice3A_1712 = vector.extract_strided_slice %dot_general3A_1693 {offsets = [48, 0], sizes = [16, 4000], strides = [1, 1]} : vector<64x4000xf32> to vector<16x4000xf32>
    %tanh3A_1713 = math.tanh %slice3A_1712 : vector<16x4000xf32>
    %mul3A_1714 = arith.constant 5.000000e-01 : f32
    %mul3A_1715 = vector.broadcast %mul3A_1714 : f32 to vector<16x4000xf32>
    %mul3A_1716 = arith.mulf %mul3A_1715, %tanh3A_1713 : vector<16x4000xf32>
    %add3A_1717 = arith.constant 5.000000e-01 : f32
    %add3A_1718 = vector.broadcast %add3A_1717 : f32 to vector<16x4000xf32>
    %add3A_1719 = arith.addf %mul3A_1716, %add3A_1718 : vector<16x4000xf32>
    %mul3A_1720 = arith.mulf %add3A_1709, %add3A_1647 : vector<16x4000xf32>
    %mul3A_1721 = arith.mulf %add3A_1701, %tanh3A_1711 : vector<16x4000xf32>
    %add3A_1722 = arith.addf %mul3A_1720, %mul3A_1721 : vector<16x4000xf32>
    %tanh3A_1723 = math.tanh %add3A_1722 : vector<16x4000xf32>
    %mul3A_1724 = arith.mulf %add3A_1719, %tanh3A_1723 : vector<16x4000xf32>
    %concatenate3A_1725 = tpu.concatenate %mul3A_1724, %mul3A_1683, %broadcast_in_dim3A_32 in 0 : vector<16x4000xf32>, vector<16x4000xf32>, vector<1x4000xf32> -> vector<33x4000xf32>
    %dot_general3A_1726 = arith.constant dense<0.000000e+00> : vector<64x4000xf32>
    %dot_general3A_1727 = tpu.matmul %get3A_31, %concatenate3A_1725, %dot_general3A_1726 {dimension_numbers = #tpu.dot_dimension_numbers<[1], [0], [0], [1], [0, 0, 1, 1], [], []>, transpose_lhs_hint = false} : vector<64x33xf32>, vector<33x4000xf32>, vector<64x4000xf32> -> vector<64x4000xf32>
    %slice3A_1728 = vector.extract_strided_slice %dot_general3A_1727 {offsets = [0, 0], sizes = [16, 4000], strides = [1, 1]} : vector<64x4000xf32> to vector<16x4000xf32>
    %tanh3A_1729 = math.tanh %slice3A_1728 : vector<16x4000xf32>
    %mul3A_1730 = arith.constant 5.000000e-01 : f32
    %mul3A_1731 = vector.broadcast %mul3A_1730 : f32 to vector<16x4000xf32>
    %mul3A_1732 = arith.mulf %mul3A_1731, %tanh3A_1729 : vector<16x4000xf32>
    %add3A_1733 = arith.constant 5.000000e-01 : f32
    %add3A_1734 = vector.broadcast %add3A_1733 : f32 to vector<16x4000xf32>
    %add3A_1735 = arith.addf %mul3A_1732, %add3A_1734 : vector<16x4000xf32>
    %slice3A_1736 = vector.extract_strided_slice %dot_general3A_1727 {offsets = [16, 0], sizes = [16, 4000], strides = [1, 1]} : vector<64x4000xf32> to vector<16x4000xf32>
    %tanh3A_1737 = math.tanh %slice3A_1736 : vector<16x4000xf32>
    %mul3A_1738 = arith.constant 5.000000e-01 : f32
    %mul3A_1739 = vector.broadcast %mul3A_1738 : f32 to vector<16x4000xf32>
    %mul3A_1740 = arith.mulf %mul3A_1739, %tanh3A_1737 : vector<16x4000xf32>
    %add3A_1741 = arith.constant 5.000000e-01 : f32
    %add3A_1742 = vector.broadcast %add3A_1741 : f32 to vector<16x4000xf32>
    %add3A_1743 = arith.addf %mul3A_1740, %add3A_1742 : vector<16x4000xf32>
    %slice3A_1744 = vector.extract_strided_slice %dot_general3A_1727 {offsets = [32, 0], sizes = [16, 4000], strides = [1, 1]} : vector<64x4000xf32> to vector<16x4000xf32>
    %tanh3A_1745 = math.tanh %slice3A_1744 : vector<16x4000xf32>
    %slice3A_1746 = vector.extract_strided_slice %dot_general3A_1727 {offsets = [48, 0], sizes = [16, 4000], strides = [1, 1]} : vector<64x4000xf32> to vector<16x4000xf32>
    %tanh3A_1747 = math.tanh %slice3A_1746 : vector<16x4000xf32>
    %mul3A_1748 = arith.constant 5.000000e-01 : f32
    %mul3A_1749 = vector.broadcast %mul3A_1748 : f32 to vector<16x4000xf32>
    %mul3A_1750 = arith.mulf %mul3A_1749, %tanh3A_1747 : vector<16x4000xf32>
    %add3A_1751 = arith.constant 5.000000e-01 : f32
    %add3A_1752 = vector.broadcast %add3A_1751 : f32 to vector<16x4000xf32>
    %add3A_1753 = arith.addf %mul3A_1750, %add3A_1752 : vector<16x4000xf32>
    %mul3A_1754 = arith.mulf %add3A_1743, %add3A_1681 : vector<16x4000xf32>
    %mul3A_1755 = arith.mulf %add3A_1735, %tanh3A_1745 : vector<16x4000xf32>
    %add3A_1756 = arith.addf %mul3A_1754, %mul3A_1755 : vector<16x4000xf32>
    %tanh3A_1757 = math.tanh %add3A_1756 : vector<16x4000xf32>
    %mul3A_1758 = arith.mulf %add3A_1753, %tanh3A_1757 : vector<16x4000xf32>
    %dot_general3A_1759 = arith.constant dense<0.000000e+00> : vector<1x4000xf32>
    %dot_general3A_1760 = tpu.matmul %transpose3A, %mul3A_1758, %dot_general3A_1759 {dimension_numbers = #tpu.dot_dimension_numbers<[1], [0], [0], [1], [0, 0, 1, 1], [], []>, precision = #tpu.contract_precision<fp32>, transpose_lhs_hint = false} : vector<1x16xf32>, vector<16x4000xf32>, vector<1x4000xf32> -> vector<1x4000xf32>
    %get3A_1761 = arith.constant 23 : index
    %get3A_1762 = arith.constant 0 : index
    %get3A_1763 = arith.constant 0 : index
    %get3A_1764 = vector.load %arg0[%get3A_1761, %get3A_1762, %get3A_1763] : memref<32x16x4000xf32, #tpu.memory_space<vmem>>, vector<1x16x4000xf32>
    %get3A_1765 = vector.shape_cast %get3A_1764 : vector<1x16x4000xf32> to vector<16x4000xf32>
    %concatenate3A_1766 = tpu.concatenate %get3A_1765, %mul3A_1724, %broadcast_in_dim3A_32 in 0 : vector<16x4000xf32>, vector<16x4000xf32>, vector<1x4000xf32> -> vector<33x4000xf32>
    %dot_general3A_1767 = arith.constant dense<0.000000e+00> : vector<64x4000xf32>
    %dot_general3A_1768 = tpu.matmul %get3A_28, %concatenate3A_1766, %dot_general3A_1767 {dimension_numbers = #tpu.dot_dimension_numbers<[1], [0], [0], [1], [0, 0, 1, 1], [], []>, transpose_lhs_hint = false} : vector<64x33xf32>, vector<33x4000xf32>, vector<64x4000xf32> -> vector<64x4000xf32>
    %slice3A_1769 = vector.extract_strided_slice %dot_general3A_1768 {offsets = [0, 0], sizes = [16, 4000], strides = [1, 1]} : vector<64x4000xf32> to vector<16x4000xf32>
    %tanh3A_1770 = math.tanh %slice3A_1769 : vector<16x4000xf32>
    %mul3A_1771 = arith.constant 5.000000e-01 : f32
    %mul3A_1772 = vector.broadcast %mul3A_1771 : f32 to vector<16x4000xf32>
    %mul3A_1773 = arith.mulf %mul3A_1772, %tanh3A_1770 : vector<16x4000xf32>
    %add3A_1774 = arith.constant 5.000000e-01 : f32
    %add3A_1775 = vector.broadcast %add3A_1774 : f32 to vector<16x4000xf32>
    %add3A_1776 = arith.addf %mul3A_1773, %add3A_1775 : vector<16x4000xf32>
    %slice3A_1777 = vector.extract_strided_slice %dot_general3A_1768 {offsets = [16, 0], sizes = [16, 4000], strides = [1, 1]} : vector<64x4000xf32> to vector<16x4000xf32>
    %tanh3A_1778 = math.tanh %slice3A_1777 : vector<16x4000xf32>
    %mul3A_1779 = arith.constant 5.000000e-01 : f32
    %mul3A_1780 = vector.broadcast %mul3A_1779 : f32 to vector<16x4000xf32>
    %mul3A_1781 = arith.mulf %mul3A_1780, %tanh3A_1778 : vector<16x4000xf32>
    %add3A_1782 = arith.constant 5.000000e-01 : f32
    %add3A_1783 = vector.broadcast %add3A_1782 : f32 to vector<16x4000xf32>
    %add3A_1784 = arith.addf %mul3A_1781, %add3A_1783 : vector<16x4000xf32>
    %slice3A_1785 = vector.extract_strided_slice %dot_general3A_1768 {offsets = [32, 0], sizes = [16, 4000], strides = [1, 1]} : vector<64x4000xf32> to vector<16x4000xf32>
    %tanh3A_1786 = math.tanh %slice3A_1785 : vector<16x4000xf32>
    %slice3A_1787 = vector.extract_strided_slice %dot_general3A_1768 {offsets = [48, 0], sizes = [16, 4000], strides = [1, 1]} : vector<64x4000xf32> to vector<16x4000xf32>
    %tanh3A_1788 = math.tanh %slice3A_1787 : vector<16x4000xf32>
    %mul3A_1789 = arith.constant 5.000000e-01 : f32
    %mul3A_1790 = vector.broadcast %mul3A_1789 : f32 to vector<16x4000xf32>
    %mul3A_1791 = arith.mulf %mul3A_1790, %tanh3A_1788 : vector<16x4000xf32>
    %add3A_1792 = arith.constant 5.000000e-01 : f32
    %add3A_1793 = vector.broadcast %add3A_1792 : f32 to vector<16x4000xf32>
    %add3A_1794 = arith.addf %mul3A_1791, %add3A_1793 : vector<16x4000xf32>
    %mul3A_1795 = arith.mulf %add3A_1784, %add3A_1722 : vector<16x4000xf32>
    %mul3A_1796 = arith.mulf %add3A_1776, %tanh3A_1786 : vector<16x4000xf32>
    %add3A_1797 = arith.addf %mul3A_1795, %mul3A_1796 : vector<16x4000xf32>
    %tanh3A_1798 = math.tanh %add3A_1797 : vector<16x4000xf32>
    %mul3A_1799 = arith.mulf %add3A_1794, %tanh3A_1798 : vector<16x4000xf32>
    %concatenate3A_1800 = tpu.concatenate %mul3A_1799, %mul3A_1758, %broadcast_in_dim3A_32 in 0 : vector<16x4000xf32>, vector<16x4000xf32>, vector<1x4000xf32> -> vector<33x4000xf32>
    %dot_general3A_1801 = arith.constant dense<0.000000e+00> : vector<64x4000xf32>
    %dot_general3A_1802 = tpu.matmul %get3A_31, %concatenate3A_1800, %dot_general3A_1801 {dimension_numbers = #tpu.dot_dimension_numbers<[1], [0], [0], [1], [0, 0, 1, 1], [], []>, transpose_lhs_hint = false} : vector<64x33xf32>, vector<33x4000xf32>, vector<64x4000xf32> -> vector<64x4000xf32>
    %slice3A_1803 = vector.extract_strided_slice %dot_general3A_1802 {offsets = [0, 0], sizes = [16, 4000], strides = [1, 1]} : vector<64x4000xf32> to vector<16x4000xf32>
    %tanh3A_1804 = math.tanh %slice3A_1803 : vector<16x4000xf32>
    %mul3A_1805 = arith.constant 5.000000e-01 : f32
    %mul3A_1806 = vector.broadcast %mul3A_1805 : f32 to vector<16x4000xf32>
    %mul3A_1807 = arith.mulf %mul3A_1806, %tanh3A_1804 : vector<16x4000xf32>
    %add3A_1808 = arith.constant 5.000000e-01 : f32
    %add3A_1809 = vector.broadcast %add3A_1808 : f32 to vector<16x4000xf32>
    %add3A_1810 = arith.addf %mul3A_1807, %add3A_1809 : vector<16x4000xf32>
    %slice3A_1811 = vector.extract_strided_slice %dot_general3A_1802 {offsets = [16, 0], sizes = [16, 4000], strides = [1, 1]} : vector<64x4000xf32> to vector<16x4000xf32>
    %tanh3A_1812 = math.tanh %slice3A_1811 : vector<16x4000xf32>
    %mul3A_1813 = arith.constant 5.000000e-01 : f32
    %mul3A_1814 = vector.broadcast %mul3A_1813 : f32 to vector<16x4000xf32>
    %mul3A_1815 = arith.mulf %mul3A_1814, %tanh3A_1812 : vector<16x4000xf32>
    %add3A_1816 = arith.constant 5.000000e-01 : f32
    %add3A_1817 = vector.broadcast %add3A_1816 : f32 to vector<16x4000xf32>
    %add3A_1818 = arith.addf %mul3A_1815, %add3A_1817 : vector<16x4000xf32>
    %slice3A_1819 = vector.extract_strided_slice %dot_general3A_1802 {offsets = [32, 0], sizes = [16, 4000], strides = [1, 1]} : vector<64x4000xf32> to vector<16x4000xf32>
    %tanh3A_1820 = math.tanh %slice3A_1819 : vector<16x4000xf32>
    %slice3A_1821 = vector.extract_strided_slice %dot_general3A_1802 {offsets = [48, 0], sizes = [16, 4000], strides = [1, 1]} : vector<64x4000xf32> to vector<16x4000xf32>
    %tanh3A_1822 = math.tanh %slice3A_1821 : vector<16x4000xf32>
    %mul3A_1823 = arith.constant 5.000000e-01 : f32
    %mul3A_1824 = vector.broadcast %mul3A_1823 : f32 to vector<16x4000xf32>
    %mul3A_1825 = arith.mulf %mul3A_1824, %tanh3A_1822 : vector<16x4000xf32>
    %add3A_1826 = arith.constant 5.000000e-01 : f32
    %add3A_1827 = vector.broadcast %add3A_1826 : f32 to vector<16x4000xf32>
    %add3A_1828 = arith.addf %mul3A_1825, %add3A_1827 : vector<16x4000xf32>
    %mul3A_1829 = arith.mulf %add3A_1818, %add3A_1756 : vector<16x4000xf32>
    %mul3A_1830 = arith.mulf %add3A_1810, %tanh3A_1820 : vector<16x4000xf32>
    %add3A_1831 = arith.addf %mul3A_1829, %mul3A_1830 : vector<16x4000xf32>
    %tanh3A_1832 = math.tanh %add3A_1831 : vector<16x4000xf32>
    %mul3A_1833 = arith.mulf %add3A_1828, %tanh3A_1832 : vector<16x4000xf32>
    %dot_general3A_1834 = arith.constant dense<0.000000e+00> : vector<1x4000xf32>
    %dot_general3A_1835 = tpu.matmul %transpose3A, %mul3A_1833, %dot_general3A_1834 {dimension_numbers = #tpu.dot_dimension_numbers<[1], [0], [0], [1], [0, 0, 1, 1], [], []>, precision = #tpu.contract_precision<fp32>, transpose_lhs_hint = false} : vector<1x16xf32>, vector<16x4000xf32>, vector<1x4000xf32> -> vector<1x4000xf32>
    %get3A_1836 = arith.constant 24 : index
    %get3A_1837 = arith.constant 0 : index
    %get3A_1838 = arith.constant 0 : index
    %get3A_1839 = vector.load %arg0[%get3A_1836, %get3A_1837, %get3A_1838] : memref<32x16x4000xf32, #tpu.memory_space<vmem>>, vector<1x16x4000xf32>
    %get3A_1840 = vector.shape_cast %get3A_1839 : vector<1x16x4000xf32> to vector<16x4000xf32>
    %concatenate3A_1841 = tpu.concatenate %get3A_1840, %mul3A_1799, %broadcast_in_dim3A_32 in 0 : vector<16x4000xf32>, vector<16x4000xf32>, vector<1x4000xf32> -> vector<33x4000xf32>
    %dot_general3A_1842 = arith.constant dense<0.000000e+00> : vector<64x4000xf32>
    %dot_general3A_1843 = tpu.matmul %get3A_28, %concatenate3A_1841, %dot_general3A_1842 {dimension_numbers = #tpu.dot_dimension_numbers<[1], [0], [0], [1], [0, 0, 1, 1], [], []>, transpose_lhs_hint = false} : vector<64x33xf32>, vector<33x4000xf32>, vector<64x4000xf32> -> vector<64x4000xf32>
    %slice3A_1844 = vector.extract_strided_slice %dot_general3A_1843 {offsets = [0, 0], sizes = [16, 4000], strides = [1, 1]} : vector<64x4000xf32> to vector<16x4000xf32>
    %tanh3A_1845 = math.tanh %slice3A_1844 : vector<16x4000xf32>
    %mul3A_1846 = arith.constant 5.000000e-01 : f32
    %mul3A_1847 = vector.broadcast %mul3A_1846 : f32 to vector<16x4000xf32>
    %mul3A_1848 = arith.mulf %mul3A_1847, %tanh3A_1845 : vector<16x4000xf32>
    %add3A_1849 = arith.constant 5.000000e-01 : f32
    %add3A_1850 = vector.broadcast %add3A_1849 : f32 to vector<16x4000xf32>
    %add3A_1851 = arith.addf %mul3A_1848, %add3A_1850 : vector<16x4000xf32>
    %slice3A_1852 = vector.extract_strided_slice %dot_general3A_1843 {offsets = [16, 0], sizes = [16, 4000], strides = [1, 1]} : vector<64x4000xf32> to vector<16x4000xf32>
    %tanh3A_1853 = math.tanh %slice3A_1852 : vector<16x4000xf32>
    %mul3A_1854 = arith.constant 5.000000e-01 : f32
    %mul3A_1855 = vector.broadcast %mul3A_1854 : f32 to vector<16x4000xf32>
    %mul3A_1856 = arith.mulf %mul3A_1855, %tanh3A_1853 : vector<16x4000xf32>
    %add3A_1857 = arith.constant 5.000000e-01 : f32
    %add3A_1858 = vector.broadcast %add3A_1857 : f32 to vector<16x4000xf32>
    %add3A_1859 = arith.addf %mul3A_1856, %add3A_1858 : vector<16x4000xf32>
    %slice3A_1860 = vector.extract_strided_slice %dot_general3A_1843 {offsets = [32, 0], sizes = [16, 4000], strides = [1, 1]} : vector<64x4000xf32> to vector<16x4000xf32>
    %tanh3A_1861 = math.tanh %slice3A_1860 : vector<16x4000xf32>
    %slice3A_1862 = vector.extract_strided_slice %dot_general3A_1843 {offsets = [48, 0], sizes = [16, 4000], strides = [1, 1]} : vector<64x4000xf32> to vector<16x4000xf32>
    %tanh3A_1863 = math.tanh %slice3A_1862 : vector<16x4000xf32>
    %mul3A_1864 = arith.constant 5.000000e-01 : f32
    %mul3A_1865 = vector.broadcast %mul3A_1864 : f32 to vector<16x4000xf32>
    %mul3A_1866 = arith.mulf %mul3A_1865, %tanh3A_1863 : vector<16x4000xf32>
    %add3A_1867 = arith.constant 5.000000e-01 : f32
    %add3A_1868 = vector.broadcast %add3A_1867 : f32 to vector<16x4000xf32>
    %add3A_1869 = arith.addf %mul3A_1866, %add3A_1868 : vector<16x4000xf32>
    %mul3A_1870 = arith.mulf %add3A_1859, %add3A_1797 : vector<16x4000xf32>
    %mul3A_1871 = arith.mulf %add3A_1851, %tanh3A_1861 : vector<16x4000xf32>
    %add3A_1872 = arith.addf %mul3A_1870, %mul3A_1871 : vector<16x4000xf32>
    %tanh3A_1873 = math.tanh %add3A_1872 : vector<16x4000xf32>
    %mul3A_1874 = arith.mulf %add3A_1869, %tanh3A_1873 : vector<16x4000xf32>
    %concatenate3A_1875 = tpu.concatenate %mul3A_1874, %mul3A_1833, %broadcast_in_dim3A_32 in 0 : vector<16x4000xf32>, vector<16x4000xf32>, vector<1x4000xf32> -> vector<33x4000xf32>
    %dot_general3A_1876 = arith.constant dense<0.000000e+00> : vector<64x4000xf32>
    %dot_general3A_1877 = tpu.matmul %get3A_31, %concatenate3A_1875, %dot_general3A_1876 {dimension_numbers = #tpu.dot_dimension_numbers<[1], [0], [0], [1], [0, 0, 1, 1], [], []>, transpose_lhs_hint = false} : vector<64x33xf32>, vector<33x4000xf32>, vector<64x4000xf32> -> vector<64x4000xf32>
    %slice3A_1878 = vector.extract_strided_slice %dot_general3A_1877 {offsets = [0, 0], sizes = [16, 4000], strides = [1, 1]} : vector<64x4000xf32> to vector<16x4000xf32>
    %tanh3A_1879 = math.tanh %slice3A_1878 : vector<16x4000xf32>
    %mul3A_1880 = arith.constant 5.000000e-01 : f32
    %mul3A_1881 = vector.broadcast %mul3A_1880 : f32 to vector<16x4000xf32>
    %mul3A_1882 = arith.mulf %mul3A_1881, %tanh3A_1879 : vector<16x4000xf32>
    %add3A_1883 = arith.constant 5.000000e-01 : f32
    %add3A_1884 = vector.broadcast %add3A_1883 : f32 to vector<16x4000xf32>
    %add3A_1885 = arith.addf %mul3A_1882, %add3A_1884 : vector<16x4000xf32>
    %slice3A_1886 = vector.extract_strided_slice %dot_general3A_1877 {offsets = [16, 0], sizes = [16, 4000], strides = [1, 1]} : vector<64x4000xf32> to vector<16x4000xf32>
    %tanh3A_1887 = math.tanh %slice3A_1886 : vector<16x4000xf32>
    %mul3A_1888 = arith.constant 5.000000e-01 : f32
    %mul3A_1889 = vector.broadcast %mul3A_1888 : f32 to vector<16x4000xf32>
    %mul3A_1890 = arith.mulf %mul3A_1889, %tanh3A_1887 : vector<16x4000xf32>
    %add3A_1891 = arith.constant 5.000000e-01 : f32
    %add3A_1892 = vector.broadcast %add3A_1891 : f32 to vector<16x4000xf32>
    %add3A_1893 = arith.addf %mul3A_1890, %add3A_1892 : vector<16x4000xf32>
    %slice3A_1894 = vector.extract_strided_slice %dot_general3A_1877 {offsets = [32, 0], sizes = [16, 4000], strides = [1, 1]} : vector<64x4000xf32> to vector<16x4000xf32>
    %tanh3A_1895 = math.tanh %slice3A_1894 : vector<16x4000xf32>
    %slice3A_1896 = vector.extract_strided_slice %dot_general3A_1877 {offsets = [48, 0], sizes = [16, 4000], strides = [1, 1]} : vector<64x4000xf32> to vector<16x4000xf32>
    %tanh3A_1897 = math.tanh %slice3A_1896 : vector<16x4000xf32>
    %mul3A_1898 = arith.constant 5.000000e-01 : f32
    %mul3A_1899 = vector.broadcast %mul3A_1898 : f32 to vector<16x4000xf32>
    %mul3A_1900 = arith.mulf %mul3A_1899, %tanh3A_1897 : vector<16x4000xf32>
    %add3A_1901 = arith.constant 5.000000e-01 : f32
    %add3A_1902 = vector.broadcast %add3A_1901 : f32 to vector<16x4000xf32>
    %add3A_1903 = arith.addf %mul3A_1900, %add3A_1902 : vector<16x4000xf32>
    %mul3A_1904 = arith.mulf %add3A_1893, %add3A_1831 : vector<16x4000xf32>
    %mul3A_1905 = arith.mulf %add3A_1885, %tanh3A_1895 : vector<16x4000xf32>
    %add3A_1906 = arith.addf %mul3A_1904, %mul3A_1905 : vector<16x4000xf32>
    %tanh3A_1907 = math.tanh %add3A_1906 : vector<16x4000xf32>
    %mul3A_1908 = arith.mulf %add3A_1903, %tanh3A_1907 : vector<16x4000xf32>
    %dot_general3A_1909 = arith.constant dense<0.000000e+00> : vector<1x4000xf32>
    %dot_general3A_1910 = tpu.matmul %transpose3A, %mul3A_1908, %dot_general3A_1909 {dimension_numbers = #tpu.dot_dimension_numbers<[1], [0], [0], [1], [0, 0, 1, 1], [], []>, precision = #tpu.contract_precision<fp32>, transpose_lhs_hint = false} : vector<1x16xf32>, vector<16x4000xf32>, vector<1x4000xf32> -> vector<1x4000xf32>
    %get3A_1911 = arith.constant 25 : index
    %get3A_1912 = arith.constant 0 : index
    %get3A_1913 = arith.constant 0 : index
    %get3A_1914 = vector.load %arg0[%get3A_1911, %get3A_1912, %get3A_1913] : memref<32x16x4000xf32, #tpu.memory_space<vmem>>, vector<1x16x4000xf32>
    %get3A_1915 = vector.shape_cast %get3A_1914 : vector<1x16x4000xf32> to vector<16x4000xf32>
    %concatenate3A_1916 = tpu.concatenate %get3A_1915, %mul3A_1874, %broadcast_in_dim3A_32 in 0 : vector<16x4000xf32>, vector<16x4000xf32>, vector<1x4000xf32> -> vector<33x4000xf32>
    %dot_general3A_1917 = arith.constant dense<0.000000e+00> : vector<64x4000xf32>
    %dot_general3A_1918 = tpu.matmul %get3A_28, %concatenate3A_1916, %dot_general3A_1917 {dimension_numbers = #tpu.dot_dimension_numbers<[1], [0], [0], [1], [0, 0, 1, 1], [], []>, transpose_lhs_hint = false} : vector<64x33xf32>, vector<33x4000xf32>, vector<64x4000xf32> -> vector<64x4000xf32>
    %slice3A_1919 = vector.extract_strided_slice %dot_general3A_1918 {offsets = [0, 0], sizes = [16, 4000], strides = [1, 1]} : vector<64x4000xf32> to vector<16x4000xf32>
    %tanh3A_1920 = math.tanh %slice3A_1919 : vector<16x4000xf32>
    %mul3A_1921 = arith.constant 5.000000e-01 : f32
    %mul3A_1922 = vector.broadcast %mul3A_1921 : f32 to vector<16x4000xf32>
    %mul3A_1923 = arith.mulf %mul3A_1922, %tanh3A_1920 : vector<16x4000xf32>
    %add3A_1924 = arith.constant 5.000000e-01 : f32
    %add3A_1925 = vector.broadcast %add3A_1924 : f32 to vector<16x4000xf32>
    %add3A_1926 = arith.addf %mul3A_1923, %add3A_1925 : vector<16x4000xf32>
    %slice3A_1927 = vector.extract_strided_slice %dot_general3A_1918 {offsets = [16, 0], sizes = [16, 4000], strides = [1, 1]} : vector<64x4000xf32> to vector<16x4000xf32>
    %tanh3A_1928 = math.tanh %slice3A_1927 : vector<16x4000xf32>
    %mul3A_1929 = arith.constant 5.000000e-01 : f32
    %mul3A_1930 = vector.broadcast %mul3A_1929 : f32 to vector<16x4000xf32>
    %mul3A_1931 = arith.mulf %mul3A_1930, %tanh3A_1928 : vector<16x4000xf32>
    %add3A_1932 = arith.constant 5.000000e-01 : f32
    %add3A_1933 = vector.broadcast %add3A_1932 : f32 to vector<16x4000xf32>
    %add3A_1934 = arith.addf %mul3A_1931, %add3A_1933 : vector<16x4000xf32>
    %slice3A_1935 = vector.extract_strided_slice %dot_general3A_1918 {offsets = [32, 0], sizes = [16, 4000], strides = [1, 1]} : vector<64x4000xf32> to vector<16x4000xf32>
    %tanh3A_1936 = math.tanh %slice3A_1935 : vector<16x4000xf32>
    %slice3A_1937 = vector.extract_strided_slice %dot_general3A_1918 {offsets = [48, 0], sizes = [16, 4000], strides = [1, 1]} : vector<64x4000xf32> to vector<16x4000xf32>
    %tanh3A_1938 = math.tanh %slice3A_1937 : vector<16x4000xf32>
    %mul3A_1939 = arith.constant 5.000000e-01 : f32
    %mul3A_1940 = vector.broadcast %mul3A_1939 : f32 to vector<16x4000xf32>
    %mul3A_1941 = arith.mulf %mul3A_1940, %tanh3A_1938 : vector<16x4000xf32>
    %add3A_1942 = arith.constant 5.000000e-01 : f32
    %add3A_1943 = vector.broadcast %add3A_1942 : f32 to vector<16x4000xf32>
    %add3A_1944 = arith.addf %mul3A_1941, %add3A_1943 : vector<16x4000xf32>
    %mul3A_1945 = arith.mulf %add3A_1934, %add3A_1872 : vector<16x4000xf32>
    %mul3A_1946 = arith.mulf %add3A_1926, %tanh3A_1936 : vector<16x4000xf32>
    %add3A_1947 = arith.addf %mul3A_1945, %mul3A_1946 : vector<16x4000xf32>
    %tanh3A_1948 = math.tanh %add3A_1947 : vector<16x4000xf32>
    %mul3A_1949 = arith.mulf %add3A_1944, %tanh3A_1948 : vector<16x4000xf32>
    %concatenate3A_1950 = tpu.concatenate %mul3A_1949, %mul3A_1908, %broadcast_in_dim3A_32 in 0 : vector<16x4000xf32>, vector<16x4000xf32>, vector<1x4000xf32> -> vector<33x4000xf32>
    %dot_general3A_1951 = arith.constant dense<0.000000e+00> : vector<64x4000xf32>
    %dot_general3A_1952 = tpu.matmul %get3A_31, %concatenate3A_1950, %dot_general3A_1951 {dimension_numbers = #tpu.dot_dimension_numbers<[1], [0], [0], [1], [0, 0, 1, 1], [], []>, transpose_lhs_hint = false} : vector<64x33xf32>, vector<33x4000xf32>, vector<64x4000xf32> -> vector<64x4000xf32>
    %slice3A_1953 = vector.extract_strided_slice %dot_general3A_1952 {offsets = [0, 0], sizes = [16, 4000], strides = [1, 1]} : vector<64x4000xf32> to vector<16x4000xf32>
    %tanh3A_1954 = math.tanh %slice3A_1953 : vector<16x4000xf32>
    %mul3A_1955 = arith.constant 5.000000e-01 : f32
    %mul3A_1956 = vector.broadcast %mul3A_1955 : f32 to vector<16x4000xf32>
    %mul3A_1957 = arith.mulf %mul3A_1956, %tanh3A_1954 : vector<16x4000xf32>
    %add3A_1958 = arith.constant 5.000000e-01 : f32
    %add3A_1959 = vector.broadcast %add3A_1958 : f32 to vector<16x4000xf32>
    %add3A_1960 = arith.addf %mul3A_1957, %add3A_1959 : vector<16x4000xf32>
    %slice3A_1961 = vector.extract_strided_slice %dot_general3A_1952 {offsets = [16, 0], sizes = [16, 4000], strides = [1, 1]} : vector<64x4000xf32> to vector<16x4000xf32>
    %tanh3A_1962 = math.tanh %slice3A_1961 : vector<16x4000xf32>
    %mul3A_1963 = arith.constant 5.000000e-01 : f32
    %mul3A_1964 = vector.broadcast %mul3A_1963 : f32 to vector<16x4000xf32>
    %mul3A_1965 = arith.mulf %mul3A_1964, %tanh3A_1962 : vector<16x4000xf32>
    %add3A_1966 = arith.constant 5.000000e-01 : f32
    %add3A_1967 = vector.broadcast %add3A_1966 : f32 to vector<16x4000xf32>
    %add3A_1968 = arith.addf %mul3A_1965, %add3A_1967 : vector<16x4000xf32>
    %slice3A_1969 = vector.extract_strided_slice %dot_general3A_1952 {offsets = [32, 0], sizes = [16, 4000], strides = [1, 1]} : vector<64x4000xf32> to vector<16x4000xf32>
    %tanh3A_1970 = math.tanh %slice3A_1969 : vector<16x4000xf32>
    %slice3A_1971 = vector.extract_strided_slice %dot_general3A_1952 {offsets = [48, 0], sizes = [16, 4000], strides = [1, 1]} : vector<64x4000xf32> to vector<16x4000xf32>
    %tanh3A_1972 = math.tanh %slice3A_1971 : vector<16x4000xf32>
    %mul3A_1973 = arith.constant 5.000000e-01 : f32
    %mul3A_1974 = vector.broadcast %mul3A_1973 : f32 to vector<16x4000xf32>
    %mul3A_1975 = arith.mulf %mul3A_1974, %tanh3A_1972 : vector<16x4000xf32>
    %add3A_1976 = arith.constant 5.000000e-01 : f32
    %add3A_1977 = vector.broadcast %add3A_1976 : f32 to vector<16x4000xf32>
    %add3A_1978 = arith.addf %mul3A_1975, %add3A_1977 : vector<16x4000xf32>
    %mul3A_1979 = arith.mulf %add3A_1968, %add3A_1906 : vector<16x4000xf32>
    %mul3A_1980 = arith.mulf %add3A_1960, %tanh3A_1970 : vector<16x4000xf32>
    %add3A_1981 = arith.addf %mul3A_1979, %mul3A_1980 : vector<16x4000xf32>
    %tanh3A_1982 = math.tanh %add3A_1981 : vector<16x4000xf32>
    %mul3A_1983 = arith.mulf %add3A_1978, %tanh3A_1982 : vector<16x4000xf32>
    %dot_general3A_1984 = arith.constant dense<0.000000e+00> : vector<1x4000xf32>
    %dot_general3A_1985 = tpu.matmul %transpose3A, %mul3A_1983, %dot_general3A_1984 {dimension_numbers = #tpu.dot_dimension_numbers<[1], [0], [0], [1], [0, 0, 1, 1], [], []>, precision = #tpu.contract_precision<fp32>, transpose_lhs_hint = false} : vector<1x16xf32>, vector<16x4000xf32>, vector<1x4000xf32> -> vector<1x4000xf32>
    %get3A_1986 = arith.constant 26 : index
    %get3A_1987 = arith.constant 0 : index
    %get3A_1988 = arith.constant 0 : index
    %get3A_1989 = vector.load %arg0[%get3A_1986, %get3A_1987, %get3A_1988] : memref<32x16x4000xf32, #tpu.memory_space<vmem>>, vector<1x16x4000xf32>
    %get3A_1990 = vector.shape_cast %get3A_1989 : vector<1x16x4000xf32> to vector<16x4000xf32>
    %concatenate3A_1991 = tpu.concatenate %get3A_1990, %mul3A_1949, %broadcast_in_dim3A_32 in 0 : vector<16x4000xf32>, vector<16x4000xf32>, vector<1x4000xf32> -> vector<33x4000xf32>
    %dot_general3A_1992 = arith.constant dense<0.000000e+00> : vector<64x4000xf32>
    %dot_general3A_1993 = tpu.matmul %get3A_28, %concatenate3A_1991, %dot_general3A_1992 {dimension_numbers = #tpu.dot_dimension_numbers<[1], [0], [0], [1], [0, 0, 1, 1], [], []>, transpose_lhs_hint = false} : vector<64x33xf32>, vector<33x4000xf32>, vector<64x4000xf32> -> vector<64x4000xf32>
    %slice3A_1994 = vector.extract_strided_slice %dot_general3A_1993 {offsets = [0, 0], sizes = [16, 4000], strides = [1, 1]} : vector<64x4000xf32> to vector<16x4000xf32>
    %tanh3A_1995 = math.tanh %slice3A_1994 : vector<16x4000xf32>
    %mul3A_1996 = arith.constant 5.000000e-01 : f32
    %mul3A_1997 = vector.broadcast %mul3A_1996 : f32 to vector<16x4000xf32>
    %mul3A_1998 = arith.mulf %mul3A_1997, %tanh3A_1995 : vector<16x4000xf32>
    %add3A_1999 = arith.constant 5.000000e-01 : f32
    %add3A_2000 = vector.broadcast %add3A_1999 : f32 to vector<16x4000xf32>
    %add3A_2001 = arith.addf %mul3A_1998, %add3A_2000 : vector<16x4000xf32>
    %slice3A_2002 = vector.extract_strided_slice %dot_general3A_1993 {offsets = [16, 0], sizes = [16, 4000], strides = [1, 1]} : vector<64x4000xf32> to vector<16x4000xf32>
    %tanh3A_2003 = math.tanh %slice3A_2002 : vector<16x4000xf32>
    %mul3A_2004 = arith.constant 5.000000e-01 : f32
    %mul3A_2005 = vector.broadcast %mul3A_2004 : f32 to vector<16x4000xf32>
    %mul3A_2006 = arith.mulf %mul3A_2005, %tanh3A_2003 : vector<16x4000xf32>
    %add3A_2007 = arith.constant 5.000000e-01 : f32
    %add3A_2008 = vector.broadcast %add3A_2007 : f32 to vector<16x4000xf32>
    %add3A_2009 = arith.addf %mul3A_2006, %add3A_2008 : vector<16x4000xf32>
    %slice3A_2010 = vector.extract_strided_slice %dot_general3A_1993 {offsets = [32, 0], sizes = [16, 4000], strides = [1, 1]} : vector<64x4000xf32> to vector<16x4000xf32>
    %tanh3A_2011 = math.tanh %slice3A_2010 : vector<16x4000xf32>
    %slice3A_2012 = vector.extract_strided_slice %dot_general3A_1993 {offsets = [48, 0], sizes = [16, 4000], strides = [1, 1]} : vector<64x4000xf32> to vector<16x4000xf32>
    %tanh3A_2013 = math.tanh %slice3A_2012 : vector<16x4000xf32>
    %mul3A_2014 = arith.constant 5.000000e-01 : f32
    %mul3A_2015 = vector.broadcast %mul3A_2014 : f32 to vector<16x4000xf32>
    %mul3A_2016 = arith.mulf %mul3A_2015, %tanh3A_2013 : vector<16x4000xf32>
    %add3A_2017 = arith.constant 5.000000e-01 : f32
    %add3A_2018 = vector.broadcast %add3A_2017 : f32 to vector<16x4000xf32>
    %add3A_2019 = arith.addf %mul3A_2016, %add3A_2018 : vector<16x4000xf32>
    %mul3A_2020 = arith.mulf %add3A_2009, %add3A_1947 : vector<16x4000xf32>
    %mul3A_2021 = arith.mulf %add3A_2001, %tanh3A_2011 : vector<16x4000xf32>
    %add3A_2022 = arith.addf %mul3A_2020, %mul3A_2021 : vector<16x4000xf32>
    %tanh3A_2023 = math.tanh %add3A_2022 : vector<16x4000xf32>
    %mul3A_2024 = arith.mulf %add3A_2019, %tanh3A_2023 : vector<16x4000xf32>
    %concatenate3A_2025 = tpu.concatenate %mul3A_2024, %mul3A_1983, %broadcast_in_dim3A_32 in 0 : vector<16x4000xf32>, vector<16x4000xf32>, vector<1x4000xf32> -> vector<33x4000xf32>
    %dot_general3A_2026 = arith.constant dense<0.000000e+00> : vector<64x4000xf32>
    %dot_general3A_2027 = tpu.matmul %get3A_31, %concatenate3A_2025, %dot_general3A_2026 {dimension_numbers = #tpu.dot_dimension_numbers<[1], [0], [0], [1], [0, 0, 1, 1], [], []>, transpose_lhs_hint = false} : vector<64x33xf32>, vector<33x4000xf32>, vector<64x4000xf32> -> vector<64x4000xf32>
    %slice3A_2028 = vector.extract_strided_slice %dot_general3A_2027 {offsets = [0, 0], sizes = [16, 4000], strides = [1, 1]} : vector<64x4000xf32> to vector<16x4000xf32>
    %tanh3A_2029 = math.tanh %slice3A_2028 : vector<16x4000xf32>
    %mul3A_2030 = arith.constant 5.000000e-01 : f32
    %mul3A_2031 = vector.broadcast %mul3A_2030 : f32 to vector<16x4000xf32>
    %mul3A_2032 = arith.mulf %mul3A_2031, %tanh3A_2029 : vector<16x4000xf32>
    %add3A_2033 = arith.constant 5.000000e-01 : f32
    %add3A_2034 = vector.broadcast %add3A_2033 : f32 to vector<16x4000xf32>
    %add3A_2035 = arith.addf %mul3A_2032, %add3A_2034 : vector<16x4000xf32>
    %slice3A_2036 = vector.extract_strided_slice %dot_general3A_2027 {offsets = [16, 0], sizes = [16, 4000], strides = [1, 1]} : vector<64x4000xf32> to vector<16x4000xf32>
    %tanh3A_2037 = math.tanh %slice3A_2036 : vector<16x4000xf32>
    %mul3A_2038 = arith.constant 5.000000e-01 : f32
    %mul3A_2039 = vector.broadcast %mul3A_2038 : f32 to vector<16x4000xf32>
    %mul3A_2040 = arith.mulf %mul3A_2039, %tanh3A_2037 : vector<16x4000xf32>
    %add3A_2041 = arith.constant 5.000000e-01 : f32
    %add3A_2042 = vector.broadcast %add3A_2041 : f32 to vector<16x4000xf32>
    %add3A_2043 = arith.addf %mul3A_2040, %add3A_2042 : vector<16x4000xf32>
    %slice3A_2044 = vector.extract_strided_slice %dot_general3A_2027 {offsets = [32, 0], sizes = [16, 4000], strides = [1, 1]} : vector<64x4000xf32> to vector<16x4000xf32>
    %tanh3A_2045 = math.tanh %slice3A_2044 : vector<16x4000xf32>
    %slice3A_2046 = vector.extract_strided_slice %dot_general3A_2027 {offsets = [48, 0], sizes = [16, 4000], strides = [1, 1]} : vector<64x4000xf32> to vector<16x4000xf32>
    %tanh3A_2047 = math.tanh %slice3A_2046 : vector<16x4000xf32>
    %mul3A_2048 = arith.constant 5.000000e-01 : f32
    %mul3A_2049 = vector.broadcast %mul3A_2048 : f32 to vector<16x4000xf32>
    %mul3A_2050 = arith.mulf %mul3A_2049, %tanh3A_2047 : vector<16x4000xf32>
    %add3A_2051 = arith.constant 5.000000e-01 : f32
    %add3A_2052 = vector.broadcast %add3A_2051 : f32 to vector<16x4000xf32>
    %add3A_2053 = arith.addf %mul3A_2050, %add3A_2052 : vector<16x4000xf32>
    %mul3A_2054 = arith.mulf %add3A_2043, %add3A_1981 : vector<16x4000xf32>
    %mul3A_2055 = arith.mulf %add3A_2035, %tanh3A_2045 : vector<16x4000xf32>
    %add3A_2056 = arith.addf %mul3A_2054, %mul3A_2055 : vector<16x4000xf32>
    %tanh3A_2057 = math.tanh %add3A_2056 : vector<16x4000xf32>
    %mul3A_2058 = arith.mulf %add3A_2053, %tanh3A_2057 : vector<16x4000xf32>
    %dot_general3A_2059 = arith.constant dense<0.000000e+00> : vector<1x4000xf32>
    %dot_general3A_2060 = tpu.matmul %transpose3A, %mul3A_2058, %dot_general3A_2059 {dimension_numbers = #tpu.dot_dimension_numbers<[1], [0], [0], [1], [0, 0, 1, 1], [], []>, precision = #tpu.contract_precision<fp32>, transpose_lhs_hint = false} : vector<1x16xf32>, vector<16x4000xf32>, vector<1x4000xf32> -> vector<1x4000xf32>
    %get3A_2061 = arith.constant 27 : index
    %get3A_2062 = arith.constant 0 : index
    %get3A_2063 = arith.constant 0 : index
    %get3A_2064 = vector.load %arg0[%get3A_2061, %get3A_2062, %get3A_2063] : memref<32x16x4000xf32, #tpu.memory_space<vmem>>, vector<1x16x4000xf32>
    %get3A_2065 = vector.shape_cast %get3A_2064 : vector<1x16x4000xf32> to vector<16x4000xf32>
    %concatenate3A_2066 = tpu.concatenate %get3A_2065, %mul3A_2024, %broadcast_in_dim3A_32 in 0 : vector<16x4000xf32>, vector<16x4000xf32>, vector<1x4000xf32> -> vector<33x4000xf32>
    %dot_general3A_2067 = arith.constant dense<0.000000e+00> : vector<64x4000xf32>
    %dot_general3A_2068 = tpu.matmul %get3A_28, %concatenate3A_2066, %dot_general3A_2067 {dimension_numbers = #tpu.dot_dimension_numbers<[1], [0], [0], [1], [0, 0, 1, 1], [], []>, transpose_lhs_hint = false} : vector<64x33xf32>, vector<33x4000xf32>, vector<64x4000xf32> -> vector<64x4000xf32>
    %slice3A_2069 = vector.extract_strided_slice %dot_general3A_2068 {offsets = [0, 0], sizes = [16, 4000], strides = [1, 1]} : vector<64x4000xf32> to vector<16x4000xf32>
    %tanh3A_2070 = math.tanh %slice3A_2069 : vector<16x4000xf32>
    %mul3A_2071 = arith.constant 5.000000e-01 : f32
    %mul3A_2072 = vector.broadcast %mul3A_2071 : f32 to vector<16x4000xf32>
    %mul3A_2073 = arith.mulf %mul3A_2072, %tanh3A_2070 : vector<16x4000xf32>
    %add3A_2074 = arith.constant 5.000000e-01 : f32
    %add3A_2075 = vector.broadcast %add3A_2074 : f32 to vector<16x4000xf32>
    %add3A_2076 = arith.addf %mul3A_2073, %add3A_2075 : vector<16x4000xf32>
    %slice3A_2077 = vector.extract_strided_slice %dot_general3A_2068 {offsets = [16, 0], sizes = [16, 4000], strides = [1, 1]} : vector<64x4000xf32> to vector<16x4000xf32>
    %tanh3A_2078 = math.tanh %slice3A_2077 : vector<16x4000xf32>
    %mul3A_2079 = arith.constant 5.000000e-01 : f32
    %mul3A_2080 = vector.broadcast %mul3A_2079 : f32 to vector<16x4000xf32>
    %mul3A_2081 = arith.mulf %mul3A_2080, %tanh3A_2078 : vector<16x4000xf32>
    %add3A_2082 = arith.constant 5.000000e-01 : f32
    %add3A_2083 = vector.broadcast %add3A_2082 : f32 to vector<16x4000xf32>
    %add3A_2084 = arith.addf %mul3A_2081, %add3A_2083 : vector<16x4000xf32>
    %slice3A_2085 = vector.extract_strided_slice %dot_general3A_2068 {offsets = [32, 0], sizes = [16, 4000], strides = [1, 1]} : vector<64x4000xf32> to vector<16x4000xf32>
    %tanh3A_2086 = math.tanh %slice3A_2085 : vector<16x4000xf32>
    %slice3A_2087 = vector.extract_strided_slice %dot_general3A_2068 {offsets = [48, 0], sizes = [16, 4000], strides = [1, 1]} : vector<64x4000xf32> to vector<16x4000xf32>
    %tanh3A_2088 = math.tanh %slice3A_2087 : vector<16x4000xf32>
    %mul3A_2089 = arith.constant 5.000000e-01 : f32
    %mul3A_2090 = vector.broadcast %mul3A_2089 : f32 to vector<16x4000xf32>
    %mul3A_2091 = arith.mulf %mul3A_2090, %tanh3A_2088 : vector<16x4000xf32>
    %add3A_2092 = arith.constant 5.000000e-01 : f32
    %add3A_2093 = vector.broadcast %add3A_2092 : f32 to vector<16x4000xf32>
    %add3A_2094 = arith.addf %mul3A_2091, %add3A_2093 : vector<16x4000xf32>
    %mul3A_2095 = arith.mulf %add3A_2084, %add3A_2022 : vector<16x4000xf32>
    %mul3A_2096 = arith.mulf %add3A_2076, %tanh3A_2086 : vector<16x4000xf32>
    %add3A_2097 = arith.addf %mul3A_2095, %mul3A_2096 : vector<16x4000xf32>
    %tanh3A_2098 = math.tanh %add3A_2097 : vector<16x4000xf32>
    %mul3A_2099 = arith.mulf %add3A_2094, %tanh3A_2098 : vector<16x4000xf32>
    %concatenate3A_2100 = tpu.concatenate %mul3A_2099, %mul3A_2058, %broadcast_in_dim3A_32 in 0 : vector<16x4000xf32>, vector<16x4000xf32>, vector<1x4000xf32> -> vector<33x4000xf32>
    %dot_general3A_2101 = arith.constant dense<0.000000e+00> : vector<64x4000xf32>
    %dot_general3A_2102 = tpu.matmul %get3A_31, %concatenate3A_2100, %dot_general3A_2101 {dimension_numbers = #tpu.dot_dimension_numbers<[1], [0], [0], [1], [0, 0, 1, 1], [], []>, transpose_lhs_hint = false} : vector<64x33xf32>, vector<33x4000xf32>, vector<64x4000xf32> -> vector<64x4000xf32>
    %slice3A_2103 = vector.extract_strided_slice %dot_general3A_2102 {offsets = [0, 0], sizes = [16, 4000], strides = [1, 1]} : vector<64x4000xf32> to vector<16x4000xf32>
    %tanh3A_2104 = math.tanh %slice3A_2103 : vector<16x4000xf32>
    %mul3A_2105 = arith.constant 5.000000e-01 : f32
    %mul3A_2106 = vector.broadcast %mul3A_2105 : f32 to vector<16x4000xf32>
    %mul3A_2107 = arith.mulf %mul3A_2106, %tanh3A_2104 : vector<16x4000xf32>
    %add3A_2108 = arith.constant 5.000000e-01 : f32
    %add3A_2109 = vector.broadcast %add3A_2108 : f32 to vector<16x4000xf32>
    %add3A_2110 = arith.addf %mul3A_2107, %add3A_2109 : vector<16x4000xf32>
    %slice3A_2111 = vector.extract_strided_slice %dot_general3A_2102 {offsets = [16, 0], sizes = [16, 4000], strides = [1, 1]} : vector<64x4000xf32> to vector<16x4000xf32>
    %tanh3A_2112 = math.tanh %slice3A_2111 : vector<16x4000xf32>
    %mul3A_2113 = arith.constant 5.000000e-01 : f32
    %mul3A_2114 = vector.broadcast %mul3A_2113 : f32 to vector<16x4000xf32>
    %mul3A_2115 = arith.mulf %mul3A_2114, %tanh3A_2112 : vector<16x4000xf32>
    %add3A_2116 = arith.constant 5.000000e-01 : f32
    %add3A_2117 = vector.broadcast %add3A_2116 : f32 to vector<16x4000xf32>
    %add3A_2118 = arith.addf %mul3A_2115, %add3A_2117 : vector<16x4000xf32>
    %slice3A_2119 = vector.extract_strided_slice %dot_general3A_2102 {offsets = [32, 0], sizes = [16, 4000], strides = [1, 1]} : vector<64x4000xf32> to vector<16x4000xf32>
    %tanh3A_2120 = math.tanh %slice3A_2119 : vector<16x4000xf32>
    %slice3A_2121 = vector.extract_strided_slice %dot_general3A_2102 {offsets = [48, 0], sizes = [16, 4000], strides = [1, 1]} : vector<64x4000xf32> to vector<16x4000xf32>
    %tanh3A_2122 = math.tanh %slice3A_2121 : vector<16x4000xf32>
    %mul3A_2123 = arith.constant 5.000000e-01 : f32
    %mul3A_2124 = vector.broadcast %mul3A_2123 : f32 to vector<16x4000xf32>
    %mul3A_2125 = arith.mulf %mul3A_2124, %tanh3A_2122 : vector<16x4000xf32>
    %add3A_2126 = arith.constant 5.000000e-01 : f32
    %add3A_2127 = vector.broadcast %add3A_2126 : f32 to vector<16x4000xf32>
    %add3A_2128 = arith.addf %mul3A_2125, %add3A_2127 : vector<16x4000xf32>
    %mul3A_2129 = arith.mulf %add3A_2118, %add3A_2056 : vector<16x4000xf32>
    %mul3A_2130 = arith.mulf %add3A_2110, %tanh3A_2120 : vector<16x4000xf32>
    %add3A_2131 = arith.addf %mul3A_2129, %mul3A_2130 : vector<16x4000xf32>
    %tanh3A_2132 = math.tanh %add3A_2131 : vector<16x4000xf32>
    %mul3A_2133 = arith.mulf %add3A_2128, %tanh3A_2132 : vector<16x4000xf32>
    %dot_general3A_2134 = arith.constant dense<0.000000e+00> : vector<1x4000xf32>
    %dot_general3A_2135 = tpu.matmul %transpose3A, %mul3A_2133, %dot_general3A_2134 {dimension_numbers = #tpu.dot_dimension_numbers<[1], [0], [0], [1], [0, 0, 1, 1], [], []>, precision = #tpu.contract_precision<fp32>, transpose_lhs_hint = false} : vector<1x16xf32>, vector<16x4000xf32>, vector<1x4000xf32> -> vector<1x4000xf32>
    %get3A_2136 = arith.constant 28 : index
    %get3A_2137 = arith.constant 0 : index
    %get3A_2138 = arith.constant 0 : index
    %get3A_2139 = vector.load %arg0[%get3A_2136, %get3A_2137, %get3A_2138] : memref<32x16x4000xf32, #tpu.memory_space<vmem>>, vector<1x16x4000xf32>
    %get3A_2140 = vector.shape_cast %get3A_2139 : vector<1x16x4000xf32> to vector<16x4000xf32>
    %concatenate3A_2141 = tpu.concatenate %get3A_2140, %mul3A_2099, %broadcast_in_dim3A_32 in 0 : vector<16x4000xf32>, vector<16x4000xf32>, vector<1x4000xf32> -> vector<33x4000xf32>
    %dot_general3A_2142 = arith.constant dense<0.000000e+00> : vector<64x4000xf32>
    %dot_general3A_2143 = tpu.matmul %get3A_28, %concatenate3A_2141, %dot_general3A_2142 {dimension_numbers = #tpu.dot_dimension_numbers<[1], [0], [0], [1], [0, 0, 1, 1], [], []>, transpose_lhs_hint = false} : vector<64x33xf32>, vector<33x4000xf32>, vector<64x4000xf32> -> vector<64x4000xf32>
    %slice3A_2144 = vector.extract_strided_slice %dot_general3A_2143 {offsets = [0, 0], sizes = [16, 4000], strides = [1, 1]} : vector<64x4000xf32> to vector<16x4000xf32>
    %tanh3A_2145 = math.tanh %slice3A_2144 : vector<16x4000xf32>
    %mul3A_2146 = arith.constant 5.000000e-01 : f32
    %mul3A_2147 = vector.broadcast %mul3A_2146 : f32 to vector<16x4000xf32>
    %mul3A_2148 = arith.mulf %mul3A_2147, %tanh3A_2145 : vector<16x4000xf32>
    %add3A_2149 = arith.constant 5.000000e-01 : f32
    %add3A_2150 = vector.broadcast %add3A_2149 : f32 to vector<16x4000xf32>
    %add3A_2151 = arith.addf %mul3A_2148, %add3A_2150 : vector<16x4000xf32>
    %slice3A_2152 = vector.extract_strided_slice %dot_general3A_2143 {offsets = [16, 0], sizes = [16, 4000], strides = [1, 1]} : vector<64x4000xf32> to vector<16x4000xf32>
    %tanh3A_2153 = math.tanh %slice3A_2152 : vector<16x4000xf32>
    %mul3A_2154 = arith.constant 5.000000e-01 : f32
    %mul3A_2155 = vector.broadcast %mul3A_2154 : f32 to vector<16x4000xf32>
    %mul3A_2156 = arith.mulf %mul3A_2155, %tanh3A_2153 : vector<16x4000xf32>
    %add3A_2157 = arith.constant 5.000000e-01 : f32
    %add3A_2158 = vector.broadcast %add3A_2157 : f32 to vector<16x4000xf32>
    %add3A_2159 = arith.addf %mul3A_2156, %add3A_2158 : vector<16x4000xf32>
    %slice3A_2160 = vector.extract_strided_slice %dot_general3A_2143 {offsets = [32, 0], sizes = [16, 4000], strides = [1, 1]} : vector<64x4000xf32> to vector<16x4000xf32>
    %tanh3A_2161 = math.tanh %slice3A_2160 : vector<16x4000xf32>
    %slice3A_2162 = vector.extract_strided_slice %dot_general3A_2143 {offsets = [48, 0], sizes = [16, 4000], strides = [1, 1]} : vector<64x4000xf32> to vector<16x4000xf32>
    %tanh3A_2163 = math.tanh %slice3A_2162 : vector<16x4000xf32>
    %mul3A_2164 = arith.constant 5.000000e-01 : f32
    %mul3A_2165 = vector.broadcast %mul3A_2164 : f32 to vector<16x4000xf32>
    %mul3A_2166 = arith.mulf %mul3A_2165, %tanh3A_2163 : vector<16x4000xf32>
    %add3A_2167 = arith.constant 5.000000e-01 : f32
    %add3A_2168 = vector.broadcast %add3A_2167 : f32 to vector<16x4000xf32>
    %add3A_2169 = arith.addf %mul3A_2166, %add3A_2168 : vector<16x4000xf32>
    %mul3A_2170 = arith.mulf %add3A_2159, %add3A_2097 : vector<16x4000xf32>
    %mul3A_2171 = arith.mulf %add3A_2151, %tanh3A_2161 : vector<16x4000xf32>
    %add3A_2172 = arith.addf %mul3A_2170, %mul3A_2171 : vector<16x4000xf32>
    %tanh3A_2173 = math.tanh %add3A_2172 : vector<16x4000xf32>
    %mul3A_2174 = arith.mulf %add3A_2169, %tanh3A_2173 : vector<16x4000xf32>
    %concatenate3A_2175 = tpu.concatenate %mul3A_2174, %mul3A_2133, %broadcast_in_dim3A_32 in 0 : vector<16x4000xf32>, vector<16x4000xf32>, vector<1x4000xf32> -> vector<33x4000xf32>
    %dot_general3A_2176 = arith.constant dense<0.000000e+00> : vector<64x4000xf32>
    %dot_general3A_2177 = tpu.matmul %get3A_31, %concatenate3A_2175, %dot_general3A_2176 {dimension_numbers = #tpu.dot_dimension_numbers<[1], [0], [0], [1], [0, 0, 1, 1], [], []>, transpose_lhs_hint = false} : vector<64x33xf32>, vector<33x4000xf32>, vector<64x4000xf32> -> vector<64x4000xf32>
    %slice3A_2178 = vector.extract_strided_slice %dot_general3A_2177 {offsets = [0, 0], sizes = [16, 4000], strides = [1, 1]} : vector<64x4000xf32> to vector<16x4000xf32>
    %tanh3A_2179 = math.tanh %slice3A_2178 : vector<16x4000xf32>
    %mul3A_2180 = arith.constant 5.000000e-01 : f32
    %mul3A_2181 = vector.broadcast %mul3A_2180 : f32 to vector<16x4000xf32>
    %mul3A_2182 = arith.mulf %mul3A_2181, %tanh3A_2179 : vector<16x4000xf32>
    %add3A_2183 = arith.constant 5.000000e-01 : f32
    %add3A_2184 = vector.broadcast %add3A_2183 : f32 to vector<16x4000xf32>
    %add3A_2185 = arith.addf %mul3A_2182, %add3A_2184 : vector<16x4000xf32>
    %slice3A_2186 = vector.extract_strided_slice %dot_general3A_2177 {offsets = [16, 0], sizes = [16, 4000], strides = [1, 1]} : vector<64x4000xf32> to vector<16x4000xf32>
    %tanh3A_2187 = math.tanh %slice3A_2186 : vector<16x4000xf32>
    %mul3A_2188 = arith.constant 5.000000e-01 : f32
    %mul3A_2189 = vector.broadcast %mul3A_2188 : f32 to vector<16x4000xf32>
    %mul3A_2190 = arith.mulf %mul3A_2189, %tanh3A_2187 : vector<16x4000xf32>
    %add3A_2191 = arith.constant 5.000000e-01 : f32
    %add3A_2192 = vector.broadcast %add3A_2191 : f32 to vector<16x4000xf32>
    %add3A_2193 = arith.addf %mul3A_2190, %add3A_2192 : vector<16x4000xf32>
    %slice3A_2194 = vector.extract_strided_slice %dot_general3A_2177 {offsets = [32, 0], sizes = [16, 4000], strides = [1, 1]} : vector<64x4000xf32> to vector<16x4000xf32>
    %tanh3A_2195 = math.tanh %slice3A_2194 : vector<16x4000xf32>
    %slice3A_2196 = vector.extract_strided_slice %dot_general3A_2177 {offsets = [48, 0], sizes = [16, 4000], strides = [1, 1]} : vector<64x4000xf32> to vector<16x4000xf32>
    %tanh3A_2197 = math.tanh %slice3A_2196 : vector<16x4000xf32>
    %mul3A_2198 = arith.constant 5.000000e-01 : f32
    %mul3A_2199 = vector.broadcast %mul3A_2198 : f32 to vector<16x4000xf32>
    %mul3A_2200 = arith.mulf %mul3A_2199, %tanh3A_2197 : vector<16x4000xf32>
    %add3A_2201 = arith.constant 5.000000e-01 : f32
    %add3A_2202 = vector.broadcast %add3A_2201 : f32 to vector<16x4000xf32>
    %add3A_2203 = arith.addf %mul3A_2200, %add3A_2202 : vector<16x4000xf32>
    %mul3A_2204 = arith.mulf %add3A_2193, %add3A_2131 : vector<16x4000xf32>
    %mul3A_2205 = arith.mulf %add3A_2185, %tanh3A_2195 : vector<16x4000xf32>
    %add3A_2206 = arith.addf %mul3A_2204, %mul3A_2205 : vector<16x4000xf32>
    %tanh3A_2207 = math.tanh %add3A_2206 : vector<16x4000xf32>
    %mul3A_2208 = arith.mulf %add3A_2203, %tanh3A_2207 : vector<16x4000xf32>
    %dot_general3A_2209 = arith.constant dense<0.000000e+00> : vector<1x4000xf32>
    %dot_general3A_2210 = tpu.matmul %transpose3A, %mul3A_2208, %dot_general3A_2209 {dimension_numbers = #tpu.dot_dimension_numbers<[1], [0], [0], [1], [0, 0, 1, 1], [], []>, precision = #tpu.contract_precision<fp32>, transpose_lhs_hint = false} : vector<1x16xf32>, vector<16x4000xf32>, vector<1x4000xf32> -> vector<1x4000xf32>
    %get3A_2211 = arith.constant 29 : index
    %get3A_2212 = arith.constant 0 : index
    %get3A_2213 = arith.constant 0 : index
    %get3A_2214 = vector.load %arg0[%get3A_2211, %get3A_2212, %get3A_2213] : memref<32x16x4000xf32, #tpu.memory_space<vmem>>, vector<1x16x4000xf32>
    %get3A_2215 = vector.shape_cast %get3A_2214 : vector<1x16x4000xf32> to vector<16x4000xf32>
    %concatenate3A_2216 = tpu.concatenate %get3A_2215, %mul3A_2174, %broadcast_in_dim3A_32 in 0 : vector<16x4000xf32>, vector<16x4000xf32>, vector<1x4000xf32> -> vector<33x4000xf32>
    %dot_general3A_2217 = arith.constant dense<0.000000e+00> : vector<64x4000xf32>
    %dot_general3A_2218 = tpu.matmul %get3A_28, %concatenate3A_2216, %dot_general3A_2217 {dimension_numbers = #tpu.dot_dimension_numbers<[1], [0], [0], [1], [0, 0, 1, 1], [], []>, transpose_lhs_hint = false} : vector<64x33xf32>, vector<33x4000xf32>, vector<64x4000xf32> -> vector<64x4000xf32>
    %slice3A_2219 = vector.extract_strided_slice %dot_general3A_2218 {offsets = [0, 0], sizes = [16, 4000], strides = [1, 1]} : vector<64x4000xf32> to vector<16x4000xf32>
    %tanh3A_2220 = math.tanh %slice3A_2219 : vector<16x4000xf32>
    %mul3A_2221 = arith.constant 5.000000e-01 : f32
    %mul3A_2222 = vector.broadcast %mul3A_2221 : f32 to vector<16x4000xf32>
    %mul3A_2223 = arith.mulf %mul3A_2222, %tanh3A_2220 : vector<16x4000xf32>
    %add3A_2224 = arith.constant 5.000000e-01 : f32
    %add3A_2225 = vector.broadcast %add3A_2224 : f32 to vector<16x4000xf32>
    %add3A_2226 = arith.addf %mul3A_2223, %add3A_2225 : vector<16x4000xf32>
    %slice3A_2227 = vector.extract_strided_slice %dot_general3A_2218 {offsets = [16, 0], sizes = [16, 4000], strides = [1, 1]} : vector<64x4000xf32> to vector<16x4000xf32>
    %tanh3A_2228 = math.tanh %slice3A_2227 : vector<16x4000xf32>
    %mul3A_2229 = arith.constant 5.000000e-01 : f32
    %mul3A_2230 = vector.broadcast %mul3A_2229 : f32 to vector<16x4000xf32>
    %mul3A_2231 = arith.mulf %mul3A_2230, %tanh3A_2228 : vector<16x4000xf32>
    %add3A_2232 = arith.constant 5.000000e-01 : f32
    %add3A_2233 = vector.broadcast %add3A_2232 : f32 to vector<16x4000xf32>
    %add3A_2234 = arith.addf %mul3A_2231, %add3A_2233 : vector<16x4000xf32>
    %slice3A_2235 = vector.extract_strided_slice %dot_general3A_2218 {offsets = [32, 0], sizes = [16, 4000], strides = [1, 1]} : vector<64x4000xf32> to vector<16x4000xf32>
    %tanh3A_2236 = math.tanh %slice3A_2235 : vector<16x4000xf32>
    %slice3A_2237 = vector.extract_strided_slice %dot_general3A_2218 {offsets = [48, 0], sizes = [16, 4000], strides = [1, 1]} : vector<64x4000xf32> to vector<16x4000xf32>
    %tanh3A_2238 = math.tanh %slice3A_2237 : vector<16x4000xf32>
    %mul3A_2239 = arith.constant 5.000000e-01 : f32
    %mul3A_2240 = vector.broadcast %mul3A_2239 : f32 to vector<16x4000xf32>
    %mul3A_2241 = arith.mulf %mul3A_2240, %tanh3A_2238 : vector<16x4000xf32>
    %add3A_2242 = arith.constant 5.000000e-01 : f32
    %add3A_2243 = vector.broadcast %add3A_2242 : f32 to vector<16x4000xf32>
    %add3A_2244 = arith.addf %mul3A_2241, %add3A_2243 : vector<16x4000xf32>
    %mul3A_2245 = arith.mulf %add3A_2234, %add3A_2172 : vector<16x4000xf32>
    %mul3A_2246 = arith.mulf %add3A_2226, %tanh3A_2236 : vector<16x4000xf32>
    %add3A_2247 = arith.addf %mul3A_2245, %mul3A_2246 : vector<16x4000xf32>
    %tanh3A_2248 = math.tanh %add3A_2247 : vector<16x4000xf32>
    %mul3A_2249 = arith.mulf %add3A_2244, %tanh3A_2248 : vector<16x4000xf32>
    %concatenate3A_2250 = tpu.concatenate %mul3A_2249, %mul3A_2208, %broadcast_in_dim3A_32 in 0 : vector<16x4000xf32>, vector<16x4000xf32>, vector<1x4000xf32> -> vector<33x4000xf32>
    %dot_general3A_2251 = arith.constant dense<0.000000e+00> : vector<64x4000xf32>
    %dot_general3A_2252 = tpu.matmul %get3A_31, %concatenate3A_2250, %dot_general3A_2251 {dimension_numbers = #tpu.dot_dimension_numbers<[1], [0], [0], [1], [0, 0, 1, 1], [], []>, transpose_lhs_hint = false} : vector<64x33xf32>, vector<33x4000xf32>, vector<64x4000xf32> -> vector<64x4000xf32>
    %slice3A_2253 = vector.extract_strided_slice %dot_general3A_2252 {offsets = [0, 0], sizes = [16, 4000], strides = [1, 1]} : vector<64x4000xf32> to vector<16x4000xf32>
    %tanh3A_2254 = math.tanh %slice3A_2253 : vector<16x4000xf32>
    %mul3A_2255 = arith.constant 5.000000e-01 : f32
    %mul3A_2256 = vector.broadcast %mul3A_2255 : f32 to vector<16x4000xf32>
    %mul3A_2257 = arith.mulf %mul3A_2256, %tanh3A_2254 : vector<16x4000xf32>
    %add3A_2258 = arith.constant 5.000000e-01 : f32
    %add3A_2259 = vector.broadcast %add3A_2258 : f32 to vector<16x4000xf32>
    %add3A_2260 = arith.addf %mul3A_2257, %add3A_2259 : vector<16x4000xf32>
    %slice3A_2261 = vector.extract_strided_slice %dot_general3A_2252 {offsets = [16, 0], sizes = [16, 4000], strides = [1, 1]} : vector<64x4000xf32> to vector<16x4000xf32>
    %tanh3A_2262 = math.tanh %slice3A_2261 : vector<16x4000xf32>
    %mul3A_2263 = arith.constant 5.000000e-01 : f32
    %mul3A_2264 = vector.broadcast %mul3A_2263 : f32 to vector<16x4000xf32>
    %mul3A_2265 = arith.mulf %mul3A_2264, %tanh3A_2262 : vector<16x4000xf32>
    %add3A_2266 = arith.constant 5.000000e-01 : f32
    %add3A_2267 = vector.broadcast %add3A_2266 : f32 to vector<16x4000xf32>
    %add3A_2268 = arith.addf %mul3A_2265, %add3A_2267 : vector<16x4000xf32>
    %slice3A_2269 = vector.extract_strided_slice %dot_general3A_2252 {offsets = [32, 0], sizes = [16, 4000], strides = [1, 1]} : vector<64x4000xf32> to vector<16x4000xf32>
    %tanh3A_2270 = math.tanh %slice3A_2269 : vector<16x4000xf32>
    %slice3A_2271 = vector.extract_strided_slice %dot_general3A_2252 {offsets = [48, 0], sizes = [16, 4000], strides = [1, 1]} : vector<64x4000xf32> to vector<16x4000xf32>
    %tanh3A_2272 = math.tanh %slice3A_2271 : vector<16x4000xf32>
    %mul3A_2273 = arith.constant 5.000000e-01 : f32
    %mul3A_2274 = vector.broadcast %mul3A_2273 : f32 to vector<16x4000xf32>
    %mul3A_2275 = arith.mulf %mul3A_2274, %tanh3A_2272 : vector<16x4000xf32>
    %add3A_2276 = arith.constant 5.000000e-01 : f32
    %add3A_2277 = vector.broadcast %add3A_2276 : f32 to vector<16x4000xf32>
    %add3A_2278 = arith.addf %mul3A_2275, %add3A_2277 : vector<16x4000xf32>
    %mul3A_2279 = arith.mulf %add3A_2268, %add3A_2206 : vector<16x4000xf32>
    %mul3A_2280 = arith.mulf %add3A_2260, %tanh3A_2270 : vector<16x4000xf32>
    %add3A_2281 = arith.addf %mul3A_2279, %mul3A_2280 : vector<16x4000xf32>
    %tanh3A_2282 = math.tanh %add3A_2281 : vector<16x4000xf32>
    %mul3A_2283 = arith.mulf %add3A_2278, %tanh3A_2282 : vector<16x4000xf32>
    %dot_general3A_2284 = arith.constant dense<0.000000e+00> : vector<1x4000xf32>
    %dot_general3A_2285 = tpu.matmul %transpose3A, %mul3A_2283, %dot_general3A_2284 {dimension_numbers = #tpu.dot_dimension_numbers<[1], [0], [0], [1], [0, 0, 1, 1], [], []>, precision = #tpu.contract_precision<fp32>, transpose_lhs_hint = false} : vector<1x16xf32>, vector<16x4000xf32>, vector<1x4000xf32> -> vector<1x4000xf32>
    %get3A_2286 = arith.constant 30 : index
    %get3A_2287 = arith.constant 0 : index
    %get3A_2288 = arith.constant 0 : index
    %get3A_2289 = vector.load %arg0[%get3A_2286, %get3A_2287, %get3A_2288] : memref<32x16x4000xf32, #tpu.memory_space<vmem>>, vector<1x16x4000xf32>
    %get3A_2290 = vector.shape_cast %get3A_2289 : vector<1x16x4000xf32> to vector<16x4000xf32>
    %concatenate3A_2291 = tpu.concatenate %get3A_2290, %mul3A_2249, %broadcast_in_dim3A_32 in 0 : vector<16x4000xf32>, vector<16x4000xf32>, vector<1x4000xf32> -> vector<33x4000xf32>
    %dot_general3A_2292 = arith.constant dense<0.000000e+00> : vector<64x4000xf32>
    %dot_general3A_2293 = tpu.matmul %get3A_28, %concatenate3A_2291, %dot_general3A_2292 {dimension_numbers = #tpu.dot_dimension_numbers<[1], [0], [0], [1], [0, 0, 1, 1], [], []>, transpose_lhs_hint = false} : vector<64x33xf32>, vector<33x4000xf32>, vector<64x4000xf32> -> vector<64x4000xf32>
    %slice3A_2294 = vector.extract_strided_slice %dot_general3A_2293 {offsets = [0, 0], sizes = [16, 4000], strides = [1, 1]} : vector<64x4000xf32> to vector<16x4000xf32>
    %tanh3A_2295 = math.tanh %slice3A_2294 : vector<16x4000xf32>
    %mul3A_2296 = arith.constant 5.000000e-01 : f32
    %mul3A_2297 = vector.broadcast %mul3A_2296 : f32 to vector<16x4000xf32>
    %mul3A_2298 = arith.mulf %mul3A_2297, %tanh3A_2295 : vector<16x4000xf32>
    %add3A_2299 = arith.constant 5.000000e-01 : f32
    %add3A_2300 = vector.broadcast %add3A_2299 : f32 to vector<16x4000xf32>
    %add3A_2301 = arith.addf %mul3A_2298, %add3A_2300 : vector<16x4000xf32>
    %slice3A_2302 = vector.extract_strided_slice %dot_general3A_2293 {offsets = [16, 0], sizes = [16, 4000], strides = [1, 1]} : vector<64x4000xf32> to vector<16x4000xf32>
    %tanh3A_2303 = math.tanh %slice3A_2302 : vector<16x4000xf32>
    %mul3A_2304 = arith.constant 5.000000e-01 : f32
    %mul3A_2305 = vector.broadcast %mul3A_2304 : f32 to vector<16x4000xf32>
    %mul3A_2306 = arith.mulf %mul3A_2305, %tanh3A_2303 : vector<16x4000xf32>
    %add3A_2307 = arith.constant 5.000000e-01 : f32
    %add3A_2308 = vector.broadcast %add3A_2307 : f32 to vector<16x4000xf32>
    %add3A_2309 = arith.addf %mul3A_2306, %add3A_2308 : vector<16x4000xf32>
    %slice3A_2310 = vector.extract_strided_slice %dot_general3A_2293 {offsets = [32, 0], sizes = [16, 4000], strides = [1, 1]} : vector<64x4000xf32> to vector<16x4000xf32>
    %tanh3A_2311 = math.tanh %slice3A_2310 : vector<16x4000xf32>
    %slice3A_2312 = vector.extract_strided_slice %dot_general3A_2293 {offsets = [48, 0], sizes = [16, 4000], strides = [1, 1]} : vector<64x4000xf32> to vector<16x4000xf32>
    %tanh3A_2313 = math.tanh %slice3A_2312 : vector<16x4000xf32>
    %mul3A_2314 = arith.constant 5.000000e-01 : f32
    %mul3A_2315 = vector.broadcast %mul3A_2314 : f32 to vector<16x4000xf32>
    %mul3A_2316 = arith.mulf %mul3A_2315, %tanh3A_2313 : vector<16x4000xf32>
    %add3A_2317 = arith.constant 5.000000e-01 : f32
    %add3A_2318 = vector.broadcast %add3A_2317 : f32 to vector<16x4000xf32>
    %add3A_2319 = arith.addf %mul3A_2316, %add3A_2318 : vector<16x4000xf32>
    %mul3A_2320 = arith.mulf %add3A_2309, %add3A_2247 : vector<16x4000xf32>
    %mul3A_2321 = arith.mulf %add3A_2301, %tanh3A_2311 : vector<16x4000xf32>
    %add3A_2322 = arith.addf %mul3A_2320, %mul3A_2321 : vector<16x4000xf32>
    %tanh3A_2323 = math.tanh %add3A_2322 : vector<16x4000xf32>
    %mul3A_2324 = arith.mulf %add3A_2319, %tanh3A_2323 : vector<16x4000xf32>
    %concatenate3A_2325 = tpu.concatenate %mul3A_2324, %mul3A_2283, %broadcast_in_dim3A_32 in 0 : vector<16x4000xf32>, vector<16x4000xf32>, vector<1x4000xf32> -> vector<33x4000xf32>
    %dot_general3A_2326 = arith.constant dense<0.000000e+00> : vector<64x4000xf32>
    %dot_general3A_2327 = tpu.matmul %get3A_31, %concatenate3A_2325, %dot_general3A_2326 {dimension_numbers = #tpu.dot_dimension_numbers<[1], [0], [0], [1], [0, 0, 1, 1], [], []>, transpose_lhs_hint = false} : vector<64x33xf32>, vector<33x4000xf32>, vector<64x4000xf32> -> vector<64x4000xf32>
    %slice3A_2328 = vector.extract_strided_slice %dot_general3A_2327 {offsets = [0, 0], sizes = [16, 4000], strides = [1, 1]} : vector<64x4000xf32> to vector<16x4000xf32>
    %tanh3A_2329 = math.tanh %slice3A_2328 : vector<16x4000xf32>
    %mul3A_2330 = arith.constant 5.000000e-01 : f32
    %mul3A_2331 = vector.broadcast %mul3A_2330 : f32 to vector<16x4000xf32>
    %mul3A_2332 = arith.mulf %mul3A_2331, %tanh3A_2329 : vector<16x4000xf32>
    %add3A_2333 = arith.constant 5.000000e-01 : f32
    %add3A_2334 = vector.broadcast %add3A_2333 : f32 to vector<16x4000xf32>
    %add3A_2335 = arith.addf %mul3A_2332, %add3A_2334 : vector<16x4000xf32>
    %slice3A_2336 = vector.extract_strided_slice %dot_general3A_2327 {offsets = [16, 0], sizes = [16, 4000], strides = [1, 1]} : vector<64x4000xf32> to vector<16x4000xf32>
    %tanh3A_2337 = math.tanh %slice3A_2336 : vector<16x4000xf32>
    %mul3A_2338 = arith.constant 5.000000e-01 : f32
    %mul3A_2339 = vector.broadcast %mul3A_2338 : f32 to vector<16x4000xf32>
    %mul3A_2340 = arith.mulf %mul3A_2339, %tanh3A_2337 : vector<16x4000xf32>
    %add3A_2341 = arith.constant 5.000000e-01 : f32
    %add3A_2342 = vector.broadcast %add3A_2341 : f32 to vector<16x4000xf32>
    %add3A_2343 = arith.addf %mul3A_2340, %add3A_2342 : vector<16x4000xf32>
    %slice3A_2344 = vector.extract_strided_slice %dot_general3A_2327 {offsets = [32, 0], sizes = [16, 4000], strides = [1, 1]} : vector<64x4000xf32> to vector<16x4000xf32>
    %tanh3A_2345 = math.tanh %slice3A_2344 : vector<16x4000xf32>
    %slice3A_2346 = vector.extract_strided_slice %dot_general3A_2327 {offsets = [48, 0], sizes = [16, 4000], strides = [1, 1]} : vector<64x4000xf32> to vector<16x4000xf32>
    %tanh3A_2347 = math.tanh %slice3A_2346 : vector<16x4000xf32>
    %mul3A_2348 = arith.constant 5.000000e-01 : f32
    %mul3A_2349 = vector.broadcast %mul3A_2348 : f32 to vector<16x4000xf32>
    %mul3A_2350 = arith.mulf %mul3A_2349, %tanh3A_2347 : vector<16x4000xf32>
    %add3A_2351 = arith.constant 5.000000e-01 : f32
    %add3A_2352 = vector.broadcast %add3A_2351 : f32 to vector<16x4000xf32>
    %add3A_2353 = arith.addf %mul3A_2350, %add3A_2352 : vector<16x4000xf32>
    %mul3A_2354 = arith.mulf %add3A_2343, %add3A_2281 : vector<16x4000xf32>
    %mul3A_2355 = arith.mulf %add3A_2335, %tanh3A_2345 : vector<16x4000xf32>
    %add3A_2356 = arith.addf %mul3A_2354, %mul3A_2355 : vector<16x4000xf32>
    %tanh3A_2357 = math.tanh %add3A_2356 : vector<16x4000xf32>
    %mul3A_2358 = arith.mulf %add3A_2353, %tanh3A_2357 : vector<16x4000xf32>
    %dot_general3A_2359 = arith.constant dense<0.000000e+00> : vector<1x4000xf32>
    %dot_general3A_2360 = tpu.matmul %transpose3A, %mul3A_2358, %dot_general3A_2359 {dimension_numbers = #tpu.dot_dimension_numbers<[1], [0], [0], [1], [0, 0, 1, 1], [], []>, precision = #tpu.contract_precision<fp32>, transpose_lhs_hint = false} : vector<1x16xf32>, vector<16x4000xf32>, vector<1x4000xf32> -> vector<1x4000xf32>
    %get3A_2361 = arith.constant 31 : index
    %get3A_2362 = arith.constant 0 : index
    %get3A_2363 = arith.constant 0 : index
    %get3A_2364 = vector.load %arg0[%get3A_2361, %get3A_2362, %get3A_2363] : memref<32x16x4000xf32, #tpu.memory_space<vmem>>, vector<1x16x4000xf32>
    %get3A_2365 = vector.shape_cast %get3A_2364 : vector<1x16x4000xf32> to vector<16x4000xf32>
    %concatenate3A_2366 = tpu.concatenate %get3A_2365, %mul3A_2324, %broadcast_in_dim3A_32 in 0 : vector<16x4000xf32>, vector<16x4000xf32>, vector<1x4000xf32> -> vector<33x4000xf32>
    %dot_general3A_2367 = arith.constant dense<0.000000e+00> : vector<64x4000xf32>
    %dot_general3A_2368 = tpu.matmul %get3A_28, %concatenate3A_2366, %dot_general3A_2367 {dimension_numbers = #tpu.dot_dimension_numbers<[1], [0], [0], [1], [0, 0, 1, 1], [], []>, transpose_lhs_hint = false} : vector<64x33xf32>, vector<33x4000xf32>, vector<64x4000xf32> -> vector<64x4000xf32>
    %slice3A_2369 = vector.extract_strided_slice %dot_general3A_2368 {offsets = [0, 0], sizes = [16, 4000], strides = [1, 1]} : vector<64x4000xf32> to vector<16x4000xf32>
    %tanh3A_2370 = math.tanh %slice3A_2369 : vector<16x4000xf32>
    %mul3A_2371 = arith.constant 5.000000e-01 : f32
    %mul3A_2372 = vector.broadcast %mul3A_2371 : f32 to vector<16x4000xf32>
    %mul3A_2373 = arith.mulf %mul3A_2372, %tanh3A_2370 : vector<16x4000xf32>
    %add3A_2374 = arith.constant 5.000000e-01 : f32
    %add3A_2375 = vector.broadcast %add3A_2374 : f32 to vector<16x4000xf32>
    %add3A_2376 = arith.addf %mul3A_2373, %add3A_2375 : vector<16x4000xf32>
    %slice3A_2377 = vector.extract_strided_slice %dot_general3A_2368 {offsets = [16, 0], sizes = [16, 4000], strides = [1, 1]} : vector<64x4000xf32> to vector<16x4000xf32>
    %tanh3A_2378 = math.tanh %slice3A_2377 : vector<16x4000xf32>
    %mul3A_2379 = arith.constant 5.000000e-01 : f32
    %mul3A_2380 = vector.broadcast %mul3A_2379 : f32 to vector<16x4000xf32>
    %mul3A_2381 = arith.mulf %mul3A_2380, %tanh3A_2378 : vector<16x4000xf32>
    %add3A_2382 = arith.constant 5.000000e-01 : f32
    %add3A_2383 = vector.broadcast %add3A_2382 : f32 to vector<16x4000xf32>
    %add3A_2384 = arith.addf %mul3A_2381, %add3A_2383 : vector<16x4000xf32>
    %slice3A_2385 = vector.extract_strided_slice %dot_general3A_2368 {offsets = [32, 0], sizes = [16, 4000], strides = [1, 1]} : vector<64x4000xf32> to vector<16x4000xf32>
    %tanh3A_2386 = math.tanh %slice3A_2385 : vector<16x4000xf32>
    %slice3A_2387 = vector.extract_strided_slice %dot_general3A_2368 {offsets = [48, 0], sizes = [16, 4000], strides = [1, 1]} : vector<64x4000xf32> to vector<16x4000xf32>
    %tanh3A_2388 = math.tanh %slice3A_2387 : vector<16x4000xf32>
    %mul3A_2389 = arith.constant 5.000000e-01 : f32
    %mul3A_2390 = vector.broadcast %mul3A_2389 : f32 to vector<16x4000xf32>
    %mul3A_2391 = arith.mulf %mul3A_2390, %tanh3A_2388 : vector<16x4000xf32>
    %add3A_2392 = arith.constant 5.000000e-01 : f32
    %add3A_2393 = vector.broadcast %add3A_2392 : f32 to vector<16x4000xf32>
    %add3A_2394 = arith.addf %mul3A_2391, %add3A_2393 : vector<16x4000xf32>
    %mul3A_2395 = arith.mulf %add3A_2384, %add3A_2322 : vector<16x4000xf32>
    %mul3A_2396 = arith.mulf %add3A_2376, %tanh3A_2386 : vector<16x4000xf32>
    %add3A_2397 = arith.addf %mul3A_2395, %mul3A_2396 : vector<16x4000xf32>
    %tanh3A_2398 = math.tanh %add3A_2397 : vector<16x4000xf32>
    %mul3A_2399 = arith.mulf %add3A_2394, %tanh3A_2398 : vector<16x4000xf32>
    %concatenate3A_2400 = tpu.concatenate %mul3A_2399, %mul3A_2358, %broadcast_in_dim3A_32 in 0 : vector<16x4000xf32>, vector<16x4000xf32>, vector<1x4000xf32> -> vector<33x4000xf32>
    %dot_general3A_2401 = arith.constant dense<0.000000e+00> : vector<64x4000xf32>
    %dot_general3A_2402 = tpu.matmul %get3A_31, %concatenate3A_2400, %dot_general3A_2401 {dimension_numbers = #tpu.dot_dimension_numbers<[1], [0], [0], [1], [0, 0, 1, 1], [], []>, transpose_lhs_hint = false} : vector<64x33xf32>, vector<33x4000xf32>, vector<64x4000xf32> -> vector<64x4000xf32>
    %slice3A_2403 = vector.extract_strided_slice %dot_general3A_2402 {offsets = [0, 0], sizes = [16, 4000], strides = [1, 1]} : vector<64x4000xf32> to vector<16x4000xf32>
    %tanh3A_2404 = math.tanh %slice3A_2403 : vector<16x4000xf32>
    %mul3A_2405 = arith.constant 5.000000e-01 : f32
    %mul3A_2406 = vector.broadcast %mul3A_2405 : f32 to vector<16x4000xf32>
    %mul3A_2407 = arith.mulf %mul3A_2406, %tanh3A_2404 : vector<16x4000xf32>
    %add3A_2408 = arith.constant 5.000000e-01 : f32
    %add3A_2409 = vector.broadcast %add3A_2408 : f32 to vector<16x4000xf32>
    %add3A_2410 = arith.addf %mul3A_2407, %add3A_2409 : vector<16x4000xf32>
    %slice3A_2411 = vector.extract_strided_slice %dot_general3A_2402 {offsets = [16, 0], sizes = [16, 4000], strides = [1, 1]} : vector<64x4000xf32> to vector<16x4000xf32>
    %tanh3A_2412 = math.tanh %slice3A_2411 : vector<16x4000xf32>
    %mul3A_2413 = arith.constant 5.000000e-01 : f32
    %mul3A_2414 = vector.broadcast %mul3A_2413 : f32 to vector<16x4000xf32>
    %mul3A_2415 = arith.mulf %mul3A_2414, %tanh3A_2412 : vector<16x4000xf32>
    %add3A_2416 = arith.constant 5.000000e-01 : f32
    %add3A_2417 = vector.broadcast %add3A_2416 : f32 to vector<16x4000xf32>
    %add3A_2418 = arith.addf %mul3A_2415, %add3A_2417 : vector<16x4000xf32>
    %slice3A_2419 = vector.extract_strided_slice %dot_general3A_2402 {offsets = [32, 0], sizes = [16, 4000], strides = [1, 1]} : vector<64x4000xf32> to vector<16x4000xf32>
    %tanh3A_2420 = math.tanh %slice3A_2419 : vector<16x4000xf32>
    %slice3A_2421 = vector.extract_strided_slice %dot_general3A_2402 {offsets = [48, 0], sizes = [16, 4000], strides = [1, 1]} : vector<64x4000xf32> to vector<16x4000xf32>
    %tanh3A_2422 = math.tanh %slice3A_2421 : vector<16x4000xf32>
    %mul3A_2423 = arith.constant 5.000000e-01 : f32
    %mul3A_2424 = vector.broadcast %mul3A_2423 : f32 to vector<16x4000xf32>
    %mul3A_2425 = arith.mulf %mul3A_2424, %tanh3A_2422 : vector<16x4000xf32>
    %add3A_2426 = arith.constant 5.000000e-01 : f32
    %add3A_2427 = vector.broadcast %add3A_2426 : f32 to vector<16x4000xf32>
    %add3A_2428 = arith.addf %mul3A_2425, %add3A_2427 : vector<16x4000xf32>
    %mul3A_2429 = arith.mulf %add3A_2418, %add3A_2356 : vector<16x4000xf32>
    %mul3A_2430 = arith.mulf %add3A_2410, %tanh3A_2420 : vector<16x4000xf32>
    %add3A_2431 = arith.addf %mul3A_2429, %mul3A_2430 : vector<16x4000xf32>
    %tanh3A_2432 = math.tanh %add3A_2431 : vector<16x4000xf32>
    %mul3A_2433 = arith.mulf %add3A_2428, %tanh3A_2432 : vector<16x4000xf32>
    %dot_general3A_2434 = arith.constant dense<0.000000e+00> : vector<1x4000xf32>
    %dot_general3A_2435 = tpu.matmul %transpose3A, %mul3A_2433, %dot_general3A_2434 {dimension_numbers = #tpu.dot_dimension_numbers<[1], [0], [0], [1], [0, 0, 1, 1], [], []>, precision = #tpu.contract_precision<fp32>, transpose_lhs_hint = false} : vector<1x16xf32>, vector<16x4000xf32>, vector<1x4000xf32> -> vector<1x4000xf32>
    %concatenate3A_2436 = tpu.concatenate %dot_general3A_110, %dot_general3A_185, %dot_general3A_260, %dot_general3A_335, %dot_general3A_410, %dot_general3A_485, %dot_general3A_560, %dot_general3A_635, %dot_general3A_710, %dot_general3A_785, %dot_general3A_860, %dot_general3A_935, %dot_general3A_1010, %dot_general3A_1085, %dot_general3A_1160, %dot_general3A_1235, %dot_general3A_1310, %dot_general3A_1385, %dot_general3A_1460, %dot_general3A_1535, %dot_general3A_1610, %dot_general3A_1685, %dot_general3A_1760, %dot_general3A_1835, %dot_general3A_1910, %dot_general3A_1985, %dot_general3A_2060, %dot_general3A_2135, %dot_general3A_2210, %dot_general3A_2285, %dot_general3A_2360, %dot_general3A_2435 in 0 : vector<1x4000xf32>, vector<1x4000xf32>, vector<1x4000xf32>, vector<1x4000xf32>, vector<1x4000xf32>, vector<1x4000xf32>, vector<1x4000xf32>, vector<1x4000xf32>, vector<1x4000xf32>, vector<1x4000xf32>, vector<1x4000xf32>, vector<1x4000xf32>, vector<1x4000xf32>, vector<1x4000xf32>, vector<1x4000xf32>, vector<1x4000xf32>, vector<1x4000xf32>, vector<1x4000xf32>, vector<1x4000xf32>, vector<1x4000xf32>, vector<1x4000xf32>, vector<1x4000xf32>, vector<1x4000xf32>, vector<1x4000xf32>, vector<1x4000xf32>, vector<1x4000xf32>, vector<1x4000xf32>, vector<1x4000xf32>, vector<1x4000xf32>, vector<1x4000xf32>, vector<1x4000xf32>, vector<1x4000xf32> -> vector<32x4000xf32>
    %swap3A = arith.constant 0 : index
    %swap3A_2437 = arith.constant 0 : index
    %swap3A_2438 = vector.load %arg9[%swap3A, %swap3A_2437] : memref<32x4000xf32, #tpu.memory_space<vmem>>, vector<32x4000xf32>
    tpu.vector_store %arg9[%swap3A, %swap3A_2437], %concatenate3A_2436 {strides = array<i32>} : memref<32x4000xf32, #tpu.memory_space<vmem>>, vector<32x4000xf32>,
    return
  }
}

</mosaic_0001>

<sc_bundles>
// kernel: kernel.5.cloned.1.call-start
scs
__scs_entry_jumppad:
0x0: {  	(pc) =	sbr.rel $0x88, $3  }
0x1: {  	(tag) =	ssettag $0x0;
	lr =	simm.s32 $0x1  }
0x2: {  	[smem:$0x3F8B] =	sst lr;
	_ =	strace $0xD0000000  }
0x3: {  	_ = 	snop  }
0x4: {  	_ = 	snop  }
0x5: {  	_ = 	snop  }
0x6: {  	_ = 	snop  }
0x7: {  	_ = 	snop  }
__scs_overlays_trampoline_lowered:
0x8: {  	[smem:$0x3F9A] =	sst s0  }
0x9: {  	[smem:$0x3F9B] =	sst s1  }
0xa: {  	[smem:$0x3F9C] =	sst s2  }
0xb: {  	[smem:$0x3F9D] =	sst s3  }
0xc: {  	[smem:$0x3F9E] =	sst s4  }
0xd: {  	[smem:$0x3F9F] =	sst s5  }
0xe: {  	[smem:$0x3FA0] =	sst s6  }
0xf: {  	[smem:$0x3FA1] =	sst s7  }
0x10: {  	[smem:$0x3FA2] =	sst s8  }
0x11: {  	[smem:$0x3FA3] =	sst s9;
	s0 =	simm.s32 @!p0 $0x0  }
0x12: {  	s1 =	sld [smem:$0x3F89];
	s0 =	simm.s32 @p0 $0x1  }
0x13: {  	[smem:$0x3FA4] =	sst s0;
	s0 =	simm.s32 @!p1 $0x0  }
0x14: {  	s2 =	sld [smem:$0x3F88];
	s0 =	simm.s32 @p1 $0x1  }
0x15: {  	[smem:$0x3FA5] =	sst s0;
	s0 =	simm.s32 @!p2 $0x0  }
0x16: {  	s3 =	sld [smem:$0x3FDB];
	s0 =	simm.s32 @p2 $0x1  }
0x17: {  	s4 =	simm.s32 $0x1BF5;
	[smem:$0x3FA7] =	sst s0  }
0x18: {  	s0 =	sld [smem:$0x3F8A];
	_ =	swait.ge [sflag:s4], $0x0  }
0x19: {  	s7 =	sld [smem:$0x3F8B]  }
0x1a: {  	s8 =	sadd.s32 $0xFFFFE003, lr  }
0x1b: {  	s9 =	sadd.s32 $0xFFFFFEF7, lr;
	s5 =	simm.s32 $0xFFFFFFFF;
	p2 =	slt.u32 s8, $0xFFFFF086  }
0x1c: {  	p1 =	slt.u32 s9, $0xF7A;
	s5 =	simm.s32 @!p2 $0x0  }
0x1d: {  	s5 =	simm.s32 @p1 $0x1;
	p0 =	seq.s32 s7, s2  }
0x1e: {  	s7 =	smul.u32 @!p0 $0xF7A, s2;
	p2 =	seq.s32 @!p0 s5, $0x0  }
0x1f: {  	s9 =	smul.u32 $0xF7A, s1;
	s8 =	simm.s32 @!p0 $0x1BF5;
	p2 =	por !p2, p0  }
0x20: {  	[sflag:s8] =	ssyncset.s32 @!p0 $0xFFFFF086;
	s6 =	sadd.s32 @!p0 s3, s7;
	s7 =	simm.s32 @!p0 $0x108  }
0x21: {  	s3 =	sadd.s32 s3, s9;
	s6 =	sadd.s32 @!p0 $0x88, s6;
	s7 =	simm.s32 @p2 $0x1082  }
0x22: {  	[simem:s7], [sflag:s8] =	dma.local @!p0 [hbm:s6], $0xF7A  }
0x23: {  	s9 =	sor.u32 $0xD0000000, s2;
	s6 =	simm.s32 $0x108;
	_ =	swait.ge @!p0 [sflag:s8], $0x0  }
0x24: {  	s3 =	sadd.s32 $0x88, s3;
	s6 =	simm.s32 @!p1 $0x1082;
	[sflag:s4] =	ssyncset.s32 $0xFFFFF086  }
0x25: {  	[simem:s6], [sflag:s4] =	dma.local [hbm:s3], $0xF7A  }
0x26: {  	[smem:$0x3F8B] =	sst s1;
	(tag) =	ssettag s2;
	_ =	strace s9  }
0x27: {  	s1 =	sld [smem:$0x3F9B]  }
0x28: {  	s2 =	sld [smem:$0x3F9C]  }
0x29: {  	s4 =	sld [smem:$0x3F9E]  }
0x2a: {  	p0 =	seq.s32 s5, $0x0;
	s5 =	sld [smem:$0x3F9F]  }
0x2b: {  	s6 =	sld [smem:$0x3FA0]  }
0x2c: {  	s7 =	sld [smem:$0x3FA1]  }
0x2d: {  	s3 =	simm.s32 $0x108;
	s8 =	sld [smem:$0x3FA2]  }
0x2e: {  	s3 =	simm.s32 @!p0 $0x1082;
	s9 =	sld [smem:$0x3FA3]  }
0x2f: {  	lr =	sadd.s32 s0, s3;
	s0 =	sld [smem:$0x3F9A]  }
0x30: {  	s3 =	sld [smem:$0x3F9D]  }
0x31: {  	[smem:$0x3FA6] =	sst s10  }
0x32: {  	s10 =	sld [smem:$0x3FA4];
	_ =	sdelay $0x3  }
0x33: {  	p0 =	seq.s32 s10, $0x1;
	s10 =	sld [smem:$0x3FA6];
	_ =	sdelay $0x3  }
0x34: {  	[smem:$0x3FA6] =	sst s10  }
0x35: {  	s10 =	sld [smem:$0x3FA5];
	_ =	sdelay $0x3  }
0x36: {  	p1 =	seq.s32 s10, $0x1;
	s10 =	sld [smem:$0x3FA6];
	_ =	sdelay $0x3  }
0x37: {  	[smem:$0x3FA6] =	sst s10  }
0x38: {  	s10 =	sld [smem:$0x3FA7]  }
0x39: {  	_ = 	snop;
	(pc) =	sbr.ind lr, $3  }
0x3a: {  	_ = 	snop  }
0x3b: {  	_ = 	snop  }
0x3c: {  	p2 =	seq.s32 s10, $0x1;
	s10 =	sld [smem:$0x3FA6]  }
0x3d: {  	_ =	shalt  }
0x3e: {  	_ =	shalt  }
0x3f: {  	_ =	shalt  }
0x40: {  	_ =	shalt  }
0x41: {  	_ =	shalt  }
0x42: {  	_ =	shalt  }
0x43: {  	_ =	shalt  }
0x44: {  	_ =	shalt  }
0x45: {  	_ =	shalt  }
0x46: {  	_ =	shalt  }
0x47: {  	_ =	shalt  }
0x48: {  	_ =	shalt  }
0x49: {  	_ =	shalt  }
0x4a: {  	_ =	shalt  }
0x4b: {  	_ =	shalt  }
0x4c: {  	_ =	shalt  }
0x4d: {  	_ =	shalt  }
0x4e: {  	_ =	shalt  }
0x4f: {  	_ =	shalt  }
0x50: {  	_ =	shalt  }
0x51: {  	_ =	shalt  }
0x52: {  	_ =	shalt  }
0x53: {  	_ =	shalt  }
0x54: {  	_ =	shalt  }
0x55: {  	_ =	shalt  }
0x56: {  	_ =	shalt  }
0x57: {  	_ =	shalt  }
0x58: {  	_ =	shalt  }
0x59: {  	_ =	shalt  }
0x5a: {  	_ =	shalt  }
0x5b: {  	_ =	shalt  }
0x5c: {  	_ =	shalt  }
0x5d: {  	_ =	shalt  }
0x5e: {  	_ =	shalt  }
0x5f: {  	_ =	shalt  }
0x60: {  	_ =	shalt  }
0x61: {  	_ =	shalt  }
0x62: {  	_ =	shalt  }
0x63: {  	_ =	shalt  }
0x64: {  	_ =	shalt  }
0x65: {  	_ =	shalt  }
0x66: {  	_ =	shalt  }
0x67: {  	_ =	shalt  }
0x68: {  	_ =	shalt  }
0x69: {  	_ =	shalt  }
0x6a: {  	_ =	shalt  }
0x6b: {  	_ =	shalt  }
0x6c: {  	_ =	shalt  }
0x6d: {  	_ =	shalt  }
0x6e: {  	_ =	shalt  }
0x6f: {  	_ =	shalt  }
0x70: {  	_ =	shalt  }
0x71: {  	_ =	shalt  }
0x72: {  	_ =	shalt  }
0x73: {  	_ =	shalt  }
0x74: {  	_ =	shalt  }
0x75: {  	_ =	shalt  }
0x76: {  	_ =	shalt  }
0x77: {  	_ =	shalt  }
0x78: {  	_ =	shalt  }
0x79: {  	_ =	shalt  }
0x7a: {  	_ =	shalt  }
0x7b: {  	_ =	shalt  }
0x7c: {  	_ =	shalt  }
0x7d: {  	_ =	shalt  }
0x7e: {  	_ =	shalt  }
0x7f: {  	_ =	shalt  }
0x80: {  	_ =	shalt  }
0x81: {  	_ =	shalt  }
0x82: {  	_ =	shalt  }
0x83: {  	_ =	shalt  }
0x84: {  	_ =	shalt  }
0x85: {  	_ =	shalt  }
0x86: {  	_ =	shalt  }
0x87: {  	_ =	shalt  }
.Lfunc_end0:
.L_simem_size_0:
called_computation_lowered:
.L_overlay_start_0:
0x88: {  	s2 =	sld [smem:$0x3FD9]  }
0x89: {  	s3 =	sld [smem:$0x3FFE];
	_ =	sdelay $0x1  }
0x8a: {  	s1 =	srdreg.scid  }
0x8b: {  	s0 =	sand.u32 $0x1, s1  }
0x8c: {  	s17 =	sshll.u32 s0, $0xA;
	s2 =	sadd.s32 s3, s2  }
0x8d: {  	s2 =	sadd.s32 s2, s17  }
0x8e: {  	[smem:$0x3FB2] =	sst s2  }
0x8f: {  	_ = 	snop  }
0x90: {  	s2 =	sld [smem:$0x3FC8];
	(tm) =	ssettm $0x1  }
0x91: {  	s18 =	sld [smem:$0x3FFB];
	_ =	sdelay $0x3  }
0x92: {  	_ =	strace s18  }
0x93: {  	s3 =	sld [smem:$0x3FFC];
	_ =	sdelay $0x3  }
0x94: {  	_ =	strace s3  }
0x95: {  	s3 =	sld [smem:$0x3FFD];
	_ =	sdelay $0x3  }
0x96: {  	_ =	strace s3  }
0x97: {  	_ =	strace $0x8FFFFFFF  }
0x98: {  	s19 =	sld [smem:$0x3FDB];
	_ =	sdelay $0x1  }
0x99: {  	s4 =	simm.s32 $_scs_section_size  }
0x9a: {  	s5 =	simm.s32 $_size__tile_overlayer_lowered;
	s6 =	simm.s32 $_tile_overlayer_lowered  }
0x9b: {  	s22 =	simm.s32 $0x1BFF;
	s21 =	sshll.u32 s6, $0x1;
	s3 =	sadd.s32 s4, s19  }
0x9c: {  	s7 =	simm.s32 $0x0;
	s20 =	sshll.u32 s5, $0x1;
	s5 =	sadd.s32 s21, s3  }
0x9d: {  	[timem:s7], [sflag:s22] =	dma.local [hbm:s5], s20  }
0x9e: {  	_ =	swait.ge [sflag:s22], s20  }
0x9f: {  	s4 =	ssub.s32 $0x0, s20;
	[sflag:s22] =	ssyncset.done $0x0  }
0xa0: {  	[sflag:s22] =	ssyncadd.s32 s4;
	_ =	sdelay $0x1  }
0xa1: {  	s23 =	simm.s32 $0x1B8B  }
0xa2: {  	_ =	swait.ge [sflag:s23], $0x1  }
0xa3: {  	[sflag:s23] =	ssyncset.done $0x0  }
0xa4: {  	s25 =	simm.s32 $0x1B8E;
	s24 =	sld [smem:$0x3FFE];
	[sflag:s23] =	ssyncadd.s32 $0xFFFFFFFF  }
0xa5: {  	s26 =	simm.s32 $execute0_lowered;
	[smem:$0x3FD2] =	sst s25  }
0xa6: {  	s5 =	sshll.u32 s26, $0x1;
	_ =	strace $0x80000046;
	[dreg:$0x1] =	wrdreg $0xFFFFFFFF  }
0xa7: {  	s28 =	simm.s32 $_size_execute0_lowered;
	s3 =	sadd.s32 s3, s5;
	[dreg:$0x0] =	wrdreg $0x0  }
0xa8: {  	s5 =	sshll.u32 s28, $0x1;
	[dreg:$0x2] =	wrdreg s3  }
0xa9: {  	[dreg:$0x3] =	wrdreg s5  }
0xaa: {  	[dreg:$0x4] =	wrdreg $0xC0  }
0xab: {  	_ =	task [dreg:s7], $0x5FFFF  }
0xac: {  	[dreg:$0x1] =	wrdreg $0xFFFFFFFF  }
0xad: {  	[dreg:$0x0] =	wrdreg $0x60  }
0xae: {  	[dreg:$0x2] =	wrdreg s2  }
0xaf: {  	[dreg:$0x3] =	wrdreg s24  }
0xb0: {  	[dreg:$0x4] =	wrdreg $0x9  }
0xb1: {  	_ =	task.clear_ibuf [dreg:s7], $0x5FFFF;
	_ =	strace $0x90000046  }
0xb2: {  	s29 =	simm.s32 $0x9;
	_ =	strace $0x80000048  }
0xb3: {  	_ =	swait.ge [sflag:s29], $0x1  }
0xb4: {  	[sflag:s29] =	ssyncadd.s32 $0xFFFFFFFF  }
0xb5: {  	_ =	strace $0x90000048  }
0xb6: {  	_ =	sfence  }
0xb7: {  	s30 =	sld [smem:$0x0];
	_ =	sdelay $0x2  }
0xb8: {  	s31 =	sshll.u32 s1, $0xD;
	s1 =	sshrl.u32 s1, $0x2  }
0xb9: {  	s3 =	sand.u32 $0x4000, s31;
	s1 =	sadd.s32 s1, s30  }
0xba: {  	s0 =	sor.u32 s3, s0;
	s1 =	sshll.u32 s1, $0x11  }
0xbb: {  	s0 =	sor.u32 s1, s0  }
0xbc: {  	s0 =	sadd.s32 $0x8F2B, s0  }
0xbd: {  	[sflag:s0] =	ssyncadd.remote.s32 $0x1  }
0xbe: {  	_ =	sfence.sel $0xFFFF  }
0xbf: {  	[dreg:$0x0] =	wrdreg $0xFFFFFFFF;
	(pc) =	sbr.abs _section_cstart, $3  }
0xc0: {  	[dreg:$0x1] =	wrdreg $0xFFFFFFFF  }
0xc1: {  	_ =	task.clear_ibuf [dreg:s7], $0x2FFFF;
	_ =	strace $0x9FFFFFFF  }
0xc2: {  	(tm) =	ssettm $0x7FFFFFFF  }
0xc3: {  	_ =	shalt  }
tec
execute0_lowered:
.L_overlay_start_1:
0x0: {  	(tag) =	ssettag $0x1  }
0x1: {  	s2 =	rddreg [dreg:$0x0];
	s0 =	srdreg.scid  }
0x2: {  	s4 =	rddreg [dreg:$0x1];
	s1 =	stileid.u32;
	s3 =	simm.s32 $0x0  }
0x3: {  	s5 =	sand.u32 $0x1, s0;
	s0 =	rddreg [dreg:$0x2];
	s7 =	sshll.u32 s1, $0x4  }
0x4: {  	[smem:$0x7FF] =	sst s3;
	s6 =	sshll.u32 s5, $0x8;
	s5 =	ssub.s32 $0x2, s5  }
0x5: {  	_ =	strace $0x80000047;
	s6 =	sor.u32 s7, s6;
	s8 =	sshrl.u32 s5, $0x1  }
0x6: {  	s7 =	sshll.u32 s6, $0x6;
	s5 =	ssub.s32 s5, s8;
	v0 =	vmov s6;
	s6 =	sadd.s32 $0x10, s6  }
0x7: {  	s8 =	simm.s32 $0x0;
	s4 =	sadd.s32 s7, s4;
	s5 =	smax.u32 s5, $0x1  }
0x8: {  	v2 =	vimm.f32 $0.0e+00;
	v3 =	vimm.f32 $1.000000000e+00;
	v1 =	vmov s6;
	s6 =	simm.s32 $0x1;
	s7 =	simm.s32 $0x4F00;
	s4 =	sadd.s32 $0x3000, s4  }
.LBB2_1:
0x9: {  	[tilespmem:s3], [sflag:$0x1] =	stream.linear.gather [hbm4b:s2+s3], $0x4F00, $0x38;
	[tilespmem:$0x6F00] =	vst v63  }
0xa: {  	_ =	swait.ge [sflag:s6], $0x4F00  }
0xb: {  	s9 =	sand.u32 $0x70, s3;
	s10 =	sand.u32 $0xC00, s3;
	[sflag:s6] =	ssyncset.done $0x0  }
0xc: {  	s9 =	sor.u32 s9, s10;
	[sflag:s6] =	ssyncadd.s32 $0xFFFFB100  }
0xd: {  	s11 =	simm.s32 $0x0;
	s10 =	simm.s32 $0x10;
	[tilespmem:s9+$0x4F00] =	vst v2  }
.LBB2_2:
0xe: {  	p0 =	sne.s32 s10, $0x1F0  }
.Ltmp0:
0xf: {  	_ = 	snop;
	(pc) =	sbr.rel @p0 .LBB2_2-.Ltmp0, $4  }
0x10: {  	s11 =	sadd.s32 $0x80, s11  }
0x11: {  	s9 =	sand.u32 $0x70, s10;
	s12 =	sand.u32 $0xC00, s11  }
0x12: {  	s9 =	sor.u32 s9, s12  }
0x13: {  	s10 =	sadd.s32 $0x10, s10;
	[tilespmem:s9+$0x4F00] =	vst v2;
	s9 =	simm.s32 $0x0  }
0x14: {  	s10 =	sand.u32 $0x70, s9;
	s11 =	sand.u32 $0xC00, s9  }
0x15: {  	s10 =	sor.u32 s10, s11  }
0x16: {  	s12 =	simm.s32 $0x0;
	s11 =	simm.s32 $0x10;
	[tilespmem:s10+$0x4F80] =	vst v2  }
.LBB2_4:
0x17: {  	p0 =	sne.s32 s11, $0x1F0  }
.Ltmp1:
0x18: {  	_ = 	snop;
	(pc) =	sbr.rel @p0 .LBB2_4-.Ltmp1, $4  }
0x19: {  	s12 =	sadd.s32 $0x80, s12  }
0x1a: {  	s13 =	sand.u32 $0x70, s11;
	s14 =	sand.u32 $0xC00, s12  }
0x1b: {  	s13 =	sor.u32 s13, s14  }
0x1c: {  	s11 =	sadd.s32 $0x10, s11;
	[tilespmem:s13+$0x4F80] =	vst v2  }
0x1d: {  	s11 =	simm.s32 $0x10;
	[tilespmem:s10+$0x5000] =	vst v2  }
.LBB2_6:
0x1e: {  	p0 =	sne.s32 s11, $0x1F0  }
.Ltmp2:
0x1f: {  	_ = 	snop;
	(pc) =	sbr.rel @p0 .LBB2_6-.Ltmp2, $4  }
0x20: {  	s9 =	sadd.s32 $0x80, s9  }
0x21: {  	s10 =	sand.u32 $0x70, s11;
	s12 =	sand.u32 $0xC00, s9  }
0x22: {  	s10 =	sor.u32 s10, s12  }
0x23: {  	s11 =	sadd.s32 $0x10, s11;
	[tilespmem:s10+$0x5000] =	vst v2;
	s10 =	simm.s32 $0x0  }
0x24: {  	s9 =	sand.u32 $0x70, s10;
	s11 =	sand.u32 $0xC00, s10  }
0x25: {  	s9 =	sor.u32 s9, s11  }
0x26: {  	s12 =	simm.s32 $0x0;
	s11 =	simm.s32 $0x10;
	[tilespmem:s9+$0x5080] =	vst v2  }
.LBB2_8:
0x27: {  	p0 =	sne.s32 s11, $0x1F0  }
.Ltmp3:
0x28: {  	_ = 	snop;
	(pc) =	sbr.rel @p0 .LBB2_8-.Ltmp3, $4  }
0x29: {  	s12 =	sadd.s32 $0x80, s12  }
0x2a: {  	s13 =	sand.u32 $0x70, s11;
	s14 =	sand.u32 $0xC00, s12  }
0x2b: {  	s13 =	sor.u32 s13, s14  }
0x2c: {  	s11 =	sadd.s32 $0x10, s11;
	[tilespmem:s13+$0x5080] =	vst v2  }
0x2d: {  	s12 =	simm.s32 $0x10;
	[tilespmem:s9+$0x5100] =	vst v2  }
.LBB2_10:
0x2e: {  	p0 =	sne.s32 s12, $0x1F0  }
.Ltmp4:
0x2f: {  	_ = 	snop;
	(pc) =	sbr.rel @p0 .LBB2_10-.Ltmp4, $4  }
0x30: {  	s10 =	sadd.s32 $0x80, s10  }
0x31: {  	s9 =	sand.u32 $0x70, s12;
	s11 =	sand.u32 $0xC00, s10  }
0x32: {  	s9 =	sor.u32 s9, s11  }
0x33: {  	s12 =	sadd.s32 $0x10, s12;
	s11 =	simm.s32 $0x0;
	[tilespmem:s9+$0x5100] =	vst v2  }
0x34: {  	s9 =	sand.u32 $0x70, s11;
	s10 =	sand.u32 $0xC00, s11  }
0x35: {  	s9 =	sor.u32 s9, s10  }
0x36: {  	s12 =	simm.s32 $0x0;
	s10 =	simm.s32 $0x10;
	[tilespmem:s9+$0x5180] =	vst v2  }
.LBB2_12:
0x37: {  	p0 =	sne.s32 s10, $0x1F0  }
.Ltmp5:
0x38: {  	_ = 	snop;
	(pc) =	sbr.rel @p0 .LBB2_12-.Ltmp5, $4  }
0x39: {  	s12 =	sadd.s32 $0x80, s12  }
0x3a: {  	s13 =	sand.u32 $0x70, s10;
	s14 =	sand.u32 $0xC00, s12  }
0x3b: {  	s13 =	sor.u32 s13, s14  }
0x3c: {  	s10 =	sadd.s32 $0x10, s10;
	[tilespmem:s13+$0x5180] =	vst v2  }
0x3d: {  	s10 =	simm.s32 $0x10;
	[tilespmem:s9+$0x5200] =	vst v2  }
.LBB2_14:
0x3e: {  	p0 =	sne.s32 s10, $0x1F0  }
.Ltmp6:
0x3f: {  	_ = 	snop;
	(pc) =	sbr.rel @p0 .LBB2_14-.Ltmp6, $4  }
0x40: {  	s11 =	sadd.s32 $0x80, s11  }
0x41: {  	s9 =	sand.u32 $0x70, s10;
	s12 =	sand.u32 $0xC00, s11  }
0x42: {  	s9 =	sor.u32 s9, s12  }
0x43: {  	s10 =	sadd.s32 $0x10, s10;
	[tilespmem:s9+$0x5200] =	vst v2;
	s9 =	simm.s32 $0x0  }
0x44: {  	s11 =	sor.u32 s9, s9  }
0x45: {  	s10 =	simm.s32 $0x10;
	s12 =	sor.u32 $0x380, s11;
	s11 =	simm.s32 $0x0  }
.LBB2_16:
0x46: {  	p0 =	sne.s32 s10, $0x1F0  }
0x47: {  	[tilespmem:s12+$0x4F00] =	vst v2;
	s11 =	sadd.s32 $0x80, s11;
	s12 =	smov.u32 s10;
	s10 =	sadd.s32 $0x10, s10  }
.Ltmp7:
0x48: {  	(pc) =	sbr.rel @p0 .LBB2_16-.Ltmp7, $3  }
0x49: {  	_ =	sdelay $0x1  }
0x4a: {  	s12 =	sor.u32 s11, s12  }
0x4b: {  	s12 =	sor.u32 $0x380, s12  }
0x4c: {  	s10 =	sand.u32 $0x70, s9;
	s11 =	sand.u32 $0xC00, s9  }
0x4d: {  	[tilespmem:s12+$0x4F00] =	vst v2;
	s10 =	sor.u32 s10, s11  }
0x4e: {  	s11 =	simm.s32 $0x10;
	[tilespmem:s10+$0x5F00] =	vst v2  }
.LBB2_18:
0x4f: {  	p0 =	sne.s32 s11, $0x1F0  }
.Ltmp8:
0x50: {  	_ = 	snop;
	(pc) =	sbr.rel @p0 .LBB2_18-.Ltmp8, $4  }
0x51: {  	s9 =	sadd.s32 $0x80, s9  }
0x52: {  	s10 =	sand.u32 $0x70, s11;
	s12 =	sand.u32 $0xC00, s9  }
0x53: {  	s10 =	sor.u32 s10, s12  }
0x54: {  	s11 =	sadd.s32 $0x10, s11;
	[tilespmem:s10+$0x5F00] =	vst v2;
	s10 =	simm.s32 $0x0  }
0x55: {  	s9 =	sand.u32 $0x70, s10;
	s11 =	sand.u32 $0xC00, s10  }
0x56: {  	s9 =	sor.u32 s9, s11  }
0x57: {  	s12 =	simm.s32 $0x0;
	s11 =	simm.s32 $0x10;
	[tilespmem:s9+$0x5F80] =	vst v2  }
.LBB2_20:
0x58: {  	p0 =	sne.s32 s11, $0x1F0  }
.Ltmp9:
0x59: {  	_ = 	snop;
	(pc) =	sbr.rel @p0 .LBB2_20-.Ltmp9, $4  }
0x5a: {  	s12 =	sadd.s32 $0x80, s12  }
0x5b: {  	s13 =	sand.u32 $0x70, s11;
	s14 =	sand.u32 $0xC00, s12  }
0x5c: {  	s13 =	sor.u32 s13, s14  }
0x5d: {  	s11 =	sadd.s32 $0x10, s11;
	[tilespmem:s13+$0x5F80] =	vst v2  }
0x5e: {  	s11 =	simm.s32 $0x10;
	[tilespmem:s9+$0x6000] =	vst v2  }
.LBB2_22:
0x5f: {  	p0 =	sne.s32 s11, $0x1F0  }
.Ltmp10:
0x60: {  	_ = 	snop;
	(pc) =	sbr.rel @p0 .LBB2_22-.Ltmp10, $4  }
0x61: {  	s10 =	sadd.s32 $0x80, s10  }
0x62: {  	s9 =	sand.u32 $0x70, s11;
	s12 =	sand.u32 $0xC00, s10  }
0x63: {  	s9 =	sor.u32 s9, s12  }
0x64: {  	s11 =	sadd.s32 $0x10, s11;
	[tilespmem:s9+$0x6000] =	vst v2;
	s9 =	simm.s32 $0x0  }
0x65: {  	s10 =	sand.u32 $0x70, s9;
	s11 =	sand.u32 $0xC00, s9  }
0x66: {  	s10 =	sor.u32 s10, s11  }
0x67: {  	s12 =	simm.s32 $0x0;
	s11 =	simm.s32 $0x10;
	[tilespmem:s10+$0x6080] =	vst v2  }
.LBB2_24:
0x68: {  	p0 =	sne.s32 s11, $0x1F0  }
.Ltmp11:
0x69: {  	_ = 	snop;
	(pc) =	sbr.rel @p0 .LBB2_24-.Ltmp11, $4  }
0x6a: {  	s12 =	sadd.s32 $0x80, s12  }
0x6b: {  	s13 =	sand.u32 $0x70, s11;
	s14 =	sand.u32 $0xC00, s12  }
0x6c: {  	s13 =	sor.u32 s13, s14  }
0x6d: {  	s11 =	sadd.s32 $0x10, s11;
	[tilespmem:s13+$0x6080] =	vst v2  }
0x6e: {  	s11 =	simm.s32 $0x10;
	[tilespmem:s10+$0x6100] =	vst v2  }
.LBB2_26:
0x6f: {  	p0 =	sne.s32 s11, $0x1F0  }
.Ltmp12:
0x70: {  	_ = 	snop;
	(pc) =	sbr.rel @p0 .LBB2_26-.Ltmp12, $4  }
0x71: {  	s9 =	sadd.s32 $0x80, s9  }
0x72: {  	s10 =	sand.u32 $0x70, s11;
	s12 =	sand.u32 $0xC00, s9  }
0x73: {  	s10 =	sor.u32 s10, s12  }
0x74: {  	s11 =	sadd.s32 $0x10, s11;
	[tilespmem:s10+$0x6100] =	vst v2;
	s10 =	simm.s32 $0x0  }
0x75: {  	s9 =	sand.u32 $0x70, s10;
	s11 =	sand.u32 $0xC00, s10  }
0x76: {  	s9 =	sor.u32 s9, s11  }
0x77: {  	s12 =	simm.s32 $0x0;
	s11 =	simm.s32 $0x10;
	[tilespmem:s9+$0x6180] =	vst v2  }
.LBB2_28:
0x78: {  	p0 =	sne.s32 s11, $0x1F0  }
.Ltmp13:
0x79: {  	_ = 	snop;
	(pc) =	sbr.rel @p0 .LBB2_28-.Ltmp13, $4  }
0x7a: {  	s12 =	sadd.s32 $0x80, s12  }
0x7b: {  	s13 =	sand.u32 $0x70, s11;
	s14 =	sand.u32 $0xC00, s12  }
0x7c: {  	s13 =	sor.u32 s13, s14  }
0x7d: {  	s11 =	sadd.s32 $0x10, s11;
	[tilespmem:s13+$0x6180] =	vst v2  }
0x7e: {  	s11 =	simm.s32 $0x10;
	[tilespmem:s9+$0x6200] =	vst v2  }
.LBB2_30:
0x7f: {  	p0 =	sne.s32 s11, $0x1F0  }
.Ltmp14:
0x80: {  	_ = 	snop;
	(pc) =	sbr.rel @p0 .LBB2_30-.Ltmp14, $4  }
0x81: {  	s10 =	sadd.s32 $0x80, s10  }
0x82: {  	s9 =	sand.u32 $0x70, s11;
	s12 =	sand.u32 $0xC00, s10  }
0x83: {  	s9 =	sor.u32 s9, s12  }
0x84: {  	s11 =	sadd.s32 $0x10, s11;
	[tilespmem:s9+$0x6200] =	vst v2;
	s9 =	simm.s32 $0x0  }
0x85: {  	s10 =	sand.u32 $0x70, s9;
	s11 =	sand.u32 $0xC00, s9  }
0x86: {  	s12 =	sor.u32 s10, s11  }
0x87: {  	s11 =	simm.s32 $0x10;
	[tilespmem:s12+$0x6280] =	vst v2;
	s12 =	simm.s32 $0x0  }
.LBB2_32:
0x88: {  	p0 =	sne.s32 s11, $0x1F0  }
.Ltmp15:
0x89: {  	_ = 	snop;
	(pc) =	sbr.rel @p0 .LBB2_32-.Ltmp15, $4  }
0x8a: {  	s12 =	sadd.s32 $0x80, s12  }
0x8b: {  	s13 =	sand.u32 $0x70, s11;
	s14 =	sand.u32 $0xC00, s12  }
0x8c: {  	s13 =	sor.u32 s13, s14  }
0x8d: {  	s11 =	sadd.s32 $0x10, s11;
	[tilespmem:s13+$0x6280] =	vst v2  }
0x8e: {  	s9 =	sand.u32 $0x7F00, s9  }
0x8f: {  	s9 =	sor.u32 s10, s9  }
0x90: {  	v4 =	vld [tilespmem:s9+$0x80];
	_ =	sdelay $0x2  }
0x91: {  	v5 =	vld [tilespmem:s9+$0x0];
	_ =	sdelay $0x1  }
0x92: {  	vm0 =	vge.s32 v4, v0;
	vm1 =	vlt.s32 v4, v1  }
0x93: {  	v4 =	vsub.s32 v4, v0;
	vm0 =	vmand vm0, vm1  }
0x94: {  	v4 =	vnsel vm0, $0x0, v4  }
0x95: {  	v7 =	vshll.u32 v5, $0x3;
	v6 =	vshll.u32 v4, $0x9  }
0x96: {  	v7 =	vand.u32 $0xFFFFFC00, v7;
	v4 =	vshll.u32 v4, $0x7;
	v6 =	vand.u32 $0xFFFFF000, v6  }
0x97: {  	v4 =	vand.u32 $0x380, v4;
	v6 =	vadd.s32 v7, v6  }
0x98: {  	v5 =	vand.u32 $0x7F, v5;
	v4 =	vor.u32 v4, v6  }
0x99: {  	v4 =	vor.u32 v5, v4;
	_ =	sdelay $0x2  }
0x9a: {  	s31 =	simm.s32 $0x10;
	s9 =	simm.s32 $0x20  }
0x9b: {  	s11 =	sand.u32 $0x70, s31;
	s10 =	simm.s32 $0x20;
	s12 =	sand.u32 $0x7F00, s9  }
.LBB2_34:
0x9c: {  	p0 =	sne.s32 s10, $0x2700;
	s11 =	sor.u32 s11, s12;
	[tilespmem:v4+s7+$0x0] =	vst.idx.add.f32.msk vm0, v3  }
0x9d: {  	v4 =	vld [tilespmem:s11+$0x80];
	_ =	sdelay $0x2  }
0x9e: {  	v5 =	vld [tilespmem:s11+$0x0];
	_ =	sdelay $0x1  }
0x9f: {  	vm0 =	vge.s32 v4, v0;
	vm1 =	vlt.s32 v4, v1  }
0xa0: {  	v4 =	vsub.s32 v4, v0;
	vm0 =	vmand vm0, vm1  }
0xa1: {  	v4 =	vnsel vm0, $0x0, v4  }
0xa2: {  	v6 =	vshll.u32 v4, $0x9;
	v7 =	vshll.u32 v5, $0x3  }
0xa3: {  	v4 =	vshll.u32 v4, $0x7;
	v6 =	vand.u32 $0xFFFFF000, v6;
	v7 =	vand.u32 $0xFFFFFC00, v7  }
0xa4: {  	v4 =	vand.u32 $0x380, v4;
	v6 =	vadd.s32 v7, v6  }
0xa5: {  	v5 =	vand.u32 $0x7F, v5;
	v4 =	vor.u32 v4, v6  }
.Ltmp16:
0xa6: {  	v4 =	vor.u32 v5, v4;
	(pc) =	sbr.rel @p0 .LBB2_34-.Ltmp16, $3  }
0xa7: {  	_ =	sdelay $0x1  }
0xa8: {  	s9 =	sadd.s32 $0x20, s9  }
0xa9: {  	s12 =	sand.u32 $0x7F00, s9;
	s11 =	sand.u32 $0x70, s10;
	s10 =	sadd.s32 $0x10, s10  }
0xaa: {  	_ =	sdelay $0x4  }
0xab: {  	s9 =	sor.u32 s11, s12;
	[tilespmem:v4+s7+$0x0] =	vst.idx.add.f32.msk vm0, v3  }
0xac: {  	v4 =	vld [tilespmem:s9+$0x80];
	_ =	sdelay $0x2  }
0xad: {  	v5 =	vld [tilespmem:s9+$0x0];
	_ =	sdelay $0x1  }
0xae: {  	vm15 =	vge.s32 v4, v0;
	vm1 =	vlt.s32 v4, v1  }
0xaf: {  	v4 =	vsub.s32 v4, v0;
	vm0 =	vmand vm15, vm1  }
0xb0: {  	v4 =	vnsel vm0, $0x0, v4  }
0xb1: {  	v7 =	vshll.u32 v5, $0x3;
	v6 =	vshll.u32 v4, $0x9  }
0xb2: {  	v7 =	vand.u32 $0xFFFFFC00, v7;
	v4 =	vshll.u32 v4, $0x7;
	v6 =	vand.u32 $0xFFFFF000, v6  }
0xb3: {  	v4 =	vand.u32 $0x380, v4;
	v6 =	vadd.s32 v7, v6  }
0xb4: {  	v5 =	vand.u32 $0x7F, v5;
	v4 =	vor.u32 v4, v6  }
0xb5: {  	v4 =	vor.u32 v5, v4;
	_ =	sdelay $0x2  }
0xb6: {  	s8 =	sadd.s32 $0x1, s8  }
0xb7: {  	p0 =	sne.s32 s8, s5  }
.Ltmp17:
0xb8: {  	[tilespmem:v4+s7+$0x0] =	vst.idx.add.f32.msk vm0, v3;
	(pc) =	sbr.rel @p0 .LBB2_1-.Ltmp17, $4  }
0xb9: {  	[hbm4b:s4+s3] =	stream.linear.scatter [tilespmem:s7], [sflag:$0x1], $0x2000, $0x38;
	[tilespmem:$0x6F00] =	vst v63  }
0xba: {  	_ =	swait.ge [sflag:s6], $0x2000  }
0xbb: {  	[sflag:s6] =	ssyncset.done $0x0  }
0xbc: {  	[sflag:s6] =	ssyncadd.s32 $0xFFFFE000  }
0xbd: {  	_ =	sfence.sel $0x180000  }
0xbe: {  	[bflag:$0x0] =	sbarrier.arrive $0xFFFF  }
0xbf: {  	p0 =	sne.s32 s1, $0x0;
	_ =	strace $0x90000047  }
0xc0: {  	s0 =	sadd.s32 @!p0 $0x100000, s0;
	[bflag:$0x2] =	sbarrier.arrive $0xFFFF  }
0xc1: {  	[sflag:s0] =	ssyncadd.tile.s32 @!p0 $0x1;
	_ =	shalt  }
.Lfunc_end2:
_tile_overlayer_lowered:
.L_overlay_start_2:
0xc2: {  	(tag) =	ssettag $0x2  }
0xc3: {  	s0 =	rddreg [dreg:$0x0];
	s2 =	stileid.u32  }
0xc4: {  	s1 =	rddreg [dreg:$0x1];
	p0 =	sne.s32 s2, $0x0  }
0xc5: {  	s3 =	rddreg [dreg:$0x2];
	[bflag:$0x3] =	sbarrier.arrive $0xFFFF;
	s2 =	simm.s32 @!p0 $0x1C01  }
0xc6: {  	[timem:s3], [sflag:s2] =	dma.local @!p0 [hbm:s0], s1  }
0xc7: {  	s0 =	simm.s32 @!p0 $0x1  }
0xc8: {  	_ =	swait.ge @!p0 [sflag:s0], s1  }
0xc9: {  	s1 =	ssub.s32 @!p0 $0x0, s1;
	[sflag:s0] =	ssyncset.done @!p0 $0x0  }
0xca: {  	[sflag:s0] =	ssyncadd.s32 @!p0 s1  }
0xcb: {  	[bflag:$0x3] =	sbarrier.arrive $0xFFFF  }
0xcc: {  	_ =	shalt  }

</sc_bundles>
